<compile_context>
chip_gen: v7x
topology: tpu7x:2x2x1
jax: 0.10.2.dev20260603
libtpu: 0.0.44.dev20260713+nightly
codegen_flags: <defaults>
</compile_context>

<pallas_src>
import functools

import jax
import jax.numpy as jnp
from jax import lax
from jax.experimental import pallas as pl
from jax.experimental.pallas import tpu as pltpu
from jax.experimental.pallas import tpu_sc as plsc

N = 10000
D = 256
E = 160000
B = 100
NPG = 100
K = 50

NC = 2
NS = 16
L = 16
NW = NC * NS

NP = 10240
NROWS = NP // L
EPW = E // NW
FULL_ITERS = EPW // L

GROWS = 5120 // L
BPW = 5120 // NW


def _iota16():
    return lax.broadcasted_iota(jnp.int32, (L,), 0)


def _zero_flat(acc_ref, n):
    z = jnp.zeros((L,), jnp.float32)

    def body(i, _):
        acc_ref[pl.ds(i * L, L)] = z
        return 0

    lax.fori_loop(0, n // L, body, 0)


def _tree_reduce(sid, cid, acc_ref, shared_ref, tmp_ref, out_hbm, n):
    chunk = n // NS
    pltpu.sync_copy(acc_ref, shared_ref.at[sid])
    plsc.subcore_barrier()
    lo = sid * chunk
    pltpu.sync_copy(shared_ref.at[0, pl.ds(lo, chunk)], acc_ref.at[pl.ds(0, chunk)])
    for t in range(1, NS):
        pltpu.sync_copy(shared_ref.at[t, pl.ds(lo, chunk)], tmp_ref)

        def body(i, _):
            acc_ref[pl.ds(i * L, L)] = acc_ref[pl.ds(i * L, L)] + tmp_ref[pl.ds(i * L, L)]
            return 0

        lax.fori_loop(0, chunk // L, body, 0)
    pltpu.sync_copy(acc_ref.at[pl.ds(0, chunk)], out_hbm.at[cid, pl.ds(lo, chunk)])


@functools.partial(
    pl.kernel,
    out_type=jax.ShapeDtypeStruct((NC, 2 * NP), jnp.float32),
    mesh=plsc.VectorSubcoreMesh(core_axis_name="c", subcore_axis_name="s",
                                num_cores=NC, num_subcores=NS),
    compiler_params=pltpu.CompilerParams(needs_layout_passes=False),
    scratch_types=[
        pltpu.VMEM((EPW,), jnp.int32),
        pltpu.VMEM((EPW,), jnp.int32),
        pltpu.VMEM((2 * NP,), jnp.float32),
        pltpu.VMEM((2 * NP // NS,), jnp.float32),
        pltpu.VMEM_SHARED((NS, 2 * NP), jnp.float32),
    ],
)
def _sc_degrees(src_hbm, dst_hbm, out_hbm, src_v, dst_v, acc_v, tmp_v,
                shared_v):
    cid = lax.axis_index("c")
    sid = lax.axis_index("s")
    wid = sid * NC + cid
    base = wid * EPW

    pltpu.sync_copy(src_hbm.at[pl.ds(base, EPW)], src_v)
    pltpu.sync_copy(dst_hbm.at[pl.ds(base, EPW)], dst_v)

    _zero_flat(acc_v, 2 * NP)

    ones = jnp.ones((L,), jnp.float32)

    def step(off, mask):
        s16 = src_v[pl.ds(off, L)]
        d16 = dst_v[pl.ds(off, L)]
        plsc.addupdate_scatter(acc_v, [s16], ones, mask=mask)
        plsc.addupdate_scatter(acc_v, [d16 + NP], ones, mask=mask)

    def body(i, _):
        step(i * L, None)
        return 0

    lax.fori_loop(0, FULL_ITERS, body, 0)
    step(EPW - L, _iota16() >= L - (EPW - FULL_ITERS * L))

    _tree_reduce(sid, cid, acc_v, shared_v, tmp_v, out_hbm, 2 * NP)


@functools.partial(
    pl.kernel,
    out_type=jax.ShapeDtypeStruct((NC, NP), jnp.float32),
    mesh=plsc.VectorSubcoreMesh(core_axis_name="c", subcore_axis_name="s",
                                num_cores=NC, num_subcores=NS),
    compiler_params=pltpu.CompilerParams(needs_layout_passes=False),
    scratch_types=[
        pltpu.VMEM((EPW,), jnp.int32),
        pltpu.VMEM((EPW,), jnp.int32),
        pltpu.VMEM((N,), jnp.float32),
        pltpu.VMEM((NP,), jnp.float32),
        pltpu.VMEM((NP // NS,), jnp.float32),
        pltpu.VMEM_SHARED((NS, NP), jnp.float32),
    ],
)
def _sc_aggregate(src_hbm, dst_hbm, y_hbm, out_hbm, src_v, dst_v, y_v, acc_v,
                  tmp_v, shared_v):
    cid = lax.axis_index("c")
    sid = lax.axis_index("s")
    wid = sid * NC + cid
    base = wid * EPW

    pltpu.sync_copy(src_hbm.at[pl.ds(base, EPW)], src_v)
    pltpu.sync_copy(dst_hbm.at[pl.ds(base, EPW)], dst_v)
    pltpu.sync_copy(y_hbm, y_v)

    _zero_flat(acc_v, NP)

    def step(off, mask):
        s16 = src_v[pl.ds(off, L)]
        d16 = dst_v[pl.ds(off, L)]
        vals = plsc.load_gather(y_v, [s16], mask=mask)
        plsc.addupdate_scatter(acc_v, [d16], vals, mask=mask)

    def body(i, _):
        step(i * L, None)
        return 0

    lax.fori_loop(0, FULL_ITERS, body, 0)
    step(EPW - L, _iota16() >= L - (EPW - FULL_ITERS * L))

    _tree_reduce(sid, cid, acc_v, shared_v, tmp_v, out_hbm, NP)


@functools.partial(
    pl.kernel,
    out_type=jax.ShapeDtypeStruct((NW * BPW, D), jnp.float32),
    mesh=plsc.VectorSubcoreMesh(core_axis_name="c", subcore_axis_name="s",
                                num_cores=NC, num_subcores=NS),
    compiler_params=pltpu.CompilerParams(needs_layout_passes=False),
    scratch_types=[
        pltpu.VMEM((2, 80), jnp.int32),
        pltpu.VMEM((BPW,), jnp.float32),
        pltpu.VMEM((BPW, D), jnp.float32),
        pltpu.SemaphoreType.DMA,
    ],
)
def _sc_gather_scale(table_hbm, idx_hbm, scale_hbm, out_hbm, idx_v, scale_v,
                     rows_v, sem):
    cid = lax.axis_index("c")
    sid = lax.axis_index("s")
    wid = sid * NC + cid
    base = wid * BPW

    pltpu.sync_copy(idx_hbm.at[pl.ds(wid * 2, 2)], idx_v)
    pltpu.sync_copy(scale_hbm.at[pl.ds(base, BPW)], scale_v)

    cp0 = pltpu.async_copy(table_hbm.at[idx_v.at[0]],
                           rows_v.at[pl.ds(0, 80)], sem)
    cp1 = pltpu.async_copy(table_hbm.at[idx_v.at[1]],
                           rows_v.at[pl.ds(80, 80)], sem)
    cp0.wait()
    cp1.wait()

    def body(i, _):
        s = plsc.load_gather(scale_v, [jnp.full((L,), i, jnp.int32)])
        for c in range(D // L):
            rows_v[i, pl.ds(c * L, L)] = rows_v[i, pl.ds(c * L, L)] * s
        return 0

    lax.fori_loop(0, BPW, body, 0)

    pltpu.sync_copy(rows_v, out_hbm.at[pl.ds(base, BPW)])


def _tc_y_body(x_ref, w_ref, deg_ref, y_ref):
    xw = jnp.dot(x_ref[...], w_ref[...], preferred_element_type=jnp.float32)
    d = deg_ref[0] + deg_ref[1]
    y_ref[...] = xw * lax.rsqrt(jnp.maximum(d, 1.0))


def _tc_y(feature, W, deg_src):
    blk = 1000
    return pl.pallas_call(
        _tc_y_body,
        grid=(N // blk,),
        in_specs=[
            pl.BlockSpec((blk, D), lambda i: (i, 0)),
            pl.BlockSpec((D, 1), lambda i: (0, 0)),
            pl.BlockSpec((2, blk, 1), lambda i: (0, i, 0)),
        ],
        out_specs=pl.BlockSpec((blk, 1), lambda i: (i, 0)),
        out_shape=jax.ShapeDtypeStruct((N, 1), jnp.float32),
    )(feature, W, deg_src)


def _tc_rank_body(agg_ref, din_ref, b_ref, perm_ref, scale_ref):
    s = (agg_ref[0] + agg_ref[1]) * lax.rsqrt(
        jnp.maximum(din_ref[0] + din_ref[1], 1.0)) + b_ref[0, 0]
    i_iota = lax.broadcasted_iota(jnp.int32, (B, NPG, NPG), 1)
    j_iota = lax.broadcasted_iota(jnp.int32, (B, NPG, NPG), 2)
    s_i = s[:, :, None]
    s_j = s[:, None, :]
    before = (s_j > s_i) | ((s_j == s_i) & (j_iota < i_iota))
    rank = jnp.sum(before.astype(jnp.int32), axis=2)
    r_iota = lax.broadcasted_iota(jnp.int32, (B, NPG, K), 2)
    m = rank[:, :, None] == r_iota
    col = lax.broadcasted_iota(jnp.int32, (B, NPG, K), 1)
    row = lax.broadcasted_iota(jnp.int32, (B, K), 0)
    perm_ref[...] = jnp.sum(jnp.where(m, col, 0), axis=1) + row * NPG
    ssel = jnp.sum(jnp.where(m, s[:, :, None], 0.0), axis=1)
    scale_ref[...] = jnp.tanh(ssel)


def _tc_rank(agg3, din3, b2):
    return pl.pallas_call(
        _tc_rank_body,
        out_shape=(jax.ShapeDtypeStruct((B, K), jnp.int32),
                   jax.ShapeDtypeStruct((B, K), jnp.float32)),
    )(agg3, din3, b2)


def kernel(feature, edge_index, num_nodes, W, b):
    src = edge_index[0]
    dst = edge_index[1]

    deg2 = _sc_degrees(src, dst)
    deg_src = deg2[:, :N].reshape(NC, N, 1)
    din3 = deg2[:, NP:NP + N].reshape(NC, B, NPG)

    y = _tc_y(feature, W, deg_src).reshape(N)

    aggp = _sc_aggregate(src, dst, y)
    agg3 = aggp[:, :N].reshape(NC, B, NPG)

    perm2, scale2 = _tc_rank(agg3, din3, b.reshape(1, 1))
    permf = perm2.reshape(-1)

    pad = NW * BPW - B * K
    idx_pad = jnp.concatenate(
        [permf, jnp.zeros((pad,), jnp.int32)]).reshape(NW * 2, 80)
    scale_pad = jnp.concatenate(
        [scale2.reshape(-1), jnp.zeros((pad,), jnp.float32)])

    gathered = _sc_gather_scale(feature, idx_pad, scale_pad)
    feat_out = gathered[:B * K]

    k = jnp.ceil(0.5 * num_nodes.astype(jnp.float32)).astype(jnp.int32)
    return feat_out, permf, k

# --- scband reference (transcript-rebuilt; emitter-appended) ---
"""Pipeline reference for scband-oriented-pool-15195594293505 (READ-ONLY COPY).

The authoritative reference and input builder live on the scoring server;
editing this copy changes nothing except your own understanding.
"""

import jax, jax.numpy as jnp
import numpy as np

N = 10000
B = 100
NPG = 100  # nodes per graph (constant-size batch of graphs)
E = 160000
D = 256
RATIO = 0.5


def setup_inputs(seed: int = 0) -> dict:
    key = jax.random.key(seed)
    k1, k2, k3 = jax.random.split(key, 3)
    feature = jax.random.normal(k1, (N, D), dtype=jnp.float32)
    edge_index = jax.random.randint(k2, (2, E), 0, N, dtype=jnp.int32)
    # GraphConv(in_dim, 1) parameters
    W = (jax.random.normal(k3, (D, 1), dtype=jnp.float32) * 0.05)
    b = jnp.zeros((1,), dtype=jnp.float32)
    # batch_num_nodes: 100 graphs of 100 nodes each (sums to N)
    num_nodes = np.full((B,), NPG, dtype=np.int64)
    return {"feature": feature, "edge_index": edge_index, "num_nodes": num_nodes, "W": W, "b": b}


def reference(feature, edge_index, num_nodes, W, b):
    Ntot = feature.shape[0]
    src = edge_index[0]
    dst = edge_index[1]
    # DGL GraphConv with norm='both': D_dst^{-1/2} A D_src^{-1/2} X W + b
    out_deg = jnp.zeros((Ntot,), jnp.float32).at[src].add(1.0)
    in_deg = jnp.zeros((Ntot,), jnp.float32).at[dst].add(1.0)
    norm_src = jax.lax.rsqrt(jnp.clip(out_deg, 1.0, None))
    norm_dst = jax.lax.rsqrt(jnp.clip(in_deg, 1.0, None))
    xw = feature @ W  # [N, 1]
    msg = xw[src] * norm_src[src][:, None]
    agg = jnp.zeros_like(xw).at[dst].add(msg)
    score = (agg * norm_dst[:, None] + b).reshape(-1)  # squeeze -> [N]
    # ---- topk pooling (faithful to torch topk helper) ----
    Bsz = int(num_nodes.shape[0])
    npg = Ntot // Bsz  # static: setup_inputs always passes equal-sized graphs
    nn_np = np.full((Bsz,), npg, dtype=np.int64)
    maxn = int(nn_np.max())
    cum_np = np.concatenate([np.zeros(1, np.int64), np.cumsum(nn_np)[:-1]]).astype(np.int64)
    batch_id = np.repeat(np.arange(Bsz, dtype=np.int64), nn_np)
    index = np.arange(Ntot, dtype=np.int64) - cum_np[batch_id] + batch_id * maxn
    dense = jnp.full((Bsz * maxn,), jnp.finfo(jnp.float32).min, dtype=jnp.float32)
    dense = dense.at[jnp.asarray(index)].set(score)
    dense = dense.reshape(Bsz, maxn)
    perm = jnp.argsort(-dense, axis=-1)  # descending sort indices
    cum = jnp.concatenate([jnp.zeros((1,), num_nodes.dtype), jnp.cumsum(num_nodes)[:-1]])
    perm = perm + cum[:, None]
    perm = perm.reshape(-1)
    k_np = np.ceil(RATIO * nn_np.astype(np.float64)).astype(np.int64)
    mask = np.concatenate([np.arange(int(k_np[i]), dtype=np.int64) + i * maxn for i in range(Bsz)])
    perm = perm[jnp.asarray(mask)]
    feat_out = feature[perm] * jnp.tanh(score[perm])[:, None]
    k = jnp.ceil(RATIO * num_nodes.astype(jnp.float64)).astype(jnp.int64)
    return feat_out, perm, k

if __name__ == "__main__":
    import jax
    _d = setup_inputs()
    print(jax.jit(kernel)(*tuple(_d.values())))

</pallas_src>

<mosaic_0001>
#map = affine_map<(d0, d1) -> (0)>
#map1 = affine_map<(d0, d1) -> (0, 0)>
module attributes {stable_mosaic.version = 14 : i64} {
  func.func @_sc_degrees(%arg0: i32, %arg1: i32, %arg2: memref<160000xi32, #tpu.memory_space<hbm>>, %arg3: memref<160000xi32, #tpu.memory_space<hbm>>, %arg4: memref<2x20480xf32, #tpu.memory_space<hbm>>, %arg5: memref<5000xi32, #tpu.memory_space<vmem>>, %arg6: memref<5000xi32, #tpu.memory_space<vmem>>, %arg7: memref<20480xf32, #tpu.memory_space<vmem>>, %arg8: memref<1280xf32, #tpu.memory_space<vmem>>, %arg9: memref<16x20480xf32, #tpu.memory_space<vmem_shared>>) attributes {dimension_semantics = [#tpu.dimension_semantics<core_parallel>, #tpu.dimension_semantics<subcore_parallel>], iteration_bounds = array<i64: 2, 16>, scalar_prefetch = 0 : i64, scratch_operands = 5 : i64, tpu.core_type = #tpu.core_type<sc_vector_subcore>, window_params = [{transform_indices = #map}, {transform_indices = #map}, {transform_indices = #map1}]} {
    %mul3A = arith.constant 2 : i32
    %mul3A_0 = arith.muli %arg1, %mul3A : i32
    %add3A = arith.addi %mul3A_0, %arg0 : i32
    %mul3A_1 = arith.constant 5000 : i32
    %mul3A_2 = arith.muli %add3A, %mul3A_1 : i32
    "tpu.region"() ({
      %run_scoped3A_149 = tpu.sem_alloc : memref<!tpu.dma_semaphore, #tpu.memory_space<semaphore_mem>>
      %dma_start3A = tpu.memref_slice %arg2[%mul3A_2] : memref<160000xi32, #tpu.memory_space<hbm>> -> memref<5000xi32, #tpu.memory_space<hbm>>
      %dma_start3A_150 = tpu.memref_slice %arg2[%mul3A_2] : memref<160000xi32, #tpu.memory_space<hbm>> -> memref<5000xi32, #tpu.memory_space<hbm>>
      tpu.enqueue_dma source(%dma_start3A_150 : memref<5000xi32, #tpu.memory_space<hbm>>) target(%arg5 : memref<5000xi32, #tpu.memory_space<vmem>>) target_semaphore(%run_scoped3A_149 : memref<!tpu.dma_semaphore, #tpu.memory_space<semaphore_mem>>)
      %dma_wait3A = tpu.memref_slice %arg2[%mul3A_2] : memref<160000xi32, #tpu.memory_space<hbm>> -> memref<5000xi32, #tpu.memory_space<hbm>>
      %dma_wait3A_151 = tpu.memref_slice %arg2[%mul3A_2] : memref<160000xi32, #tpu.memory_space<hbm>> -> memref<5000xi32, #tpu.memory_space<hbm>>
      tpu.wait_dma2 semaphore(%run_scoped3A_149 : memref<!tpu.dma_semaphore, #tpu.memory_space<semaphore_mem>>) src(%dma_wait3A_151 : memref<5000xi32, #tpu.memory_space<hbm>>) dst(%arg5 : memref<5000xi32, #tpu.memory_space<vmem>>)
      tpu.yield
    }) : () -> ()
    "tpu.region"() ({
      %run_scoped3A_149 = tpu.sem_alloc : memref<!tpu.dma_semaphore, #tpu.memory_space<semaphore_mem>>
      %dma_start3A = tpu.memref_slice %arg3[%mul3A_2] : memref<160000xi32, #tpu.memory_space<hbm>> -> memref<5000xi32, #tpu.memory_space<hbm>>
      %dma_start3A_150 = tpu.memref_slice %arg3[%mul3A_2] : memref<160000xi32, #tpu.memory_space<hbm>> -> memref<5000xi32, #tpu.memory_space<hbm>>
      tpu.enqueue_dma source(%dma_start3A_150 : memref<5000xi32, #tpu.memory_space<hbm>>) target(%arg6 : memref<5000xi32, #tpu.memory_space<vmem>>) target_semaphore(%run_scoped3A_149 : memref<!tpu.dma_semaphore, #tpu.memory_space<semaphore_mem>>)
      %dma_wait3A = tpu.memref_slice %arg3[%mul3A_2] : memref<160000xi32, #tpu.memory_space<hbm>> -> memref<5000xi32, #tpu.memory_space<hbm>>
      %dma_wait3A_151 = tpu.memref_slice %arg3[%mul3A_2] : memref<160000xi32, #tpu.memory_space<hbm>> -> memref<5000xi32, #tpu.memory_space<hbm>>
      tpu.wait_dma2 semaphore(%run_scoped3A_149 : memref<!tpu.dma_semaphore, #tpu.memory_space<semaphore_mem>>) src(%dma_wait3A_151 : memref<5000xi32, #tpu.memory_space<hbm>>) dst(%arg6 : memref<5000xi32, #tpu.memory_space<vmem>>)
      tpu.yield
    }) : () -> ()
    %broadcast_in_dim3A = arith.constant 0.000000e+00 : f32
    %broadcast_in_dim3A_3 = vector.broadcast %broadcast_in_dim3A : f32 to vector<16xf32>
    %scan3A = arith.constant 0 : i32
    %scan3A_4 = arith.constant 0 : i32
    %scan3A_5 = arith.constant 1280 : i32
    %scan3A_6 = arith.addi %scan3A_4, %scan3A_5 : i32
    %scan3A_7 = arith.constant 1 : i32
    %scan3A_8 = scf.for %scan3A_149 = %scan3A_4 to %scan3A_6 step %scan3A_7 iter_args(%scan3A_150 = %scan3A) -> (i32)  : i32 {
      %mul3A_151 = arith.constant 16 : i32
      %mul3A_152 = arith.muli %scan3A_149, %mul3A_151 : i32
      %swap3A = arith.index_cast %mul3A_152 : i32 to index
      %swap3A_153 = tpu.vector_load %arg7[%swap3A] {strides = array<i32>} : memref<20480xf32, #tpu.memory_space<vmem>>, vector<16xf32>,
      tpu.vector_store %arg7[%swap3A], %broadcast_in_dim3A_3 {strides = array<i32>} : memref<20480xf32, #tpu.memory_space<vmem>>, vector<16xf32>,
      %scan3A_154 = arith.constant 0 : i32
      scf.yield %scan3A_154 : i32
    }
    %scan3A_9 = arith.constant 1280 : i32
    %broadcast_in_dim3A_10 = arith.constant 1.000000e+00 : f32
    %broadcast_in_dim3A_11 = vector.broadcast %broadcast_in_dim3A_10 : f32 to vector<16xf32>
    %scan3A_12 = arith.constant 0 : i32
    %scan3A_13 = arith.constant 0 : i32
    %scan3A_14 = arith.constant 312 : i32
    %scan3A_15 = arith.addi %scan3A_13, %scan3A_14 : i32
    %scan3A_16 = arith.constant 1 : i32
    %scan3A_17 = scf.for %scan3A_149 = %scan3A_13 to %scan3A_15 step %scan3A_16 iter_args(%scan3A_150 = %scan3A_12) -> (i32)  : i32 {
      %mul3A_151 = arith.constant 16 : i32
      %mul3A_152 = arith.muli %scan3A_149, %mul3A_151 : i32
      %get3A_153 = arith.index_cast %mul3A_152 : i32 to index
      %get3A_154 = tpu.vector_load %arg5[%get3A_153] {strides = array<i32>} : memref<5000xi32, #tpu.memory_space<vmem>>, vector<16xi32>,
      %get3A_155 = arith.index_cast %mul3A_152 : i32 to index
      %get3A_156 = tpu.vector_load %arg6[%get3A_155] {strides = array<i32>} : memref<5000xi32, #tpu.memory_space<vmem>>, vector<16xi32>,
      tpu.vector_store_idx %arg7[%get3A_154], %broadcast_in_dim3A_11 {add = true} : memref<20480xf32, #tpu.memory_space<vmem>>[vector<16xi32>], vector<16xf32>,
      %add3A_157 = arith.constant 10240 : i32
      %add3A_158 = vector.broadcast %add3A_157 : i32 to vector<16xi32>
      %add3A_159 = arith.addi %get3A_156, %add3A_158 : vector<16xi32>
      tpu.vector_store_idx %arg7[%add3A_159], %broadcast_in_dim3A_11 {add = true} : memref<20480xf32, #tpu.memory_space<vmem>>[vector<16xi32>], vector<16xf32>,
      %scan3A_160 = arith.constant 0 : i32
      scf.yield %scan3A_160 : i32
    }
    %scan3A_18 = arith.constant 312 : i32
    %iota3A = tpu.iota {dimensions = array<i32: 0>} : vector<16xi32>
    %ge3A = arith.constant 8 : i32
    %ge3A_19 = vector.broadcast %ge3A : i32 to vector<16xi32>
    %ge3A_20 = arith.cmpi sge, %iota3A, %ge3A_19 : vector<16xi32>
    %get3A = arith.constant 4984 : index
    %get3A_21 = tpu.vector_load %arg5[%get3A] {strides = array<i32>} : memref<5000xi32, #tpu.memory_space<vmem>>, vector<16xi32>,
    %get3A_22 = arith.constant 4984 : index
    %get3A_23 = tpu.vector_load %arg6[%get3A_22] {strides = array<i32>} : memref<5000xi32, #tpu.memory_space<vmem>>, vector<16xi32>,
    tpu.vector_store_idx %arg7[%get3A_21], %broadcast_in_dim3A_11 masked %ge3A_20 {add = true} : memref<20480xf32, #tpu.memory_space<vmem>>[vector<16xi32>], vector<16xf32>, vector<16xi1>
    %add3A_24 = arith.constant 10240 : i32
    %add3A_25 = vector.broadcast %add3A_24 : i32 to vector<16xi32>
    %add3A_26 = arith.addi %get3A_23, %add3A_25 : vector<16xi32>
    tpu.vector_store_idx %arg7[%add3A_26], %broadcast_in_dim3A_11 masked %ge3A_20 {add = true} : memref<20480xf32, #tpu.memory_space<vmem>>[vector<16xi32>], vector<16xf32>, vector<16xi1>
    "tpu.region"() ({
      %run_scoped3A_149 = tpu.sem_alloc : memref<!tpu.dma_semaphore, #tpu.memory_space<semaphore_mem>>
      %dma_start3A = arith.constant 0 : i32
      %dma_start3A_150 = tpu.memref_slice %arg9[%arg1, %dma_start3A] : memref<16x20480xf32, #tpu.memory_space<vmem_shared>> -> memref<1x20480xf32, #tpu.memory_space<vmem_shared>>
      %dma_start3A_151 = tpu.memref_squeeze %dma_start3A_150 : memref<1x20480xf32, #tpu.memory_space<vmem_shared>> -> memref<20480xf32, #tpu.memory_space<vmem_shared>>
      %dma_start3A_152 = arith.constant 0 : i32
      %dma_start3A_153 = tpu.memref_slice %arg9[%arg1, %dma_start3A_152] : memref<16x20480xf32, #tpu.memory_space<vmem_shared>> -> memref<1x20480xf32, #tpu.memory_space<vmem_shared>>
      %dma_start3A_154 = tpu.memref_squeeze %dma_start3A_153 : memref<1x20480xf32, #tpu.memory_space<vmem_shared>> -> memref<20480xf32, #tpu.memory_space<vmem_shared>>
      tpu.enqueue_dma source(%arg7 : memref<20480xf32, #tpu.memory_space<vmem>>) target(%dma_start3A_154 : memref<20480xf32, #tpu.memory_space<vmem_shared>>) target_semaphore(%run_scoped3A_149 : memref<!tpu.dma_semaphore, #tpu.memory_space<semaphore_mem>>)
      %dma_wait3A = arith.constant 0 : i32
      %dma_wait3A_155 = tpu.memref_slice %arg9[%arg1, %dma_wait3A] : memref<16x20480xf32, #tpu.memory_space<vmem_shared>> -> memref<1x20480xf32, #tpu.memory_space<vmem_shared>>
      %dma_wait3A_156 = tpu.memref_squeeze %dma_wait3A_155 : memref<1x20480xf32, #tpu.memory_space<vmem_shared>> -> memref<20480xf32, #tpu.memory_space<vmem_shared>>
      %dma_wait3A_157 = arith.constant 0 : i32
      %dma_wait3A_158 = tpu.memref_slice %arg9[%arg1, %dma_wait3A_157] : memref<16x20480xf32, #tpu.memory_space<vmem_shared>> -> memref<1x20480xf32, #tpu.memory_space<vmem_shared>>
      %dma_wait3A_159 = tpu.memref_squeeze %dma_wait3A_158 : memref<1x20480xf32, #tpu.memory_space<vmem_shared>> -> memref<20480xf32, #tpu.memory_space<vmem_shared>>
      tpu.wait_dma2 semaphore(%run_scoped3A_149 : memref<!tpu.dma_semaphore, #tpu.memory_space<semaphore_mem>>) src(%arg7 : memref<20480xf32, #tpu.memory_space<vmem>>) dst(%dma_wait3A_159 : memref<20480xf32, #tpu.memory_space<vmem_shared>>)
      tpu.yield
    }) : () -> ()
    %barrier3A = arith.constant 0 : index
    tpu.barrier barrier_id(%barrier3A)
    %mul3A_27 = arith.constant 1280 : i32
    %mul3A_28 = arith.muli %arg1, %mul3A_27 : i32
    %run_scoped3A = arith.constant 0 : i32
    "tpu.region"() ({
      %run_scoped3A_149 = tpu.sem_alloc : memref<!tpu.dma_semaphore, #tpu.memory_space<semaphore_mem>>
      %dma_start3A = arith.constant 0 : i32
      %dma_start3A_150 = tpu.memref_slice %arg7[%dma_start3A] : memref<20480xf32, #tpu.memory_space<vmem>> -> memref<1280xf32, #tpu.memory_space<vmem>>
      %dma_start3A_151 = tpu.memref_slice %arg9[%run_scoped3A, %mul3A_28] : memref<16x20480xf32, #tpu.memory_space<vmem_shared>> -> memref<1x1280xf32, #tpu.memory_space<vmem_shared>>
      %dma_start3A_152 = tpu.memref_squeeze %dma_start3A_151 : memref<1x1280xf32, #tpu.memory_space<vmem_shared>> -> memref<1280xf32, #tpu.memory_space<vmem_shared>>
      %dma_start3A_153 = arith.constant 0 : i32
      %dma_start3A_154 = tpu.memref_slice %arg7[%dma_start3A_153] : memref<20480xf32, #tpu.memory_space<vmem>> -> memref<1280xf32, #tpu.memory_space<vmem>>
      %dma_start3A_155 = tpu.memref_slice %arg9[%run_scoped3A, %mul3A_28] : memref<16x20480xf32, #tpu.memory_space<vmem_shared>> -> memref<1x1280xf32, #tpu.memory_space<vmem_shared>>
      %dma_start3A_156 = tpu.memref_squeeze %dma_start3A_155 : memref<1x1280xf32, #tpu.memory_space<vmem_shared>> -> memref<1280xf32, #tpu.memory_space<vmem_shared>>
      tpu.enqueue_dma source(%dma_start3A_156 : memref<1280xf32, #tpu.memory_space<vmem_shared>>) target(%dma_start3A_154 : memref<1280xf32, #tpu.memory_space<vmem>>) target_semaphore(%run_scoped3A_149 : memref<!tpu.dma_semaphore, #tpu.memory_space<semaphore_mem>>)
      %dma_wait3A = arith.constant 0 : i32
      %dma_wait3A_157 = tpu.memref_slice %arg7[%dma_wait3A] : memref<20480xf32, #tpu.memory_space<vmem>> -> memref<1280xf32, #tpu.memory_space<vmem>>
      %dma_wait3A_158 = tpu.memref_slice %arg9[%run_scoped3A, %mul3A_28] : memref<16x20480xf32, #tpu.memory_space<vmem_shared>> -> memref<1x1280xf32, #tpu.memory_space<vmem_shared>>
      %dma_wait3A_159 = tpu.memref_squeeze %dma_wait3A_158 : memref<1x1280xf32, #tpu.memory_space<vmem_shared>> -> memref<1280xf32, #tpu.memory_space<vmem_shared>>
      %dma_wait3A_160 = arith.constant 0 : i32
      %dma_wait3A_161 = tpu.memref_slice %arg7[%dma_wait3A_160] : memref<20480xf32, #tpu.memory_space<vmem>> -> memref<1280xf32, #tpu.memory_space<vmem>>
      %dma_wait3A_162 = tpu.memref_slice %arg9[%run_scoped3A, %mul3A_28] : memref<16x20480xf32, #tpu.memory_space<vmem_shared>> -> memref<1x1280xf32, #tpu.memory_space<vmem_shared>>
      %dma_wait3A_163 = tpu.memref_squeeze %dma_wait3A_162 : memref<1x1280xf32, #tpu.memory_space<vmem_shared>> -> memref<1280xf32, #tpu.memory_space<vmem_shared>>
      tpu.wait_dma2 semaphore(%run_scoped3A_149 : memref<!tpu.dma_semaphore, #tpu.memory_space<semaphore_mem>>) src(%dma_wait3A_163 : memref<1280xf32, #tpu.memory_space<vmem_shared>>) dst(%dma_wait3A_161 : memref<1280xf32, #tpu.memory_space<vmem>>)
      tpu.yield
    }) : () -> ()
    %run_scoped3A_29 = arith.constant 1 : i32
    "tpu.region"() ({
      %run_scoped3A_149 = tpu.sem_alloc : memref<!tpu.dma_semaphore, #tpu.memory_space<semaphore_mem>>
      %dma_start3A = tpu.memref_slice %arg9[%run_scoped3A_29, %mul3A_28] : memref<16x20480xf32, #tpu.memory_space<vmem_shared>> -> memref<1x1280xf32, #tpu.memory_space<vmem_shared>>
      %dma_start3A_150 = tpu.memref_squeeze %dma_start3A : memref<1x1280xf32, #tpu.memory_space<vmem_shared>> -> memref<1280xf32, #tpu.memory_space<vmem_shared>>
      %dma_start3A_151 = tpu.memref_slice %arg9[%run_scoped3A_29, %mul3A_28] : memref<16x20480xf32, #tpu.memory_space<vmem_shared>> -> memref<1x1280xf32, #tpu.memory_space<vmem_shared>>
      %dma_start3A_152 = tpu.memref_squeeze %dma_start3A_151 : memref<1x1280xf32, #tpu.memory_space<vmem_shared>> -> memref<1280xf32, #tpu.memory_space<vmem_shared>>
      tpu.enqueue_dma source(%dma_start3A_152 : memref<1280xf32, #tpu.memory_space<vmem_shared>>) target(%arg8 : memref<1280xf32, #tpu.memory_space<vmem>>) target_semaphore(%run_scoped3A_149 : memref<!tpu.dma_semaphore, #tpu.memory_space<semaphore_mem>>)
      %dma_wait3A = tpu.memref_slice %arg9[%run_scoped3A_29, %mul3A_28] : memref<16x20480xf32, #tpu.memory_space<vmem_shared>> -> memref<1x1280xf32, #tpu.memory_space<vmem_shared>>
      %dma_wait3A_153 = tpu.memref_squeeze %dma_wait3A : memref<1x1280xf32, #tpu.memory_space<vmem_shared>> -> memref<1280xf32, #tpu.memory_space<vmem_shared>>
      %dma_wait3A_154 = tpu.memref_slice %arg9[%run_scoped3A_29, %mul3A_28] : memref<16x20480xf32, #tpu.memory_space<vmem_shared>> -> memref<1x1280xf32, #tpu.memory_space<vmem_shared>>
      %dma_wait3A_155 = tpu.memref_squeeze %dma_wait3A_154 : memref<1x1280xf32, #tpu.memory_space<vmem_shared>> -> memref<1280xf32, #tpu.memory_space<vmem_shared>>
      tpu.wait_dma2 semaphore(%run_scoped3A_149 : memref<!tpu.dma_semaphore, #tpu.memory_space<semaphore_mem>>) src(%dma_wait3A_155 : memref<1280xf32, #tpu.memory_space<vmem_shared>>) dst(%arg8 : memref<1280xf32, #tpu.memory_space<vmem>>)
      tpu.yield
    }) : () -> ()
    %scan3A_30 = arith.constant 0 : i32
    %scan3A_31 = arith.constant 0 : i32
    %scan3A_32 = arith.constant 80 : i32
    %scan3A_33 = arith.addi %scan3A_31, %scan3A_32 : i32
    %scan3A_34 = arith.constant 1 : i32
    %scan3A_35 = scf.for %scan3A_149 = %scan3A_31 to %scan3A_33 step %scan3A_34 iter_args(%scan3A_150 = %scan3A_30) -> (i32)  : i32 {
      %mul3A_151 = arith.constant 16 : i32
      %mul3A_152 = arith.muli %scan3A_149, %mul3A_151 : i32
      %get3A_153 = arith.index_cast %mul3A_152 : i32 to index
      %get3A_154 = tpu.vector_load %arg7[%get3A_153] {strides = array<i32>} : memref<20480xf32, #tpu.memory_space<vmem>>, vector<16xf32>,
      %mul3A_155 = arith.constant 16 : i32
      %mul3A_156 = arith.muli %scan3A_149, %mul3A_155 : i32
      %get3A_157 = arith.index_cast %mul3A_156 : i32 to index
      %get3A_158 = tpu.vector_load %arg8[%get3A_157] {strides = array<i32>} : memref<1280xf32, #tpu.memory_space<vmem>>, vector<16xf32>,
      %add3A_159 = arith.addf %get3A_154, %get3A_158 : vector<16xf32>
      %mul3A_160 = arith.constant 16 : i32
      %mul3A_161 = arith.muli %scan3A_149, %mul3A_160 : i32
      %swap3A = arith.index_cast %mul3A_161 : i32 to index
      %swap3A_162 = tpu.vector_load %arg7[%swap3A] {strides = array<i32>} : memref<20480xf32, #tpu.memory_space<vmem>>, vector<16xf32>,
      tpu.vector_store %arg7[%swap3A], %add3A_159 {strides = array<i32>} : memref<20480xf32, #tpu.memory_space<vmem>>, vector<16xf32>,
      %scan3A_163 = arith.constant 0 : i32
      scf.yield %scan3A_163 : i32
    }
    %scan3A_36 = arith.constant 80 : i32
    %run_scoped3A_37 = arith.constant 2 : i32
    "tpu.region"() ({
      %run_scoped3A_149 = tpu.sem_alloc : memref<!tpu.dma_semaphore, #tpu.memory_space<semaphore_mem>>
      %dma_start3A = tpu.memref_slice %arg9[%run_scoped3A_37, %mul3A_28] : memref<16x20480xf32, #tpu.memory_space<vmem_shared>> -> memref<1x1280xf32, #tpu.memory_space<vmem_shared>>
      %dma_start3A_150 = tpu.memref_squeeze %dma_start3A : memref<1x1280xf32, #tpu.memory_space<vmem_shared>> -> memref<1280xf32, #tpu.memory_space<vmem_shared>>
      %dma_start3A_151 = tpu.memref_slice %arg9[%run_scoped3A_37, %mul3A_28] : memref<16x20480xf32, #tpu.memory_space<vmem_shared>> -> memref<1x1280xf32, #tpu.memory_space<vmem_shared>>
      %dma_start3A_152 = tpu.memref_squeeze %dma_start3A_151 : memref<1x1280xf32, #tpu.memory_space<vmem_shared>> -> memref<1280xf32, #tpu.memory_space<vmem_shared>>
      tpu.enqueue_dma source(%dma_start3A_152 : memref<1280xf32, #tpu.memory_space<vmem_shared>>) target(%arg8 : memref<1280xf32, #tpu.memory_space<vmem>>) target_semaphore(%run_scoped3A_149 : memref<!tpu.dma_semaphore, #tpu.memory_space<semaphore_mem>>)
      %dma_wait3A = tpu.memref_slice %arg9[%run_scoped3A_37, %mul3A_28] : memref<16x20480xf32, #tpu.memory_space<vmem_shared>> -> memref<1x1280xf32, #tpu.memory_space<vmem_shared>>
      %dma_wait3A_153 = tpu.memref_squeeze %dma_wait3A : memref<1x1280xf32, #tpu.memory_space<vmem_shared>> -> memref<1280xf32, #tpu.memory_space<vmem_shared>>
      %dma_wait3A_154 = tpu.memref_slice %arg9[%run_scoped3A_37, %mul3A_28] : memref<16x20480xf32, #tpu.memory_space<vmem_shared>> -> memref<1x1280xf32, #tpu.memory_space<vmem_shared>>
      %dma_wait3A_155 = tpu.memref_squeeze %dma_wait3A_154 : memref<1x1280xf32, #tpu.memory_space<vmem_shared>> -> memref<1280xf32, #tpu.memory_space<vmem_shared>>
      tpu.wait_dma2 semaphore(%run_scoped3A_149 : memref<!tpu.dma_semaphore, #tpu.memory_space<semaphore_mem>>) src(%dma_wait3A_155 : memref<1280xf32, #tpu.memory_space<vmem_shared>>) dst(%arg8 : memref<1280xf32, #tpu.memory_space<vmem>>)
      tpu.yield
    }) : () -> ()
    %scan3A_38 = arith.constant 0 : i32
    %scan3A_39 = arith.constant 0 : i32
    %scan3A_40 = arith.constant 80 : i32
    %scan3A_41 = arith.addi %scan3A_39, %scan3A_40 : i32
    %scan3A_42 = arith.constant 1 : i32
    %scan3A_43 = scf.for %scan3A_149 = %scan3A_39 to %scan3A_41 step %scan3A_42 iter_args(%scan3A_150 = %scan3A_38) -> (i32)  : i32 {
      %mul3A_151 = arith.constant 16 : i32
      %mul3A_152 = arith.muli %scan3A_149, %mul3A_151 : i32
      %get3A_153 = arith.index_cast %mul3A_152 : i32 to index
      %get3A_154 = tpu.vector_load %arg7[%get3A_153] {strides = array<i32>} : memref<20480xf32, #tpu.memory_space<vmem>>, vector<16xf32>,
      %mul3A_155 = arith.constant 16 : i32
      %mul3A_156 = arith.muli %scan3A_149, %mul3A_155 : i32
      %get3A_157 = arith.index_cast %mul3A_156 : i32 to index
      %get3A_158 = tpu.vector_load %arg8[%get3A_157] {strides = array<i32>} : memref<1280xf32, #tpu.memory_space<vmem>>, vector<16xf32>,
      %add3A_159 = arith.addf %get3A_154, %get3A_158 : vector<16xf32>
      %mul3A_160 = arith.constant 16 : i32
      %mul3A_161 = arith.muli %scan3A_149, %mul3A_160 : i32
      %swap3A = arith.index_cast %mul3A_161 : i32 to index
      %swap3A_162 = tpu.vector_load %arg7[%swap3A] {strides = array<i32>} : memref<20480xf32, #tpu.memory_space<vmem>>, vector<16xf32>,
      tpu.vector_store %arg7[%swap3A], %add3A_159 {strides = array<i32>} : memref<20480xf32, #tpu.memory_space<vmem>>, vector<16xf32>,
      %scan3A_163 = arith.constant 0 : i32
      scf.yield %scan3A_163 : i32
    }
    %scan3A_44 = arith.constant 80 : i32
    %run_scoped3A_45 = arith.constant 3 : i32
    "tpu.region"() ({
      %run_scoped3A_149 = tpu.sem_alloc : memref<!tpu.dma_semaphore, #tpu.memory_space<semaphore_mem>>
      %dma_start3A = tpu.memref_slice %arg9[%run_scoped3A_45, %mul3A_28] : memref<16x20480xf32, #tpu.memory_space<vmem_shared>> -> memref<1x1280xf32, #tpu.memory_space<vmem_shared>>
      %dma_start3A_150 = tpu.memref_squeeze %dma_start3A : memref<1x1280xf32, #tpu.memory_space<vmem_shared>> -> memref<1280xf32, #tpu.memory_space<vmem_shared>>
      %dma_start3A_151 = tpu.memref_slice %arg9[%run_scoped3A_45, %mul3A_28] : memref<16x20480xf32, #tpu.memory_space<vmem_shared>> -> memref<1x1280xf32, #tpu.memory_space<vmem_shared>>
      %dma_start3A_152 = tpu.memref_squeeze %dma_start3A_151 : memref<1x1280xf32, #tpu.memory_space<vmem_shared>> -> memref<1280xf32, #tpu.memory_space<vmem_shared>>
      tpu.enqueue_dma source(%dma_start3A_152 : memref<1280xf32, #tpu.memory_space<vmem_shared>>) target(%arg8 : memref<1280xf32, #tpu.memory_space<vmem>>) target_semaphore(%run_scoped3A_149 : memref<!tpu.dma_semaphore, #tpu.memory_space<semaphore_mem>>)
      %dma_wait3A = tpu.memref_slice %arg9[%run_scoped3A_45, %mul3A_28] : memref<16x20480xf32, #tpu.memory_space<vmem_shared>> -> memref<1x1280xf32, #tpu.memory_space<vmem_shared>>
      %dma_wait3A_153 = tpu.memref_squeeze %dma_wait3A : memref<1x1280xf32, #tpu.memory_space<vmem_shared>> -> memref<1280xf32, #tpu.memory_space<vmem_shared>>
      %dma_wait3A_154 = tpu.memref_slice %arg9[%run_scoped3A_45, %mul3A_28] : memref<16x20480xf32, #tpu.memory_space<vmem_shared>> -> memref<1x1280xf32, #tpu.memory_space<vmem_shared>>
      %dma_wait3A_155 = tpu.memref_squeeze %dma_wait3A_154 : memref<1x1280xf32, #tpu.memory_space<vmem_shared>> -> memref<1280xf32, #tpu.memory_space<vmem_shared>>
      tpu.wait_dma2 semaphore(%run_scoped3A_149 : memref<!tpu.dma_semaphore, #tpu.memory_space<semaphore_mem>>) src(%dma_wait3A_155 : memref<1280xf32, #tpu.memory_space<vmem_shared>>) dst(%arg8 : memref<1280xf32, #tpu.memory_space<vmem>>)
      tpu.yield
    }) : () -> ()
    %scan3A_46 = arith.constant 0 : i32
    %scan3A_47 = arith.constant 0 : i32
    %scan3A_48 = arith.constant 80 : i32
    %scan3A_49 = arith.addi %scan3A_47, %scan3A_48 : i32
    %scan3A_50 = arith.constant 1 : i32
    %scan3A_51 = scf.for %scan3A_149 = %scan3A_47 to %scan3A_49 step %scan3A_50 iter_args(%scan3A_150 = %scan3A_46) -> (i32)  : i32 {
      %mul3A_151 = arith.constant 16 : i32
      %mul3A_152 = arith.muli %scan3A_149, %mul3A_151 : i32
      %get3A_153 = arith.index_cast %mul3A_152 : i32 to index
      %get3A_154 = tpu.vector_load %arg7[%get3A_153] {strides = array<i32>} : memref<20480xf32, #tpu.memory_space<vmem>>, vector<16xf32>,
      %mul3A_155 = arith.constant 16 : i32
      %mul3A_156 = arith.muli %scan3A_149, %mul3A_155 : i32
      %get3A_157 = arith.index_cast %mul3A_156 : i32 to index
      %get3A_158 = tpu.vector_load %arg8[%get3A_157] {strides = array<i32>} : memref<1280xf32, #tpu.memory_space<vmem>>, vector<16xf32>,
      %add3A_159 = arith.addf %get3A_154, %get3A_158 : vector<16xf32>
      %mul3A_160 = arith.constant 16 : i32
      %mul3A_161 = arith.muli %scan3A_149, %mul3A_160 : i32
      %swap3A = arith.index_cast %mul3A_161 : i32 to index
      %swap3A_162 = tpu.vector_load %arg7[%swap3A] {strides = array<i32>} : memref<20480xf32, #tpu.memory_space<vmem>>, vector<16xf32>,
      tpu.vector_store %arg7[%swap3A], %add3A_159 {strides = array<i32>} : memref<20480xf32, #tpu.memory_space<vmem>>, vector<16xf32>,
      %scan3A_163 = arith.constant 0 : i32
      scf.yield %scan3A_163 : i32
    }
    %scan3A_52 = arith.constant 80 : i32
    %run_scoped3A_53 = arith.constant 4 : i32
    "tpu.region"() ({
      %run_scoped3A_149 = tpu.sem_alloc : memref<!tpu.dma_semaphore, #tpu.memory_space<semaphore_mem>>
      %dma_start3A = tpu.memref_slice %arg9[%run_scoped3A_53, %mul3A_28] : memref<16x20480xf32, #tpu.memory_space<vmem_shared>> -> memref<1x1280xf32, #tpu.memory_space<vmem_shared>>
      %dma_start3A_150 = tpu.memref_squeeze %dma_start3A : memref<1x1280xf32, #tpu.memory_space<vmem_shared>> -> memref<1280xf32, #tpu.memory_space<vmem_shared>>
      %dma_start3A_151 = tpu.memref_slice %arg9[%run_scoped3A_53, %mul3A_28] : memref<16x20480xf32, #tpu.memory_space<vmem_shared>> -> memref<1x1280xf32, #tpu.memory_space<vmem_shared>>
      %dma_start3A_152 = tpu.memref_squeeze %dma_start3A_151 : memref<1x1280xf32, #tpu.memory_space<vmem_shared>> -> memref<1280xf32, #tpu.memory_space<vmem_shared>>
      tpu.enqueue_dma source(%dma_start3A_152 : memref<1280xf32, #tpu.memory_space<vmem_shared>>) target(%arg8 : memref<1280xf32, #tpu.memory_space<vmem>>) target_semaphore(%run_scoped3A_149 : memref<!tpu.dma_semaphore, #tpu.memory_space<semaphore_mem>>)
      %dma_wait3A = tpu.memref_slice %arg9[%run_scoped3A_53, %mul3A_28] : memref<16x20480xf32, #tpu.memory_space<vmem_shared>> -> memref<1x1280xf32, #tpu.memory_space<vmem_shared>>
      %dma_wait3A_153 = tpu.memref_squeeze %dma_wait3A : memref<1x1280xf32, #tpu.memory_space<vmem_shared>> -> memref<1280xf32, #tpu.memory_space<vmem_shared>>
      %dma_wait3A_154 = tpu.memref_slice %arg9[%run_scoped3A_53, %mul3A_28] : memref<16x20480xf32, #tpu.memory_space<vmem_shared>> -> memref<1x1280xf32, #tpu.memory_space<vmem_shared>>
      %dma_wait3A_155 = tpu.memref_squeeze %dma_wait3A_154 : memref<1x1280xf32, #tpu.memory_space<vmem_shared>> -> memref<1280xf32, #tpu.memory_space<vmem_shared>>
      tpu.wait_dma2 semaphore(%run_scoped3A_149 : memref<!tpu.dma_semaphore, #tpu.memory_space<semaphore_mem>>) src(%dma_wait3A_155 : memref<1280xf32, #tpu.memory_space<vmem_shared>>) dst(%arg8 : memref<1280xf32, #tpu.memory_space<vmem>>)
      tpu.yield
    }) : () -> ()
    %scan3A_54 = arith.constant 0 : i32
    %scan3A_55 = arith.constant 0 : i32
    %scan3A_56 = arith.constant 80 : i32
    %scan3A_57 = arith.addi %scan3A_55, %scan3A_56 : i32
    %scan3A_58 = arith.constant 1 : i32
    %scan3A_59 = scf.for %scan3A_149 = %scan3A_55 to %scan3A_57 step %scan3A_58 iter_args(%scan3A_150 = %scan3A_54) -> (i32)  : i32 {
      %mul3A_151 = arith.constant 16 : i32
      %mul3A_152 = arith.muli %scan3A_149, %mul3A_151 : i32
      %get3A_153 = arith.index_cast %mul3A_152 : i32 to index
      %get3A_154 = tpu.vector_load %arg7[%get3A_153] {strides = array<i32>} : memref<20480xf32, #tpu.memory_space<vmem>>, vector<16xf32>,
      %mul3A_155 = arith.constant 16 : i32
      %mul3A_156 = arith.muli %scan3A_149, %mul3A_155 : i32
      %get3A_157 = arith.index_cast %mul3A_156 : i32 to index
      %get3A_158 = tpu.vector_load %arg8[%get3A_157] {strides = array<i32>} : memref<1280xf32, #tpu.memory_space<vmem>>, vector<16xf32>,
      %add3A_159 = arith.addf %get3A_154, %get3A_158 : vector<16xf32>
      %mul3A_160 = arith.constant 16 : i32
      %mul3A_161 = arith.muli %scan3A_149, %mul3A_160 : i32
      %swap3A = arith.index_cast %mul3A_161 : i32 to index
      %swap3A_162 = tpu.vector_load %arg7[%swap3A] {strides = array<i32>} : memref<20480xf32, #tpu.memory_space<vmem>>, vector<16xf32>,
      tpu.vector_store %arg7[%swap3A], %add3A_159 {strides = array<i32>} : memref<20480xf32, #tpu.memory_space<vmem>>, vector<16xf32>,
      %scan3A_163 = arith.constant 0 : i32
      scf.yield %scan3A_163 : i32
    }
    %scan3A_60 = arith.constant 80 : i32
    %run_scoped3A_61 = arith.constant 5 : i32
    "tpu.region"() ({
      %run_scoped3A_149 = tpu.sem_alloc : memref<!tpu.dma_semaphore, #tpu.memory_space<semaphore_mem>>
      %dma_start3A = tpu.memref_slice %arg9[%run_scoped3A_61, %mul3A_28] : memref<16x20480xf32, #tpu.memory_space<vmem_shared>> -> memref<1x1280xf32, #tpu.memory_space<vmem_shared>>
      %dma_start3A_150 = tpu.memref_squeeze %dma_start3A : memref<1x1280xf32, #tpu.memory_space<vmem_shared>> -> memref<1280xf32, #tpu.memory_space<vmem_shared>>
      %dma_start3A_151 = tpu.memref_slice %arg9[%run_scoped3A_61, %mul3A_28] : memref<16x20480xf32, #tpu.memory_space<vmem_shared>> -> memref<1x1280xf32, #tpu.memory_space<vmem_shared>>
      %dma_start3A_152 = tpu.memref_squeeze %dma_start3A_151 : memref<1x1280xf32, #tpu.memory_space<vmem_shared>> -> memref<1280xf32, #tpu.memory_space<vmem_shared>>
      tpu.enqueue_dma source(%dma_start3A_152 : memref<1280xf32, #tpu.memory_space<vmem_shared>>) target(%arg8 : memref<1280xf32, #tpu.memory_space<vmem>>) target_semaphore(%run_scoped3A_149 : memref<!tpu.dma_semaphore, #tpu.memory_space<semaphore_mem>>)
      %dma_wait3A = tpu.memref_slice %arg9[%run_scoped3A_61, %mul3A_28] : memref<16x20480xf32, #tpu.memory_space<vmem_shared>> -> memref<1x1280xf32, #tpu.memory_space<vmem_shared>>
      %dma_wait3A_153 = tpu.memref_squeeze %dma_wait3A : memref<1x1280xf32, #tpu.memory_space<vmem_shared>> -> memref<1280xf32, #tpu.memory_space<vmem_shared>>
      %dma_wait3A_154 = tpu.memref_slice %arg9[%run_scoped3A_61, %mul3A_28] : memref<16x20480xf32, #tpu.memory_space<vmem_shared>> -> memref<1x1280xf32, #tpu.memory_space<vmem_shared>>
      %dma_wait3A_155 = tpu.memref_squeeze %dma_wait3A_154 : memref<1x1280xf32, #tpu.memory_space<vmem_shared>> -> memref<1280xf32, #tpu.memory_space<vmem_shared>>
      tpu.wait_dma2 semaphore(%run_scoped3A_149 : memref<!tpu.dma_semaphore, #tpu.memory_space<semaphore_mem>>) src(%dma_wait3A_155 : memref<1280xf32, #tpu.memory_space<vmem_shared>>) dst(%arg8 : memref<1280xf32, #tpu.memory_space<vmem>>)
      tpu.yield
    }) : () -> ()
    %scan3A_62 = arith.constant 0 : i32
    %scan3A_63 = arith.constant 0 : i32
    %scan3A_64 = arith.constant 80 : i32
    %scan3A_65 = arith.addi %scan3A_63, %scan3A_64 : i32
    %scan3A_66 = arith.constant 1 : i32
    %scan3A_67 = scf.for %scan3A_149 = %scan3A_63 to %scan3A_65 step %scan3A_66 iter_args(%scan3A_150 = %scan3A_62) -> (i32)  : i32 {
      %mul3A_151 = arith.constant 16 : i32
      %mul3A_152 = arith.muli %scan3A_149, %mul3A_151 : i32
      %get3A_153 = arith.index_cast %mul3A_152 : i32 to index
      %get3A_154 = tpu.vector_load %arg7[%get3A_153] {strides = array<i32>} : memref<20480xf32, #tpu.memory_space<vmem>>, vector<16xf32>,
      %mul3A_155 = arith.constant 16 : i32
      %mul3A_156 = arith.muli %scan3A_149, %mul3A_155 : i32
      %get3A_157 = arith.index_cast %mul3A_156 : i32 to index
      %get3A_158 = tpu.vector_load %arg8[%get3A_157] {strides = array<i32>} : memref<1280xf32, #tpu.memory_space<vmem>>, vector<16xf32>,
      %add3A_159 = arith.addf %get3A_154, %get3A_158 : vector<16xf32>
      %mul3A_160 = arith.constant 16 : i32
      %mul3A_161 = arith.muli %scan3A_149, %mul3A_160 : i32
      %swap3A = arith.index_cast %mul3A_161 : i32 to index
      %swap3A_162 = tpu.vector_load %arg7[%swap3A] {strides = array<i32>} : memref<20480xf32, #tpu.memory_space<vmem>>, vector<16xf32>,
      tpu.vector_store %arg7[%swap3A], %add3A_159 {strides = array<i32>} : memref<20480xf32, #tpu.memory_space<vmem>>, vector<16xf32>,
      %scan3A_163 = arith.constant 0 : i32
      scf.yield %scan3A_163 : i32
    }
    %scan3A_68 = arith.constant 80 : i32
    %run_scoped3A_69 = arith.constant 6 : i32
    "tpu.region"() ({
      %run_scoped3A_149 = tpu.sem_alloc : memref<!tpu.dma_semaphore, #tpu.memory_space<semaphore_mem>>
      %dma_start3A = tpu.memref_slice %arg9[%run_scoped3A_69, %mul3A_28] : memref<16x20480xf32, #tpu.memory_space<vmem_shared>> -> memref<1x1280xf32, #tpu.memory_space<vmem_shared>>
      %dma_start3A_150 = tpu.memref_squeeze %dma_start3A : memref<1x1280xf32, #tpu.memory_space<vmem_shared>> -> memref<1280xf32, #tpu.memory_space<vmem_shared>>
      %dma_start3A_151 = tpu.memref_slice %arg9[%run_scoped3A_69, %mul3A_28] : memref<16x20480xf32, #tpu.memory_space<vmem_shared>> -> memref<1x1280xf32, #tpu.memory_space<vmem_shared>>
      %dma_start3A_152 = tpu.memref_squeeze %dma_start3A_151 : memref<1x1280xf32, #tpu.memory_space<vmem_shared>> -> memref<1280xf32, #tpu.memory_space<vmem_shared>>
      tpu.enqueue_dma source(%dma_start3A_152 : memref<1280xf32, #tpu.memory_space<vmem_shared>>) target(%arg8 : memref<1280xf32, #tpu.memory_space<vmem>>) target_semaphore(%run_scoped3A_149 : memref<!tpu.dma_semaphore, #tpu.memory_space<semaphore_mem>>)
      %dma_wait3A = tpu.memref_slice %arg9[%run_scoped3A_69, %mul3A_28] : memref<16x20480xf32, #tpu.memory_space<vmem_shared>> -> memref<1x1280xf32, #tpu.memory_space<vmem_shared>>
      %dma_wait3A_153 = tpu.memref_squeeze %dma_wait3A : memref<1x1280xf32, #tpu.memory_space<vmem_shared>> -> memref<1280xf32, #tpu.memory_space<vmem_shared>>
      %dma_wait3A_154 = tpu.memref_slice %arg9[%run_scoped3A_69, %mul3A_28] : memref<16x20480xf32, #tpu.memory_space<vmem_shared>> -> memref<1x1280xf32, #tpu.memory_space<vmem_shared>>
      %dma_wait3A_155 = tpu.memref_squeeze %dma_wait3A_154 : memref<1x1280xf32, #tpu.memory_space<vmem_shared>> -> memref<1280xf32, #tpu.memory_space<vmem_shared>>
      tpu.wait_dma2 semaphore(%run_scoped3A_149 : memref<!tpu.dma_semaphore, #tpu.memory_space<semaphore_mem>>) src(%dma_wait3A_155 : memref<1280xf32, #tpu.memory_space<vmem_shared>>) dst(%arg8 : memref<1280xf32, #tpu.memory_space<vmem>>)
      tpu.yield
    }) : () -> ()
    %scan3A_70 = arith.constant 0 : i32
    %scan3A_71 = arith.constant 0 : i32
    %scan3A_72 = arith.constant 80 : i32
    %scan3A_73 = arith.addi %scan3A_71, %scan3A_72 : i32
    %scan3A_74 = arith.constant 1 : i32
    %scan3A_75 = scf.for %scan3A_149 = %scan3A_71 to %scan3A_73 step %scan3A_74 iter_args(%scan3A_150 = %scan3A_70) -> (i32)  : i32 {
      %mul3A_151 = arith.constant 16 : i32
      %mul3A_152 = arith.muli %scan3A_149, %mul3A_151 : i32
      %get3A_153 = arith.index_cast %mul3A_152 : i32 to index
      %get3A_154 = tpu.vector_load %arg7[%get3A_153] {strides = array<i32>} : memref<20480xf32, #tpu.memory_space<vmem>>, vector<16xf32>,
      %mul3A_155 = arith.constant 16 : i32
      %mul3A_156 = arith.muli %scan3A_149, %mul3A_155 : i32
      %get3A_157 = arith.index_cast %mul3A_156 : i32 to index
      %get3A_158 = tpu.vector_load %arg8[%get3A_157] {strides = array<i32>} : memref<1280xf32, #tpu.memory_space<vmem>>, vector<16xf32>,
      %add3A_159 = arith.addf %get3A_154, %get3A_158 : vector<16xf32>
      %mul3A_160 = arith.constant 16 : i32
      %mul3A_161 = arith.muli %scan3A_149, %mul3A_160 : i32
      %swap3A = arith.index_cast %mul3A_161 : i32 to index
      %swap3A_162 = tpu.vector_load %arg7[%swap3A] {strides = array<i32>} : memref<20480xf32, #tpu.memory_space<vmem>>, vector<16xf32>,
      tpu.vector_store %arg7[%swap3A], %add3A_159 {strides = array<i32>} : memref<20480xf32, #tpu.memory_space<vmem>>, vector<16xf32>,
      %scan3A_163 = arith.constant 0 : i32
      scf.yield %scan3A_163 : i32
    }
    %scan3A_76 = arith.constant 80 : i32
    %run_scoped3A_77 = arith.constant 7 : i32
    "tpu.region"() ({
      %run_scoped3A_149 = tpu.sem_alloc : memref<!tpu.dma_semaphore, #tpu.memory_space<semaphore_mem>>
      %dma_start3A = tpu.memref_slice %arg9[%run_scoped3A_77, %mul3A_28] : memref<16x20480xf32, #tpu.memory_space<vmem_shared>> -> memref<1x1280xf32, #tpu.memory_space<vmem_shared>>
      %dma_start3A_150 = tpu.memref_squeeze %dma_start3A : memref<1x1280xf32, #tpu.memory_space<vmem_shared>> -> memref<1280xf32, #tpu.memory_space<vmem_shared>>
      %dma_start3A_151 = tpu.memref_slice %arg9[%run_scoped3A_77, %mul3A_28] : memref<16x20480xf32, #tpu.memory_space<vmem_shared>> -> memref<1x1280xf32, #tpu.memory_space<vmem_shared>>
      %dma_start3A_152 = tpu.memref_squeeze %dma_start3A_151 : memref<1x1280xf32, #tpu.memory_space<vmem_shared>> -> memref<1280xf32, #tpu.memory_space<vmem_shared>>
      tpu.enqueue_dma source(%dma_start3A_152 : memref<1280xf32, #tpu.memory_space<vmem_shared>>) target(%arg8 : memref<1280xf32, #tpu.memory_space<vmem>>) target_semaphore(%run_scoped3A_149 : memref<!tpu.dma_semaphore, #tpu.memory_space<semaphore_mem>>)
      %dma_wait3A = tpu.memref_slice %arg9[%run_scoped3A_77, %mul3A_28] : memref<16x20480xf32, #tpu.memory_space<vmem_shared>> -> memref<1x1280xf32, #tpu.memory_space<vmem_shared>>
      %dma_wait3A_153 = tpu.memref_squeeze %dma_wait3A : memref<1x1280xf32, #tpu.memory_space<vmem_shared>> -> memref<1280xf32, #tpu.memory_space<vmem_shared>>
      %dma_wait3A_154 = tpu.memref_slice %arg9[%run_scoped3A_77, %mul3A_28] : memref<16x20480xf32, #tpu.memory_space<vmem_shared>> -> memref<1x1280xf32, #tpu.memory_space<vmem_shared>>
      %dma_wait3A_155 = tpu.memref_squeeze %dma_wait3A_154 : memref<1x1280xf32, #tpu.memory_space<vmem_shared>> -> memref<1280xf32, #tpu.memory_space<vmem_shared>>
      tpu.wait_dma2 semaphore(%run_scoped3A_149 : memref<!tpu.dma_semaphore, #tpu.memory_space<semaphore_mem>>) src(%dma_wait3A_155 : memref<1280xf32, #tpu.memory_space<vmem_shared>>) dst(%arg8 : memref<1280xf32, #tpu.memory_space<vmem>>)
      tpu.yield
    }) : () -> ()
    %scan3A_78 = arith.constant 0 : i32
    %scan3A_79 = arith.constant 0 : i32
    %scan3A_80 = arith.constant 80 : i32
    %scan3A_81 = arith.addi %scan3A_79, %scan3A_80 : i32
    %scan3A_82 = arith.constant 1 : i32
    %scan3A_83 = scf.for %scan3A_149 = %scan3A_79 to %scan3A_81 step %scan3A_82 iter_args(%scan3A_150 = %scan3A_78) -> (i32)  : i32 {
      %mul3A_151 = arith.constant 16 : i32
      %mul3A_152 = arith.muli %scan3A_149, %mul3A_151 : i32
      %get3A_153 = arith.index_cast %mul3A_152 : i32 to index
      %get3A_154 = tpu.vector_load %arg7[%get3A_153] {strides = array<i32>} : memref<20480xf32, #tpu.memory_space<vmem>>, vector<16xf32>,
      %mul3A_155 = arith.constant 16 : i32
      %mul3A_156 = arith.muli %scan3A_149, %mul3A_155 : i32
      %get3A_157 = arith.index_cast %mul3A_156 : i32 to index
      %get3A_158 = tpu.vector_load %arg8[%get3A_157] {strides = array<i32>} : memref<1280xf32, #tpu.memory_space<vmem>>, vector<16xf32>,
      %add3A_159 = arith.addf %get3A_154, %get3A_158 : vector<16xf32>
      %mul3A_160 = arith.constant 16 : i32
      %mul3A_161 = arith.muli %scan3A_149, %mul3A_160 : i32
      %swap3A = arith.index_cast %mul3A_161 : i32 to index
      %swap3A_162 = tpu.vector_load %arg7[%swap3A] {strides = array<i32>} : memref<20480xf32, #tpu.memory_space<vmem>>, vector<16xf32>,
      tpu.vector_store %arg7[%swap3A], %add3A_159 {strides = array<i32>} : memref<20480xf32, #tpu.memory_space<vmem>>, vector<16xf32>,
      %scan3A_163 = arith.constant 0 : i32
      scf.yield %scan3A_163 : i32
    }
    %scan3A_84 = arith.constant 80 : i32
    %run_scoped3A_85 = arith.constant 8 : i32
    "tpu.region"() ({
      %run_scoped3A_149 = tpu.sem_alloc : memref<!tpu.dma_semaphore, #tpu.memory_space<semaphore_mem>>
      %dma_start3A = tpu.memref_slice %arg9[%run_scoped3A_85, %mul3A_28] : memref<16x20480xf32, #tpu.memory_space<vmem_shared>> -> memref<1x1280xf32, #tpu.memory_space<vmem_shared>>
      %dma_start3A_150 = tpu.memref_squeeze %dma_start3A : memref<1x1280xf32, #tpu.memory_space<vmem_shared>> -> memref<1280xf32, #tpu.memory_space<vmem_shared>>
      %dma_start3A_151 = tpu.memref_slice %arg9[%run_scoped3A_85, %mul3A_28] : memref<16x20480xf32, #tpu.memory_space<vmem_shared>> -> memref<1x1280xf32, #tpu.memory_space<vmem_shared>>
      %dma_start3A_152 = tpu.memref_squeeze %dma_start3A_151 : memref<1x1280xf32, #tpu.memory_space<vmem_shared>> -> memref<1280xf32, #tpu.memory_space<vmem_shared>>
      tpu.enqueue_dma source(%dma_start3A_152 : memref<1280xf32, #tpu.memory_space<vmem_shared>>) target(%arg8 : memref<1280xf32, #tpu.memory_space<vmem>>) target_semaphore(%run_scoped3A_149 : memref<!tpu.dma_semaphore, #tpu.memory_space<semaphore_mem>>)
      %dma_wait3A = tpu.memref_slice %arg9[%run_scoped3A_85, %mul3A_28] : memref<16x20480xf32, #tpu.memory_space<vmem_shared>> -> memref<1x1280xf32, #tpu.memory_space<vmem_shared>>
      %dma_wait3A_153 = tpu.memref_squeeze %dma_wait3A : memref<1x1280xf32, #tpu.memory_space<vmem_shared>> -> memref<1280xf32, #tpu.memory_space<vmem_shared>>
      %dma_wait3A_154 = tpu.memref_slice %arg9[%run_scoped3A_85, %mul3A_28] : memref<16x20480xf32, #tpu.memory_space<vmem_shared>> -> memref<1x1280xf32, #tpu.memory_space<vmem_shared>>
      %dma_wait3A_155 = tpu.memref_squeeze %dma_wait3A_154 : memref<1x1280xf32, #tpu.memory_space<vmem_shared>> -> memref<1280xf32, #tpu.memory_space<vmem_shared>>
      tpu.wait_dma2 semaphore(%run_scoped3A_149 : memref<!tpu.dma_semaphore, #tpu.memory_space<semaphore_mem>>) src(%dma_wait3A_155 : memref<1280xf32, #tpu.memory_space<vmem_shared>>) dst(%arg8 : memref<1280xf32, #tpu.memory_space<vmem>>)
      tpu.yield
    }) : () -> ()
    %scan3A_86 = arith.constant 0 : i32
    %scan3A_87 = arith.constant 0 : i32
    %scan3A_88 = arith.constant 80 : i32
    %scan3A_89 = arith.addi %scan3A_87, %scan3A_88 : i32
    %scan3A_90 = arith.constant 1 : i32
    %scan3A_91 = scf.for %scan3A_149 = %scan3A_87 to %scan3A_89 step %scan3A_90 iter_args(%scan3A_150 = %scan3A_86) -> (i32)  : i32 {
      %mul3A_151 = arith.constant 16 : i32
      %mul3A_152 = arith.muli %scan3A_149, %mul3A_151 : i32
      %get3A_153 = arith.index_cast %mul3A_152 : i32 to index
      %get3A_154 = tpu.vector_load %arg7[%get3A_153] {strides = array<i32>} : memref<20480xf32, #tpu.memory_space<vmem>>, vector<16xf32>,
      %mul3A_155 = arith.constant 16 : i32
      %mul3A_156 = arith.muli %scan3A_149, %mul3A_155 : i32
      %get3A_157 = arith.index_cast %mul3A_156 : i32 to index
      %get3A_158 = tpu.vector_load %arg8[%get3A_157] {strides = array<i32>} : memref<1280xf32, #tpu.memory_space<vmem>>, vector<16xf32>,
      %add3A_159 = arith.addf %get3A_154, %get3A_158 : vector<16xf32>
      %mul3A_160 = arith.constant 16 : i32
      %mul3A_161 = arith.muli %scan3A_149, %mul3A_160 : i32
      %swap3A = arith.index_cast %mul3A_161 : i32 to index
      %swap3A_162 = tpu.vector_load %arg7[%swap3A] {strides = array<i32>} : memref<20480xf32, #tpu.memory_space<vmem>>, vector<16xf32>,
      tpu.vector_store %arg7[%swap3A], %add3A_159 {strides = array<i32>} : memref<20480xf32, #tpu.memory_space<vmem>>, vector<16xf32>,
      %scan3A_163 = arith.constant 0 : i32
      scf.yield %scan3A_163 : i32
    }
    %scan3A_92 = arith.constant 80 : i32
    %run_scoped3A_93 = arith.constant 9 : i32
    "tpu.region"() ({
      %run_scoped3A_149 = tpu.sem_alloc : memref<!tpu.dma_semaphore, #tpu.memory_space<semaphore_mem>>
      %dma_start3A = tpu.memref_slice %arg9[%run_scoped3A_93, %mul3A_28] : memref<16x20480xf32, #tpu.memory_space<vmem_shared>> -> memref<1x1280xf32, #tpu.memory_space<vmem_shared>>
      %dma_start3A_150 = tpu.memref_squeeze %dma_start3A : memref<1x1280xf32, #tpu.memory_space<vmem_shared>> -> memref<1280xf32, #tpu.memory_space<vmem_shared>>
      %dma_start3A_151 = tpu.memref_slice %arg9[%run_scoped3A_93, %mul3A_28] : memref<16x20480xf32, #tpu.memory_space<vmem_shared>> -> memref<1x1280xf32, #tpu.memory_space<vmem_shared>>
      %dma_start3A_152 = tpu.memref_squeeze %dma_start3A_151 : memref<1x1280xf32, #tpu.memory_space<vmem_shared>> -> memref<1280xf32, #tpu.memory_space<vmem_shared>>
      tpu.enqueue_dma source(%dma_start3A_152 : memref<1280xf32, #tpu.memory_space<vmem_shared>>) target(%arg8 : memref<1280xf32, #tpu.memory_space<vmem>>) target_semaphore(%run_scoped3A_149 : memref<!tpu.dma_semaphore, #tpu.memory_space<semaphore_mem>>)
      %dma_wait3A = tpu.memref_slice %arg9[%run_scoped3A_93, %mul3A_28] : memref<16x20480xf32, #tpu.memory_space<vmem_shared>> -> memref<1x1280xf32, #tpu.memory_space<vmem_shared>>
      %dma_wait3A_153 = tpu.memref_squeeze %dma_wait3A : memref<1x1280xf32, #tpu.memory_space<vmem_shared>> -> memref<1280xf32, #tpu.memory_space<vmem_shared>>
      %dma_wait3A_154 = tpu.memref_slice %arg9[%run_scoped3A_93, %mul3A_28] : memref<16x20480xf32, #tpu.memory_space<vmem_shared>> -> memref<1x1280xf32, #tpu.memory_space<vmem_shared>>
      %dma_wait3A_155 = tpu.memref_squeeze %dma_wait3A_154 : memref<1x1280xf32, #tpu.memory_space<vmem_shared>> -> memref<1280xf32, #tpu.memory_space<vmem_shared>>
      tpu.wait_dma2 semaphore(%run_scoped3A_149 : memref<!tpu.dma_semaphore, #tpu.memory_space<semaphore_mem>>) src(%dma_wait3A_155 : memref<1280xf32, #tpu.memory_space<vmem_shared>>) dst(%arg8 : memref<1280xf32, #tpu.memory_space<vmem>>)
      tpu.yield
    }) : () -> ()
    %scan3A_94 = arith.constant 0 : i32
    %scan3A_95 = arith.constant 0 : i32
    %scan3A_96 = arith.constant 80 : i32
    %scan3A_97 = arith.addi %scan3A_95, %scan3A_96 : i32
    %scan3A_98 = arith.constant 1 : i32
    %scan3A_99 = scf.for %scan3A_149 = %scan3A_95 to %scan3A_97 step %scan3A_98 iter_args(%scan3A_150 = %scan3A_94) -> (i32)  : i32 {
      %mul3A_151 = arith.constant 16 : i32
      %mul3A_152 = arith.muli %scan3A_149, %mul3A_151 : i32
      %get3A_153 = arith.index_cast %mul3A_152 : i32 to index
      %get3A_154 = tpu.vector_load %arg7[%get3A_153] {strides = array<i32>} : memref<20480xf32, #tpu.memory_space<vmem>>, vector<16xf32>,
      %mul3A_155 = arith.constant 16 : i32
      %mul3A_156 = arith.muli %scan3A_149, %mul3A_155 : i32
      %get3A_157 = arith.index_cast %mul3A_156 : i32 to index
      %get3A_158 = tpu.vector_load %arg8[%get3A_157] {strides = array<i32>} : memref<1280xf32, #tpu.memory_space<vmem>>, vector<16xf32>,
      %add3A_159 = arith.addf %get3A_154, %get3A_158 : vector<16xf32>
      %mul3A_160 = arith.constant 16 : i32
      %mul3A_161 = arith.muli %scan3A_149, %mul3A_160 : i32
      %swap3A = arith.index_cast %mul3A_161 : i32 to index
      %swap3A_162 = tpu.vector_load %arg7[%swap3A] {strides = array<i32>} : memref<20480xf32, #tpu.memory_space<vmem>>, vector<16xf32>,
      tpu.vector_store %arg7[%swap3A], %add3A_159 {strides = array<i32>} : memref<20480xf32, #tpu.memory_space<vmem>>, vector<16xf32>,
      %scan3A_163 = arith.constant 0 : i32
      scf.yield %scan3A_163 : i32
    }
    %scan3A_100 = arith.constant 80 : i32
    %run_scoped3A_101 = arith.constant 10 : i32
    "tpu.region"() ({
      %run_scoped3A_149 = tpu.sem_alloc : memref<!tpu.dma_semaphore, #tpu.memory_space<semaphore_mem>>
      %dma_start3A = tpu.memref_slice %arg9[%run_scoped3A_101, %mul3A_28] : memref<16x20480xf32, #tpu.memory_space<vmem_shared>> -> memref<1x1280xf32, #tpu.memory_space<vmem_shared>>
      %dma_start3A_150 = tpu.memref_squeeze %dma_start3A : memref<1x1280xf32, #tpu.memory_space<vmem_shared>> -> memref<1280xf32, #tpu.memory_space<vmem_shared>>
      %dma_start3A_151 = tpu.memref_slice %arg9[%run_scoped3A_101, %mul3A_28] : memref<16x20480xf32, #tpu.memory_space<vmem_shared>> -> memref<1x1280xf32, #tpu.memory_space<vmem_shared>>
      %dma_start3A_152 = tpu.memref_squeeze %dma_start3A_151 : memref<1x1280xf32, #tpu.memory_space<vmem_shared>> -> memref<1280xf32, #tpu.memory_space<vmem_shared>>
      tpu.enqueue_dma source(%dma_start3A_152 : memref<1280xf32, #tpu.memory_space<vmem_shared>>) target(%arg8 : memref<1280xf32, #tpu.memory_space<vmem>>) target_semaphore(%run_scoped3A_149 : memref<!tpu.dma_semaphore, #tpu.memory_space<semaphore_mem>>)
      %dma_wait3A = tpu.memref_slice %arg9[%run_scoped3A_101, %mul3A_28] : memref<16x20480xf32, #tpu.memory_space<vmem_shared>> -> memref<1x1280xf32, #tpu.memory_space<vmem_shared>>
      %dma_wait3A_153 = tpu.memref_squeeze %dma_wait3A : memref<1x1280xf32, #tpu.memory_space<vmem_shared>> -> memref<1280xf32, #tpu.memory_space<vmem_shared>>
      %dma_wait3A_154 = tpu.memref_slice %arg9[%run_scoped3A_101, %mul3A_28] : memref<16x20480xf32, #tpu.memory_space<vmem_shared>> -> memref<1x1280xf32, #tpu.memory_space<vmem_shared>>
      %dma_wait3A_155 = tpu.memref_squeeze %dma_wait3A_154 : memref<1x1280xf32, #tpu.memory_space<vmem_shared>> -> memref<1280xf32, #tpu.memory_space<vmem_shared>>
      tpu.wait_dma2 semaphore(%run_scoped3A_149 : memref<!tpu.dma_semaphore, #tpu.memory_space<semaphore_mem>>) src(%dma_wait3A_155 : memref<1280xf32, #tpu.memory_space<vmem_shared>>) dst(%arg8 : memref<1280xf32, #tpu.memory_space<vmem>>)
      tpu.yield
    }) : () -> ()
    %scan3A_102 = arith.constant 0 : i32
    %scan3A_103 = arith.constant 0 : i32
    %scan3A_104 = arith.constant 80 : i32
    %scan3A_105 = arith.addi %scan3A_103, %scan3A_104 : i32
    %scan3A_106 = arith.constant 1 : i32
    %scan3A_107 = scf.for %scan3A_149 = %scan3A_103 to %scan3A_105 step %scan3A_106 iter_args(%scan3A_150 = %scan3A_102) -> (i32)  : i32 {
      %mul3A_151 = arith.constant 16 : i32
      %mul3A_152 = arith.muli %scan3A_149, %mul3A_151 : i32
      %get3A_153 = arith.index_cast %mul3A_152 : i32 to index
      %get3A_154 = tpu.vector_load %arg7[%get3A_153] {strides = array<i32>} : memref<20480xf32, #tpu.memory_space<vmem>>, vector<16xf32>,
      %mul3A_155 = arith.constant 16 : i32
      %mul3A_156 = arith.muli %scan3A_149, %mul3A_155 : i32
      %get3A_157 = arith.index_cast %mul3A_156 : i32 to index
      %get3A_158 = tpu.vector_load %arg8[%get3A_157] {strides = array<i32>} : memref<1280xf32, #tpu.memory_space<vmem>>, vector<16xf32>,
      %add3A_159 = arith.addf %get3A_154, %get3A_158 : vector<16xf32>
      %mul3A_160 = arith.constant 16 : i32
      %mul3A_161 = arith.muli %scan3A_149, %mul3A_160 : i32
      %swap3A = arith.index_cast %mul3A_161 : i32 to index
      %swap3A_162 = tpu.vector_load %arg7[%swap3A] {strides = array<i32>} : memref<20480xf32, #tpu.memory_space<vmem>>, vector<16xf32>,
      tpu.vector_store %arg7[%swap3A], %add3A_159 {strides = array<i32>} : memref<20480xf32, #tpu.memory_space<vmem>>, vector<16xf32>,
      %scan3A_163 = arith.constant 0 : i32
      scf.yield %scan3A_163 : i32
    }
    %scan3A_108 = arith.constant 80 : i32
    %run_scoped3A_109 = arith.constant 11 : i32
    "tpu.region"() ({
      %run_scoped3A_149 = tpu.sem_alloc : memref<!tpu.dma_semaphore, #tpu.memory_space<semaphore_mem>>
      %dma_start3A = tpu.memref_slice %arg9[%run_scoped3A_109, %mul3A_28] : memref<16x20480xf32, #tpu.memory_space<vmem_shared>> -> memref<1x1280xf32, #tpu.memory_space<vmem_shared>>
      %dma_start3A_150 = tpu.memref_squeeze %dma_start3A : memref<1x1280xf32, #tpu.memory_space<vmem_shared>> -> memref<1280xf32, #tpu.memory_space<vmem_shared>>
      %dma_start3A_151 = tpu.memref_slice %arg9[%run_scoped3A_109, %mul3A_28] : memref<16x20480xf32, #tpu.memory_space<vmem_shared>> -> memref<1x1280xf32, #tpu.memory_space<vmem_shared>>
      %dma_start3A_152 = tpu.memref_squeeze %dma_start3A_151 : memref<1x1280xf32, #tpu.memory_space<vmem_shared>> -> memref<1280xf32, #tpu.memory_space<vmem_shared>>
      tpu.enqueue_dma source(%dma_start3A_152 : memref<1280xf32, #tpu.memory_space<vmem_shared>>) target(%arg8 : memref<1280xf32, #tpu.memory_space<vmem>>) target_semaphore(%run_scoped3A_149 : memref<!tpu.dma_semaphore, #tpu.memory_space<semaphore_mem>>)
      %dma_wait3A = tpu.memref_slice %arg9[%run_scoped3A_109, %mul3A_28] : memref<16x20480xf32, #tpu.memory_space<vmem_shared>> -> memref<1x1280xf32, #tpu.memory_space<vmem_shared>>
      %dma_wait3A_153 = tpu.memref_squeeze %dma_wait3A : memref<1x1280xf32, #tpu.memory_space<vmem_shared>> -> memref<1280xf32, #tpu.memory_space<vmem_shared>>
      %dma_wait3A_154 = tpu.memref_slice %arg9[%run_scoped3A_109, %mul3A_28] : memref<16x20480xf32, #tpu.memory_space<vmem_shared>> -> memref<1x1280xf32, #tpu.memory_space<vmem_shared>>
      %dma_wait3A_155 = tpu.memref_squeeze %dma_wait3A_154 : memref<1x1280xf32, #tpu.memory_space<vmem_shared>> -> memref<1280xf32, #tpu.memory_space<vmem_shared>>
      tpu.wait_dma2 semaphore(%run_scoped3A_149 : memref<!tpu.dma_semaphore, #tpu.memory_space<semaphore_mem>>) src(%dma_wait3A_155 : memref<1280xf32, #tpu.memory_space<vmem_shared>>) dst(%arg8 : memref<1280xf32, #tpu.memory_space<vmem>>)
      tpu.yield
    }) : () -> ()
    %scan3A_110 = arith.constant 0 : i32
    %scan3A_111 = arith.constant 0 : i32
    %scan3A_112 = arith.constant 80 : i32
    %scan3A_113 = arith.addi %scan3A_111, %scan3A_112 : i32
    %scan3A_114 = arith.constant 1 : i32
    %scan3A_115 = scf.for %scan3A_149 = %scan3A_111 to %scan3A_113 step %scan3A_114 iter_args(%scan3A_150 = %scan3A_110) -> (i32)  : i32 {
      %mul3A_151 = arith.constant 16 : i32
      %mul3A_152 = arith.muli %scan3A_149, %mul3A_151 : i32
      %get3A_153 = arith.index_cast %mul3A_152 : i32 to index
      %get3A_154 = tpu.vector_load %arg7[%get3A_153] {strides = array<i32>} : memref<20480xf32, #tpu.memory_space<vmem>>, vector<16xf32>,
      %mul3A_155 = arith.constant 16 : i32
      %mul3A_156 = arith.muli %scan3A_149, %mul3A_155 : i32
      %get3A_157 = arith.index_cast %mul3A_156 : i32 to index
      %get3A_158 = tpu.vector_load %arg8[%get3A_157] {strides = array<i32>} : memref<1280xf32, #tpu.memory_space<vmem>>, vector<16xf32>,
      %add3A_159 = arith.addf %get3A_154, %get3A_158 : vector<16xf32>
      %mul3A_160 = arith.constant 16 : i32
      %mul3A_161 = arith.muli %scan3A_149, %mul3A_160 : i32
      %swap3A = arith.index_cast %mul3A_161 : i32 to index
      %swap3A_162 = tpu.vector_load %arg7[%swap3A] {strides = array<i32>} : memref<20480xf32, #tpu.memory_space<vmem>>, vector<16xf32>,
      tpu.vector_store %arg7[%swap3A], %add3A_159 {strides = array<i32>} : memref<20480xf32, #tpu.memory_space<vmem>>, vector<16xf32>,
      %scan3A_163 = arith.constant 0 : i32
      scf.yield %scan3A_163 : i32
    }
    %scan3A_116 = arith.constant 80 : i32
    %run_scoped3A_117 = arith.constant 12 : i32
    "tpu.region"() ({
      %run_scoped3A_149 = tpu.sem_alloc : memref<!tpu.dma_semaphore, #tpu.memory_space<semaphore_mem>>
      %dma_start3A = tpu.memref_slice %arg9[%run_scoped3A_117, %mul3A_28] : memref<16x20480xf32, #tpu.memory_space<vmem_shared>> -> memref<1x1280xf32, #tpu.memory_space<vmem_shared>>
      %dma_start3A_150 = tpu.memref_squeeze %dma_start3A : memref<1x1280xf32, #tpu.memory_space<vmem_shared>> -> memref<1280xf32, #tpu.memory_space<vmem_shared>>
      %dma_start3A_151 = tpu.memref_slice %arg9[%run_scoped3A_117, %mul3A_28] : memref<16x20480xf32, #tpu.memory_space<vmem_shared>> -> memref<1x1280xf32, #tpu.memory_space<vmem_shared>>
      %dma_start3A_152 = tpu.memref_squeeze %dma_start3A_151 : memref<1x1280xf32, #tpu.memory_space<vmem_shared>> -> memref<1280xf32, #tpu.memory_space<vmem_shared>>
      tpu.enqueue_dma source(%dma_start3A_152 : memref<1280xf32, #tpu.memory_space<vmem_shared>>) target(%arg8 : memref<1280xf32, #tpu.memory_space<vmem>>) target_semaphore(%run_scoped3A_149 : memref<!tpu.dma_semaphore, #tpu.memory_space<semaphore_mem>>)
      %dma_wait3A = tpu.memref_slice %arg9[%run_scoped3A_117, %mul3A_28] : memref<16x20480xf32, #tpu.memory_space<vmem_shared>> -> memref<1x1280xf32, #tpu.memory_space<vmem_shared>>
      %dma_wait3A_153 = tpu.memref_squeeze %dma_wait3A : memref<1x1280xf32, #tpu.memory_space<vmem_shared>> -> memref<1280xf32, #tpu.memory_space<vmem_shared>>
      %dma_wait3A_154 = tpu.memref_slice %arg9[%run_scoped3A_117, %mul3A_28] : memref<16x20480xf32, #tpu.memory_space<vmem_shared>> -> memref<1x1280xf32, #tpu.memory_space<vmem_shared>>
      %dma_wait3A_155 = tpu.memref_squeeze %dma_wait3A_154 : memref<1x1280xf32, #tpu.memory_space<vmem_shared>> -> memref<1280xf32, #tpu.memory_space<vmem_shared>>
      tpu.wait_dma2 semaphore(%run_scoped3A_149 : memref<!tpu.dma_semaphore, #tpu.memory_space<semaphore_mem>>) src(%dma_wait3A_155 : memref<1280xf32, #tpu.memory_space<vmem_shared>>) dst(%arg8 : memref<1280xf32, #tpu.memory_space<vmem>>)
      tpu.yield
    }) : () -> ()
    %scan3A_118 = arith.constant 0 : i32
    %scan3A_119 = arith.constant 0 : i32
    %scan3A_120 = arith.constant 80 : i32
    %scan3A_121 = arith.addi %scan3A_119, %scan3A_120 : i32
    %scan3A_122 = arith.constant 1 : i32
    %scan3A_123 = scf.for %scan3A_149 = %scan3A_119 to %scan3A_121 step %scan3A_122 iter_args(%scan3A_150 = %scan3A_118) -> (i32)  : i32 {
      %mul3A_151 = arith.constant 16 : i32
      %mul3A_152 = arith.muli %scan3A_149, %mul3A_151 : i32
      %get3A_153 = arith.index_cast %mul3A_152 : i32 to index
      %get3A_154 = tpu.vector_load %arg7[%get3A_153] {strides = array<i32>} : memref<20480xf32, #tpu.memory_space<vmem>>, vector<16xf32>,
      %mul3A_155 = arith.constant 16 : i32
      %mul3A_156 = arith.muli %scan3A_149, %mul3A_155 : i32
      %get3A_157 = arith.index_cast %mul3A_156 : i32 to index
      %get3A_158 = tpu.vector_load %arg8[%get3A_157] {strides = array<i32>} : memref<1280xf32, #tpu.memory_space<vmem>>, vector<16xf32>,
      %add3A_159 = arith.addf %get3A_154, %get3A_158 : vector<16xf32>
      %mul3A_160 = arith.constant 16 : i32
      %mul3A_161 = arith.muli %scan3A_149, %mul3A_160 : i32
      %swap3A = arith.index_cast %mul3A_161 : i32 to index
      %swap3A_162 = tpu.vector_load %arg7[%swap3A] {strides = array<i32>} : memref<20480xf32, #tpu.memory_space<vmem>>, vector<16xf32>,
      tpu.vector_store %arg7[%swap3A], %add3A_159 {strides = array<i32>} : memref<20480xf32, #tpu.memory_space<vmem>>, vector<16xf32>,
      %scan3A_163 = arith.constant 0 : i32
      scf.yield %scan3A_163 : i32
    }
    %scan3A_124 = arith.constant 80 : i32
    %run_scoped3A_125 = arith.constant 13 : i32
    "tpu.region"() ({
      %run_scoped3A_149 = tpu.sem_alloc : memref<!tpu.dma_semaphore, #tpu.memory_space<semaphore_mem>>
      %dma_start3A = tpu.memref_slice %arg9[%run_scoped3A_125, %mul3A_28] : memref<16x20480xf32, #tpu.memory_space<vmem_shared>> -> memref<1x1280xf32, #tpu.memory_space<vmem_shared>>
      %dma_start3A_150 = tpu.memref_squeeze %dma_start3A : memref<1x1280xf32, #tpu.memory_space<vmem_shared>> -> memref<1280xf32, #tpu.memory_space<vmem_shared>>
      %dma_start3A_151 = tpu.memref_slice %arg9[%run_scoped3A_125, %mul3A_28] : memref<16x20480xf32, #tpu.memory_space<vmem_shared>> -> memref<1x1280xf32, #tpu.memory_space<vmem_shared>>
      %dma_start3A_152 = tpu.memref_squeeze %dma_start3A_151 : memref<1x1280xf32, #tpu.memory_space<vmem_shared>> -> memref<1280xf32, #tpu.memory_space<vmem_shared>>
      tpu.enqueue_dma source(%dma_start3A_152 : memref<1280xf32, #tpu.memory_space<vmem_shared>>) target(%arg8 : memref<1280xf32, #tpu.memory_space<vmem>>) target_semaphore(%run_scoped3A_149 : memref<!tpu.dma_semaphore, #tpu.memory_space<semaphore_mem>>)
      %dma_wait3A = tpu.memref_slice %arg9[%run_scoped3A_125, %mul3A_28] : memref<16x20480xf32, #tpu.memory_space<vmem_shared>> -> memref<1x1280xf32, #tpu.memory_space<vmem_shared>>
      %dma_wait3A_153 = tpu.memref_squeeze %dma_wait3A : memref<1x1280xf32, #tpu.memory_space<vmem_shared>> -> memref<1280xf32, #tpu.memory_space<vmem_shared>>
      %dma_wait3A_154 = tpu.memref_slice %arg9[%run_scoped3A_125, %mul3A_28] : memref<16x20480xf32, #tpu.memory_space<vmem_shared>> -> memref<1x1280xf32, #tpu.memory_space<vmem_shared>>
      %dma_wait3A_155 = tpu.memref_squeeze %dma_wait3A_154 : memref<1x1280xf32, #tpu.memory_space<vmem_shared>> -> memref<1280xf32, #tpu.memory_space<vmem_shared>>
      tpu.wait_dma2 semaphore(%run_scoped3A_149 : memref<!tpu.dma_semaphore, #tpu.memory_space<semaphore_mem>>) src(%dma_wait3A_155 : memref<1280xf32, #tpu.memory_space<vmem_shared>>) dst(%arg8 : memref<1280xf32, #tpu.memory_space<vmem>>)
      tpu.yield
    }) : () -> ()
    %scan3A_126 = arith.constant 0 : i32
    %scan3A_127 = arith.constant 0 : i32
    %scan3A_128 = arith.constant 80 : i32
    %scan3A_129 = arith.addi %scan3A_127, %scan3A_128 : i32
    %scan3A_130 = arith.constant 1 : i32
    %scan3A_131 = scf.for %scan3A_149 = %scan3A_127 to %scan3A_129 step %scan3A_130 iter_args(%scan3A_150 = %scan3A_126) -> (i32)  : i32 {
      %mul3A_151 = arith.constant 16 : i32
      %mul3A_152 = arith.muli %scan3A_149, %mul3A_151 : i32
      %get3A_153 = arith.index_cast %mul3A_152 : i32 to index
      %get3A_154 = tpu.vector_load %arg7[%get3A_153] {strides = array<i32>} : memref<20480xf32, #tpu.memory_space<vmem>>, vector<16xf32>,
      %mul3A_155 = arith.constant 16 : i32
      %mul3A_156 = arith.muli %scan3A_149, %mul3A_155 : i32
      %get3A_157 = arith.index_cast %mul3A_156 : i32 to index
      %get3A_158 = tpu.vector_load %arg8[%get3A_157] {strides = array<i32>} : memref<1280xf32, #tpu.memory_space<vmem>>, vector<16xf32>,
      %add3A_159 = arith.addf %get3A_154, %get3A_158 : vector<16xf32>
      %mul3A_160 = arith.constant 16 : i32
      %mul3A_161 = arith.muli %scan3A_149, %mul3A_160 : i32
      %swap3A = arith.index_cast %mul3A_161 : i32 to index
      %swap3A_162 = tpu.vector_load %arg7[%swap3A] {strides = array<i32>} : memref<20480xf32, #tpu.memory_space<vmem>>, vector<16xf32>,
      tpu.vector_store %arg7[%swap3A], %add3A_159 {strides = array<i32>} : memref<20480xf32, #tpu.memory_space<vmem>>, vector<16xf32>,
      %scan3A_163 = arith.constant 0 : i32
      scf.yield %scan3A_163 : i32
    }
    %scan3A_132 = arith.constant 80 : i32
    %run_scoped3A_133 = arith.constant 14 : i32
    "tpu.region"() ({
      %run_scoped3A_149 = tpu.sem_alloc : memref<!tpu.dma_semaphore, #tpu.memory_space<semaphore_mem>>
      %dma_start3A = tpu.memref_slice %arg9[%run_scoped3A_133, %mul3A_28] : memref<16x20480xf32, #tpu.memory_space<vmem_shared>> -> memref<1x1280xf32, #tpu.memory_space<vmem_shared>>
      %dma_start3A_150 = tpu.memref_squeeze %dma_start3A : memref<1x1280xf32, #tpu.memory_space<vmem_shared>> -> memref<1280xf32, #tpu.memory_space<vmem_shared>>
      %dma_start3A_151 = tpu.memref_slice %arg9[%run_scoped3A_133, %mul3A_28] : memref<16x20480xf32, #tpu.memory_space<vmem_shared>> -> memref<1x1280xf32, #tpu.memory_space<vmem_shared>>
      %dma_start3A_152 = tpu.memref_squeeze %dma_start3A_151 : memref<1x1280xf32, #tpu.memory_space<vmem_shared>> -> memref<1280xf32, #tpu.memory_space<vmem_shared>>
      tpu.enqueue_dma source(%dma_start3A_152 : memref<1280xf32, #tpu.memory_space<vmem_shared>>) target(%arg8 : memref<1280xf32, #tpu.memory_space<vmem>>) target_semaphore(%run_scoped3A_149 : memref<!tpu.dma_semaphore, #tpu.memory_space<semaphore_mem>>)
      %dma_wait3A = tpu.memref_slice %arg9[%run_scoped3A_133, %mul3A_28] : memref<16x20480xf32, #tpu.memory_space<vmem_shared>> -> memref<1x1280xf32, #tpu.memory_space<vmem_shared>>
      %dma_wait3A_153 = tpu.memref_squeeze %dma_wait3A : memref<1x1280xf32, #tpu.memory_space<vmem_shared>> -> memref<1280xf32, #tpu.memory_space<vmem_shared>>
      %dma_wait3A_154 = tpu.memref_slice %arg9[%run_scoped3A_133, %mul3A_28] : memref<16x20480xf32, #tpu.memory_space<vmem_shared>> -> memref<1x1280xf32, #tpu.memory_space<vmem_shared>>
      %dma_wait3A_155 = tpu.memref_squeeze %dma_wait3A_154 : memref<1x1280xf32, #tpu.memory_space<vmem_shared>> -> memref<1280xf32, #tpu.memory_space<vmem_shared>>
      tpu.wait_dma2 semaphore(%run_scoped3A_149 : memref<!tpu.dma_semaphore, #tpu.memory_space<semaphore_mem>>) src(%dma_wait3A_155 : memref<1280xf32, #tpu.memory_space<vmem_shared>>) dst(%arg8 : memref<1280xf32, #tpu.memory_space<vmem>>)
      tpu.yield
    }) : () -> ()
    %scan3A_134 = arith.constant 0 : i32
    %scan3A_135 = arith.constant 0 : i32
    %scan3A_136 = arith.constant 80 : i32
    %scan3A_137 = arith.addi %scan3A_135, %scan3A_136 : i32
    %scan3A_138 = arith.constant 1 : i32
    %scan3A_139 = scf.for %scan3A_149 = %scan3A_135 to %scan3A_137 step %scan3A_138 iter_args(%scan3A_150 = %scan3A_134) -> (i32)  : i32 {
      %mul3A_151 = arith.constant 16 : i32
      %mul3A_152 = arith.muli %scan3A_149, %mul3A_151 : i32
      %get3A_153 = arith.index_cast %mul3A_152 : i32 to index
      %get3A_154 = tpu.vector_load %arg7[%get3A_153] {strides = array<i32>} : memref<20480xf32, #tpu.memory_space<vmem>>, vector<16xf32>,
      %mul3A_155 = arith.constant 16 : i32
      %mul3A_156 = arith.muli %scan3A_149, %mul3A_155 : i32
      %get3A_157 = arith.index_cast %mul3A_156 : i32 to index
      %get3A_158 = tpu.vector_load %arg8[%get3A_157] {strides = array<i32>} : memref<1280xf32, #tpu.memory_space<vmem>>, vector<16xf32>,
      %add3A_159 = arith.addf %get3A_154, %get3A_158 : vector<16xf32>
      %mul3A_160 = arith.constant 16 : i32
      %mul3A_161 = arith.muli %scan3A_149, %mul3A_160 : i32
      %swap3A = arith.index_cast %mul3A_161 : i32 to index
      %swap3A_162 = tpu.vector_load %arg7[%swap3A] {strides = array<i32>} : memref<20480xf32, #tpu.memory_space<vmem>>, vector<16xf32>,
      tpu.vector_store %arg7[%swap3A], %add3A_159 {strides = array<i32>} : memref<20480xf32, #tpu.memory_space<vmem>>, vector<16xf32>,
      %scan3A_163 = arith.constant 0 : i32
      scf.yield %scan3A_163 : i32
    }
    %scan3A_140 = arith.constant 80 : i32
    %run_scoped3A_141 = arith.constant 15 : i32
    "tpu.region"() ({
      %run_scoped3A_149 = tpu.sem_alloc : memref<!tpu.dma_semaphore, #tpu.memory_space<semaphore_mem>>
      %dma_start3A = tpu.memref_slice %arg9[%run_scoped3A_141, %mul3A_28] : memref<16x20480xf32, #tpu.memory_space<vmem_shared>> -> memref<1x1280xf32, #tpu.memory_space<vmem_shared>>
      %dma_start3A_150 = tpu.memref_squeeze %dma_start3A : memref<1x1280xf32, #tpu.memory_space<vmem_shared>> -> memref<1280xf32, #tpu.memory_space<vmem_shared>>
      %dma_start3A_151 = tpu.memref_slice %arg9[%run_scoped3A_141, %mul3A_28] : memref<16x20480xf32, #tpu.memory_space<vmem_shared>> -> memref<1x1280xf32, #tpu.memory_space<vmem_shared>>
      %dma_start3A_152 = tpu.memref_squeeze %dma_start3A_151 : memref<1x1280xf32, #tpu.memory_space<vmem_shared>> -> memref<1280xf32, #tpu.memory_space<vmem_shared>>
      tpu.enqueue_dma source(%dma_start3A_152 : memref<1280xf32, #tpu.memory_space<vmem_shared>>) target(%arg8 : memref<1280xf32, #tpu.memory_space<vmem>>) target_semaphore(%run_scoped3A_149 : memref<!tpu.dma_semaphore, #tpu.memory_space<semaphore_mem>>)
      %dma_wait3A = tpu.memref_slice %arg9[%run_scoped3A_141, %mul3A_28] : memref<16x20480xf32, #tpu.memory_space<vmem_shared>> -> memref<1x1280xf32, #tpu.memory_space<vmem_shared>>
      %dma_wait3A_153 = tpu.memref_squeeze %dma_wait3A : memref<1x1280xf32, #tpu.memory_space<vmem_shared>> -> memref<1280xf32, #tpu.memory_space<vmem_shared>>
      %dma_wait3A_154 = tpu.memref_slice %arg9[%run_scoped3A_141, %mul3A_28] : memref<16x20480xf32, #tpu.memory_space<vmem_shared>> -> memref<1x1280xf32, #tpu.memory_space<vmem_shared>>
      %dma_wait3A_155 = tpu.memref_squeeze %dma_wait3A_154 : memref<1x1280xf32, #tpu.memory_space<vmem_shared>> -> memref<1280xf32, #tpu.memory_space<vmem_shared>>
      tpu.wait_dma2 semaphore(%run_scoped3A_149 : memref<!tpu.dma_semaphore, #tpu.memory_space<semaphore_mem>>) src(%dma_wait3A_155 : memref<1280xf32, #tpu.memory_space<vmem_shared>>) dst(%arg8 : memref<1280xf32, #tpu.memory_space<vmem>>)
      tpu.yield
    }) : () -> ()
    %scan3A_142 = arith.constant 0 : i32
    %scan3A_143 = arith.constant 0 : i32
    %scan3A_144 = arith.constant 80 : i32
    %scan3A_145 = arith.addi %scan3A_143, %scan3A_144 : i32
    %scan3A_146 = arith.constant 1 : i32
    %scan3A_147 = scf.for %scan3A_149 = %scan3A_143 to %scan3A_145 step %scan3A_146 iter_args(%scan3A_150 = %scan3A_142) -> (i32)  : i32 {
      %mul3A_151 = arith.constant 16 : i32
      %mul3A_152 = arith.muli %scan3A_149, %mul3A_151 : i32
      %get3A_153 = arith.index_cast %mul3A_152 : i32 to index
      %get3A_154 = tpu.vector_load %arg7[%get3A_153] {strides = array<i32>} : memref<20480xf32, #tpu.memory_space<vmem>>, vector<16xf32>,
      %mul3A_155 = arith.constant 16 : i32
      %mul3A_156 = arith.muli %scan3A_149, %mul3A_155 : i32
      %get3A_157 = arith.index_cast %mul3A_156 : i32 to index
      %get3A_158 = tpu.vector_load %arg8[%get3A_157] {strides = array<i32>} : memref<1280xf32, #tpu.memory_space<vmem>>, vector<16xf32>,
      %add3A_159 = arith.addf %get3A_154, %get3A_158 : vector<16xf32>
      %mul3A_160 = arith.constant 16 : i32
      %mul3A_161 = arith.muli %scan3A_149, %mul3A_160 : i32
      %swap3A = arith.index_cast %mul3A_161 : i32 to index
      %swap3A_162 = tpu.vector_load %arg7[%swap3A] {strides = array<i32>} : memref<20480xf32, #tpu.memory_space<vmem>>, vector<16xf32>,
      tpu.vector_store %arg7[%swap3A], %add3A_159 {strides = array<i32>} : memref<20480xf32, #tpu.memory_space<vmem>>, vector<16xf32>,
      %scan3A_163 = arith.constant 0 : i32
      scf.yield %scan3A_163 : i32
    }
    %scan3A_148 = arith.constant 80 : i32
    "tpu.region"() ({
      %run_scoped3A_149 = tpu.sem_alloc : memref<!tpu.dma_semaphore, #tpu.memory_space<semaphore_mem>>
      %dma_start3A = arith.constant 0 : i32
      %dma_start3A_150 = tpu.memref_slice %arg7[%dma_start3A] : memref<20480xf32, #tpu.memory_space<vmem>> -> memref<1280xf32, #tpu.memory_space<vmem>>
      %dma_start3A_151 = tpu.memref_slice %arg4[%arg0, %mul3A_28] : memref<2x20480xf32, #tpu.memory_space<hbm>> -> memref<1x1280xf32, #tpu.memory_space<hbm>>
      %dma_start3A_152 = tpu.memref_squeeze %dma_start3A_151 : memref<1x1280xf32, #tpu.memory_space<hbm>> -> memref<1280xf32, #tpu.memory_space<hbm>>
      %dma_start3A_153 = tpu.memref_slice %arg4[%arg0, %mul3A_28] : memref<2x20480xf32, #tpu.memory_space<hbm>> -> memref<1x1280xf32, #tpu.memory_space<hbm>>
      %dma_start3A_154 = tpu.memref_squeeze %dma_start3A_153 : memref<1x1280xf32, #tpu.memory_space<hbm>> -> memref<1280xf32, #tpu.memory_space<hbm>>
      %dma_start3A_155 = arith.constant 0 : i32
      %dma_start3A_156 = tpu.memref_slice %arg7[%dma_start3A_155] : memref<20480xf32, #tpu.memory_space<vmem>> -> memref<1280xf32, #tpu.memory_space<vmem>>
      tpu.enqueue_dma source(%dma_start3A_156 : memref<1280xf32, #tpu.memory_space<vmem>>) target(%dma_start3A_154 : memref<1280xf32, #tpu.memory_space<hbm>>) target_semaphore(%run_scoped3A_149 : memref<!tpu.dma_semaphore, #tpu.memory_space<semaphore_mem>>)
      %dma_wait3A = arith.constant 0 : i32
      %dma_wait3A_157 = tpu.memref_slice %arg7[%dma_wait3A] : memref<20480xf32, #tpu.memory_space<vmem>> -> memref<1280xf32, #tpu.memory_space<vmem>>
      %dma_wait3A_158 = tpu.memref_slice %arg4[%arg0, %mul3A_28] : memref<2x20480xf32, #tpu.memory_space<hbm>> -> memref<1x1280xf32, #tpu.memory_space<hbm>>
      %dma_wait3A_159 = tpu.memref_squeeze %dma_wait3A_158 : memref<1x1280xf32, #tpu.memory_space<hbm>> -> memref<1280xf32, #tpu.memory_space<hbm>>
      %dma_wait3A_160 = tpu.memref_slice %arg4[%arg0, %mul3A_28] : memref<2x20480xf32, #tpu.memory_space<hbm>> -> memref<1x1280xf32, #tpu.memory_space<hbm>>
      %dma_wait3A_161 = tpu.memref_squeeze %dma_wait3A_160 : memref<1x1280xf32, #tpu.memory_space<hbm>> -> memref<1280xf32, #tpu.memory_space<hbm>>
      %dma_wait3A_162 = arith.constant 0 : i32
      %dma_wait3A_163 = tpu.memref_slice %arg7[%dma_wait3A_162] : memref<20480xf32, #tpu.memory_space<vmem>> -> memref<1280xf32, #tpu.memory_space<vmem>>
      tpu.wait_dma2 semaphore(%run_scoped3A_149 : memref<!tpu.dma_semaphore, #tpu.memory_space<semaphore_mem>>) src(%dma_wait3A_163 : memref<1280xf32, #tpu.memory_space<vmem>>) dst(%dma_wait3A_161 : memref<1280xf32, #tpu.memory_space<hbm>>)
      tpu.yield
    }) : () -> ()
    return
  }
}

#map = affine_map<(d0, d1) -> (0, 0)>
#map1 = affine_map<(d0, d1) -> (0)>
module attributes {stable_mosaic.version = 14 : i64} {
  func.func @_sc_gather_scale(%arg0: i32, %arg1: i32, %arg2: memref<10000x256xf32, #tpu.memory_space<hbm>>, %arg3: memref<64x80xi32, #tpu.memory_space<hbm>>, %arg4: memref<5120xf32, #tpu.memory_space<hbm>>, %arg5: memref<5120x256xf32, #tpu.memory_space<hbm>>, %arg6: memref<2x80xi32, #tpu.memory_space<vmem>>, %arg7: memref<160xf32, #tpu.memory_space<vmem>>, %arg8: memref<160x256xf32, #tpu.memory_space<vmem>>, %arg9: memref<!tpu.dma_semaphore, #tpu.memory_space<semaphore_mem>>) attributes {dimension_semantics = [#tpu.dimension_semantics<core_parallel>, #tpu.dimension_semantics<subcore_parallel>], iteration_bounds = array<i64: 2, 16>, scalar_prefetch = 0 : i64, scratch_operands = 4 : i64, tpu.core_type = #tpu.core_type<sc_vector_subcore>, window_params = [{transform_indices = #map}, {transform_indices = #map}, {transform_indices = #map1}, {transform_indices = #map}]} {
    %mul3A = arith.constant 2 : i32
    %mul3A_0 = arith.muli %arg1, %mul3A : i32
    %add3A = arith.addi %mul3A_0, %arg0 : i32
    %mul3A_1 = arith.constant 160 : i32
    %mul3A_2 = arith.muli %add3A, %mul3A_1 : i32
    %mul3A_3 = arith.constant 2 : i32
    %mul3A_4 = arith.muli %add3A, %mul3A_3 : i32
    "tpu.region"() ({
      %run_scoped3A = tpu.sem_alloc : memref<!tpu.dma_semaphore, #tpu.memory_space<semaphore_mem>>
      %dma_start3A_49 = arith.constant 0 : i32
      %dma_start3A_50 = tpu.memref_slice %arg3[%mul3A_4, %dma_start3A_49] : memref<64x80xi32, #tpu.memory_space<hbm>> -> memref<2x80xi32, #tpu.memory_space<hbm>>
      %dma_start3A_51 = arith.constant 0 : i32
      %dma_start3A_52 = tpu.memref_slice %arg3[%mul3A_4, %dma_start3A_51] : memref<64x80xi32, #tpu.memory_space<hbm>> -> memref<2x80xi32, #tpu.memory_space<hbm>>
      tpu.enqueue_dma source(%dma_start3A_52 : memref<2x80xi32, #tpu.memory_space<hbm>>) target(%arg6 : memref<2x80xi32, #tpu.memory_space<vmem>>) target_semaphore(%run_scoped3A : memref<!tpu.dma_semaphore, #tpu.memory_space<semaphore_mem>>)
      %dma_wait3A_53 = arith.constant 0 : i32
      %dma_wait3A_54 = tpu.memref_slice %arg3[%mul3A_4, %dma_wait3A_53] : memref<64x80xi32, #tpu.memory_space<hbm>> -> memref<2x80xi32, #tpu.memory_space<hbm>>
      %dma_wait3A_55 = arith.constant 0 : i32
      %dma_wait3A_56 = tpu.memref_slice %arg3[%mul3A_4, %dma_wait3A_55] : memref<64x80xi32, #tpu.memory_space<hbm>> -> memref<2x80xi32, #tpu.memory_space<hbm>>
      tpu.wait_dma2 semaphore(%run_scoped3A : memref<!tpu.dma_semaphore, #tpu.memory_space<semaphore_mem>>) src(%dma_wait3A_56 : memref<2x80xi32, #tpu.memory_space<hbm>>) dst(%arg6 : memref<2x80xi32, #tpu.memory_space<vmem>>)
      tpu.yield
    }) : () -> ()
    "tpu.region"() ({
      %run_scoped3A = tpu.sem_alloc : memref<!tpu.dma_semaphore, #tpu.memory_space<semaphore_mem>>
      %dma_start3A_49 = tpu.memref_slice %arg4[%mul3A_2] : memref<5120xf32, #tpu.memory_space<hbm>> -> memref<160xf32, #tpu.memory_space<hbm>>
      %dma_start3A_50 = tpu.memref_slice %arg4[%mul3A_2] : memref<5120xf32, #tpu.memory_space<hbm>> -> memref<160xf32, #tpu.memory_space<hbm>>
      tpu.enqueue_dma source(%dma_start3A_50 : memref<160xf32, #tpu.memory_space<hbm>>) target(%arg7 : memref<160xf32, #tpu.memory_space<vmem>>) target_semaphore(%run_scoped3A : memref<!tpu.dma_semaphore, #tpu.memory_space<semaphore_mem>>)
      %dma_wait3A_51 = tpu.memref_slice %arg4[%mul3A_2] : memref<5120xf32, #tpu.memory_space<hbm>> -> memref<160xf32, #tpu.memory_space<hbm>>
      %dma_wait3A_52 = tpu.memref_slice %arg4[%mul3A_2] : memref<5120xf32, #tpu.memory_space<hbm>> -> memref<160xf32, #tpu.memory_space<hbm>>
      tpu.wait_dma2 semaphore(%run_scoped3A : memref<!tpu.dma_semaphore, #tpu.memory_space<semaphore_mem>>) src(%dma_wait3A_52 : memref<160xf32, #tpu.memory_space<hbm>>) dst(%arg7 : memref<160xf32, #tpu.memory_space<vmem>>)
      tpu.yield
    }) : () -> ()
    %dma_start3A = arith.constant 0 : i32
    %dma_start3A_5 = arith.constant 0 : i32
    %dma_start3A_6 = arith.constant 0 : i32
    %dma_start3A_7 = tpu.memref_slice %arg8[%dma_start3A_5, %dma_start3A_6] : memref<160x256xf32, #tpu.memory_space<vmem>> -> memref<80x256xf32, #tpu.memory_space<vmem>>
    %dma_start3A_8 = arith.constant 0 : i32
    %dma_start3A_9 = tpu.memref_slice %arg6[%dma_start3A, %dma_start3A_8] : memref<2x80xi32, #tpu.memory_space<vmem>> -> memref<1x80xi32, #tpu.memory_space<vmem>>
    %dma_start3A_10 = tpu.memref_squeeze %dma_start3A_9 : memref<1x80xi32, #tpu.memory_space<vmem>> -> memref<80xi32, #tpu.memory_space<vmem>>
    %dma_start3A_11 = arith.constant 0 : i32
    %dma_start3A_12 = arith.constant 0 : i32
    %dma_start3A_13 = tpu.memref_slice %arg2[%dma_start3A_11, %dma_start3A_12] : memref<10000x256xf32, #tpu.memory_space<hbm>> -> memref<10000x256xf32, #tpu.memory_space<hbm>>
    tpu.enqueue_indirect_dma source(%dma_start3A_13 : memref<10000x256xf32, #tpu.memory_space<hbm>>) target(%dma_start3A_7 : memref<80x256xf32, #tpu.memory_space<vmem>>) offsets(%dma_start3A_10 : memref<80xi32, #tpu.memory_space<vmem>>) semaphore(%arg9 : memref<!tpu.dma_semaphore, #tpu.memory_space<semaphore_mem>>)
    %dma_start3A_14 = arith.constant 1 : i32
    %dma_start3A_15 = arith.constant 80 : i32
    %dma_start3A_16 = arith.constant 0 : i32
    %dma_start3A_17 = tpu.memref_slice %arg8[%dma_start3A_15, %dma_start3A_16] : memref<160x256xf32, #tpu.memory_space<vmem>> -> memref<80x256xf32, #tpu.memory_space<vmem>>
    %dma_start3A_18 = arith.constant 0 : i32
    %dma_start3A_19 = tpu.memref_slice %arg6[%dma_start3A_14, %dma_start3A_18] : memref<2x80xi32, #tpu.memory_space<vmem>> -> memref<1x80xi32, #tpu.memory_space<vmem>>
    %dma_start3A_20 = tpu.memref_squeeze %dma_start3A_19 : memref<1x80xi32, #tpu.memory_space<vmem>> -> memref<80xi32, #tpu.memory_space<vmem>>
    %dma_start3A_21 = arith.constant 0 : i32
    %dma_start3A_22 = arith.constant 0 : i32
    %dma_start3A_23 = tpu.memref_slice %arg2[%dma_start3A_21, %dma_start3A_22] : memref<10000x256xf32, #tpu.memory_space<hbm>> -> memref<10000x256xf32, #tpu.memory_space<hbm>>
    tpu.enqueue_indirect_dma source(%dma_start3A_23 : memref<10000x256xf32, #tpu.memory_space<hbm>>) target(%dma_start3A_17 : memref<80x256xf32, #tpu.memory_space<vmem>>) offsets(%dma_start3A_20 : memref<80xi32, #tpu.memory_space<vmem>>) semaphore(%arg9 : memref<!tpu.dma_semaphore, #tpu.memory_space<semaphore_mem>>)
    %dma_wait3A = arith.constant 0 : i32
    %dma_wait3A_24 = arith.constant 0 : i32
    %dma_wait3A_25 = arith.constant 0 : i32
    %dma_wait3A_26 = tpu.memref_slice %arg8[%dma_wait3A_24, %dma_wait3A_25] : memref<160x256xf32, #tpu.memory_space<vmem>> -> memref<80x256xf32, #tpu.memory_space<vmem>>
    %dma_wait3A_27 = arith.constant 0 : i32
    %dma_wait3A_28 = tpu.memref_slice %arg6[%dma_wait3A, %dma_wait3A_27] : memref<2x80xi32, #tpu.memory_space<vmem>> -> memref<1x80xi32, #tpu.memory_space<vmem>>
    %dma_wait3A_29 = tpu.memref_squeeze %dma_wait3A_28 : memref<1x80xi32, #tpu.memory_space<vmem>> -> memref<80xi32, #tpu.memory_space<vmem>>
    %dma_wait3A_30 = arith.constant 0 : i32
    %dma_wait3A_31 = arith.constant 0 : i32
    %dma_wait3A_32 = tpu.memref_slice %arg2[%dma_wait3A_30, %dma_wait3A_31] : memref<10000x256xf32, #tpu.memory_space<hbm>> -> memref<10000x256xf32, #tpu.memory_space<hbm>>
    tpu.wait_indirect_dma semaphore(%arg9 : memref<!tpu.dma_semaphore, #tpu.memory_space<semaphore_mem>>) src(%dma_wait3A_32 : memref<10000x256xf32, #tpu.memory_space<hbm>>) dst(%dma_wait3A_26 : memref<80x256xf32, #tpu.memory_space<vmem>>)
    %dma_wait3A_33 = arith.constant 1 : i32
    %dma_wait3A_34 = arith.constant 80 : i32
    %dma_wait3A_35 = arith.constant 0 : i32
    %dma_wait3A_36 = tpu.memref_slice %arg8[%dma_wait3A_34, %dma_wait3A_35] : memref<160x256xf32, #tpu.memory_space<vmem>> -> memref<80x256xf32, #tpu.memory_space<vmem>>
    %dma_wait3A_37 = arith.constant 0 : i32
    %dma_wait3A_38 = tpu.memref_slice %arg6[%dma_wait3A_33, %dma_wait3A_37] : memref<2x80xi32, #tpu.memory_space<vmem>> -> memref<1x80xi32, #tpu.memory_space<vmem>>
    %dma_wait3A_39 = tpu.memref_squeeze %dma_wait3A_38 : memref<1x80xi32, #tpu.memory_space<vmem>> -> memref<80xi32, #tpu.memory_space<vmem>>
    %dma_wait3A_40 = arith.constant 0 : i32
    %dma_wait3A_41 = arith.constant 0 : i32
    %dma_wait3A_42 = tpu.memref_slice %arg2[%dma_wait3A_40, %dma_wait3A_41] : memref<10000x256xf32, #tpu.memory_space<hbm>> -> memref<10000x256xf32, #tpu.memory_space<hbm>>
    tpu.wait_indirect_dma semaphore(%arg9 : memref<!tpu.dma_semaphore, #tpu.memory_space<semaphore_mem>>) src(%dma_wait3A_42 : memref<10000x256xf32, #tpu.memory_space<hbm>>) dst(%dma_wait3A_36 : memref<80x256xf32, #tpu.memory_space<vmem>>)
    %scan3A = arith.constant 0 : i32
    %scan3A_43 = arith.constant 0 : i32
    %scan3A_44 = arith.constant 160 : i32
    %scan3A_45 = arith.addi %scan3A_43, %scan3A_44 : i32
    %scan3A_46 = arith.constant 1 : i32
    %scan3A_47 = scf.for %scan3A_49 = %scan3A_43 to %scan3A_45 step %scan3A_46 iter_args(%scan3A_50 = %scan3A) -> (i32)  : i32 {
      %broadcast_in_dim3A = vector.broadcast %scan3A_49 : i32 to vector<16xi32>
      %gather3A = tpu.vector_load_idx %arg7[%broadcast_in_dim3A] : memref<160xf32, #tpu.memory_space<vmem>>[vector<16xi32>], vector<16xf32>,
      %get3A = arith.index_cast %scan3A_49 : i32 to index
      %get3A_51 = arith.constant 0 : index
      %get3A_52 = tpu.vector_load %arg8[%get3A, %get3A_51] {strides = array<i32>} : memref<160x256xf32, #tpu.memory_space<vmem>>, vector<16xf32>,
      %mul3A_53 = arith.mulf %get3A_52, %gather3A : vector<16xf32>
      %swap3A = arith.index_cast %scan3A_49 : i32 to index
      %swap3A_54 = arith.constant 0 : index
      %swap3A_55 = tpu.vector_load %arg8[%swap3A, %swap3A_54] {strides = array<i32>} : memref<160x256xf32, #tpu.memory_space<vmem>>, vector<16xf32>,
      tpu.vector_store %arg8[%swap3A, %swap3A_54], %mul3A_53 {strides = array<i32>} : memref<160x256xf32, #tpu.memory_space<vmem>>, vector<16xf32>,
      %get3A_56 = arith.index_cast %scan3A_49 : i32 to index
      %get3A_57 = arith.constant 16 : index
      %get3A_58 = tpu.vector_load %arg8[%get3A_56, %get3A_57] {strides = array<i32>} : memref<160x256xf32, #tpu.memory_space<vmem>>, vector<16xf32>,
      %mul3A_59 = arith.mulf %get3A_58, %gather3A : vector<16xf32>
      %swap3A_60 = arith.index_cast %scan3A_49 : i32 to index
      %swap3A_61 = arith.constant 16 : index
      %swap3A_62 = tpu.vector_load %arg8[%swap3A_60, %swap3A_61] {strides = array<i32>} : memref<160x256xf32, #tpu.memory_space<vmem>>, vector<16xf32>,
      tpu.vector_store %arg8[%swap3A_60, %swap3A_61], %mul3A_59 {strides = array<i32>} : memref<160x256xf32, #tpu.memory_space<vmem>>, vector<16xf32>,
      %get3A_63 = arith.index_cast %scan3A_49 : i32 to index
      %get3A_64 = arith.constant 32 : index
      %get3A_65 = tpu.vector_load %arg8[%get3A_63, %get3A_64] {strides = array<i32>} : memref<160x256xf32, #tpu.memory_space<vmem>>, vector<16xf32>,
      %mul3A_66 = arith.mulf %get3A_65, %gather3A : vector<16xf32>
      %swap3A_67 = arith.index_cast %scan3A_49 : i32 to index
      %swap3A_68 = arith.constant 32 : index
      %swap3A_69 = tpu.vector_load %arg8[%swap3A_67, %swap3A_68] {strides = array<i32>} : memref<160x256xf32, #tpu.memory_space<vmem>>, vector<16xf32>,
      tpu.vector_store %arg8[%swap3A_67, %swap3A_68], %mul3A_66 {strides = array<i32>} : memref<160x256xf32, #tpu.memory_space<vmem>>, vector<16xf32>,
      %get3A_70 = arith.index_cast %scan3A_49 : i32 to index
      %get3A_71 = arith.constant 48 : index
      %get3A_72 = tpu.vector_load %arg8[%get3A_70, %get3A_71] {strides = array<i32>} : memref<160x256xf32, #tpu.memory_space<vmem>>, vector<16xf32>,
      %mul3A_73 = arith.mulf %get3A_72, %gather3A : vector<16xf32>
      %swap3A_74 = arith.index_cast %scan3A_49 : i32 to index
      %swap3A_75 = arith.constant 48 : index
      %swap3A_76 = tpu.vector_load %arg8[%swap3A_74, %swap3A_75] {strides = array<i32>} : memref<160x256xf32, #tpu.memory_space<vmem>>, vector<16xf32>,
      tpu.vector_store %arg8[%swap3A_74, %swap3A_75], %mul3A_73 {strides = array<i32>} : memref<160x256xf32, #tpu.memory_space<vmem>>, vector<16xf32>,
      %get3A_77 = arith.index_cast %scan3A_49 : i32 to index
      %get3A_78 = arith.constant 64 : index
      %get3A_79 = tpu.vector_load %arg8[%get3A_77, %get3A_78] {strides = array<i32>} : memref<160x256xf32, #tpu.memory_space<vmem>>, vector<16xf32>,
      %mul3A_80 = arith.mulf %get3A_79, %gather3A : vector<16xf32>
      %swap3A_81 = arith.index_cast %scan3A_49 : i32 to index
      %swap3A_82 = arith.constant 64 : index
      %swap3A_83 = tpu.vector_load %arg8[%swap3A_81, %swap3A_82] {strides = array<i32>} : memref<160x256xf32, #tpu.memory_space<vmem>>, vector<16xf32>,
      tpu.vector_store %arg8[%swap3A_81, %swap3A_82], %mul3A_80 {strides = array<i32>} : memref<160x256xf32, #tpu.memory_space<vmem>>, vector<16xf32>,
      %get3A_84 = arith.index_cast %scan3A_49 : i32 to index
      %get3A_85 = arith.constant 80 : index
      %get3A_86 = tpu.vector_load %arg8[%get3A_84, %get3A_85] {strides = array<i32>} : memref<160x256xf32, #tpu.memory_space<vmem>>, vector<16xf32>,
      %mul3A_87 = arith.mulf %get3A_86, %gather3A : vector<16xf32>
      %swap3A_88 = arith.index_cast %scan3A_49 : i32 to index
      %swap3A_89 = arith.constant 80 : index
      %swap3A_90 = tpu.vector_load %arg8[%swap3A_88, %swap3A_89] {strides = array<i32>} : memref<160x256xf32, #tpu.memory_space<vmem>>, vector<16xf32>,
      tpu.vector_store %arg8[%swap3A_88, %swap3A_89], %mul3A_87 {strides = array<i32>} : memref<160x256xf32, #tpu.memory_space<vmem>>, vector<16xf32>,
      %get3A_91 = arith.index_cast %scan3A_49 : i32 to index
      %get3A_92 = arith.constant 96 : index
      %get3A_93 = tpu.vector_load %arg8[%get3A_91, %get3A_92] {strides = array<i32>} : memref<160x256xf32, #tpu.memory_space<vmem>>, vector<16xf32>,
      %mul3A_94 = arith.mulf %get3A_93, %gather3A : vector<16xf32>
      %swap3A_95 = arith.index_cast %scan3A_49 : i32 to index
      %swap3A_96 = arith.constant 96 : index
      %swap3A_97 = tpu.vector_load %arg8[%swap3A_95, %swap3A_96] {strides = array<i32>} : memref<160x256xf32, #tpu.memory_space<vmem>>, vector<16xf32>,
      tpu.vector_store %arg8[%swap3A_95, %swap3A_96], %mul3A_94 {strides = array<i32>} : memref<160x256xf32, #tpu.memory_space<vmem>>, vector<16xf32>,
      %get3A_98 = arith.index_cast %scan3A_49 : i32 to index
      %get3A_99 = arith.constant 112 : index
      %get3A_100 = tpu.vector_load %arg8[%get3A_98, %get3A_99] {strides = array<i32>} : memref<160x256xf32, #tpu.memory_space<vmem>>, vector<16xf32>,
      %mul3A_101 = arith.mulf %get3A_100, %gather3A : vector<16xf32>
      %swap3A_102 = arith.index_cast %scan3A_49 : i32 to index
      %swap3A_103 = arith.constant 112 : index
      %swap3A_104 = tpu.vector_load %arg8[%swap3A_102, %swap3A_103] {strides = array<i32>} : memref<160x256xf32, #tpu.memory_space<vmem>>, vector<16xf32>,
      tpu.vector_store %arg8[%swap3A_102, %swap3A_103], %mul3A_101 {strides = array<i32>} : memref<160x256xf32, #tpu.memory_space<vmem>>, vector<16xf32>,
      %get3A_105 = arith.index_cast %scan3A_49 : i32 to index
      %get3A_106 = arith.constant 128 : index
      %get3A_107 = tpu.vector_load %arg8[%get3A_105, %get3A_106] {strides = array<i32>} : memref<160x256xf32, #tpu.memory_space<vmem>>, vector<16xf32>,
      %mul3A_108 = arith.mulf %get3A_107, %gather3A : vector<16xf32>
      %swap3A_109 = arith.index_cast %scan3A_49 : i32 to index
      %swap3A_110 = arith.constant 128 : index
      %swap3A_111 = tpu.vector_load %arg8[%swap3A_109, %swap3A_110] {strides = array<i32>} : memref<160x256xf32, #tpu.memory_space<vmem>>, vector<16xf32>,
      tpu.vector_store %arg8[%swap3A_109, %swap3A_110], %mul3A_108 {strides = array<i32>} : memref<160x256xf32, #tpu.memory_space<vmem>>, vector<16xf32>,
      %get3A_112 = arith.index_cast %scan3A_49 : i32 to index
      %get3A_113 = arith.constant 144 : index
      %get3A_114 = tpu.vector_load %arg8[%get3A_112, %get3A_113] {strides = array<i32>} : memref<160x256xf32, #tpu.memory_space<vmem>>, vector<16xf32>,
      %mul3A_115 = arith.mulf %get3A_114, %gather3A : vector<16xf32>
      %swap3A_116 = arith.index_cast %scan3A_49 : i32 to index
      %swap3A_117 = arith.constant 144 : index
      %swap3A_118 = tpu.vector_load %arg8[%swap3A_116, %swap3A_117] {strides = array<i32>} : memref<160x256xf32, #tpu.memory_space<vmem>>, vector<16xf32>,
      tpu.vector_store %arg8[%swap3A_116, %swap3A_117], %mul3A_115 {strides = array<i32>} : memref<160x256xf32, #tpu.memory_space<vmem>>, vector<16xf32>,
      %get3A_119 = arith.index_cast %scan3A_49 : i32 to index
      %get3A_120 = arith.constant 160 : index
      %get3A_121 = tpu.vector_load %arg8[%get3A_119, %get3A_120] {strides = array<i32>} : memref<160x256xf32, #tpu.memory_space<vmem>>, vector<16xf32>,
      %mul3A_122 = arith.mulf %get3A_121, %gather3A : vector<16xf32>
      %swap3A_123 = arith.index_cast %scan3A_49 : i32 to index
      %swap3A_124 = arith.constant 160 : index
      %swap3A_125 = tpu.vector_load %arg8[%swap3A_123, %swap3A_124] {strides = array<i32>} : memref<160x256xf32, #tpu.memory_space<vmem>>, vector<16xf32>,
      tpu.vector_store %arg8[%swap3A_123, %swap3A_124], %mul3A_122 {strides = array<i32>} : memref<160x256xf32, #tpu.memory_space<vmem>>, vector<16xf32>,
      %get3A_126 = arith.index_cast %scan3A_49 : i32 to index
      %get3A_127 = arith.constant 176 : index
      %get3A_128 = tpu.vector_load %arg8[%get3A_126, %get3A_127] {strides = array<i32>} : memref<160x256xf32, #tpu.memory_space<vmem>>, vector<16xf32>,
      %mul3A_129 = arith.mulf %get3A_128, %gather3A : vector<16xf32>
      %swap3A_130 = arith.index_cast %scan3A_49 : i32 to index
      %swap3A_131 = arith.constant 176 : index
      %swap3A_132 = tpu.vector_load %arg8[%swap3A_130, %swap3A_131] {strides = array<i32>} : memref<160x256xf32, #tpu.memory_space<vmem>>, vector<16xf32>,
      tpu.vector_store %arg8[%swap3A_130, %swap3A_131], %mul3A_129 {strides = array<i32>} : memref<160x256xf32, #tpu.memory_space<vmem>>, vector<16xf32>,
      %get3A_133 = arith.index_cast %scan3A_49 : i32 to index
      %get3A_134 = arith.constant 192 : index
      %get3A_135 = tpu.vector_load %arg8[%get3A_133, %get3A_134] {strides = array<i32>} : memref<160x256xf32, #tpu.memory_space<vmem>>, vector<16xf32>,
      %mul3A_136 = arith.mulf %get3A_135, %gather3A : vector<16xf32>
      %swap3A_137 = arith.index_cast %scan3A_49 : i32 to index
      %swap3A_138 = arith.constant 192 : index
      %swap3A_139 = tpu.vector_load %arg8[%swap3A_137, %swap3A_138] {strides = array<i32>} : memref<160x256xf32, #tpu.memory_space<vmem>>, vector<16xf32>,
      tpu.vector_store %arg8[%swap3A_137, %swap3A_138], %mul3A_136 {strides = array<i32>} : memref<160x256xf32, #tpu.memory_space<vmem>>, vector<16xf32>,
      %get3A_140 = arith.index_cast %scan3A_49 : i32 to index
      %get3A_141 = arith.constant 208 : index
      %get3A_142 = tpu.vector_load %arg8[%get3A_140, %get3A_141] {strides = array<i32>} : memref<160x256xf32, #tpu.memory_space<vmem>>, vector<16xf32>,
      %mul3A_143 = arith.mulf %get3A_142, %gather3A : vector<16xf32>
      %swap3A_144 = arith.index_cast %scan3A_49 : i32 to index
      %swap3A_145 = arith.constant 208 : index
      %swap3A_146 = tpu.vector_load %arg8[%swap3A_144, %swap3A_145] {strides = array<i32>} : memref<160x256xf32, #tpu.memory_space<vmem>>, vector<16xf32>,
      tpu.vector_store %arg8[%swap3A_144, %swap3A_145], %mul3A_143 {strides = array<i32>} : memref<160x256xf32, #tpu.memory_space<vmem>>, vector<16xf32>,
      %get3A_147 = arith.index_cast %scan3A_49 : i32 to index
      %get3A_148 = arith.constant 224 : index
      %get3A_149 = tpu.vector_load %arg8[%get3A_147, %get3A_148] {strides = array<i32>} : memref<160x256xf32, #tpu.memory_space<vmem>>, vector<16xf32>,
      %mul3A_150 = arith.mulf %get3A_149, %gather3A : vector<16xf32>
      %swap3A_151 = arith.index_cast %scan3A_49 : i32 to index
      %swap3A_152 = arith.constant 224 : index
      %swap3A_153 = tpu.vector_load %arg8[%swap3A_151, %swap3A_152] {strides = array<i32>} : memref<160x256xf32, #tpu.memory_space<vmem>>, vector<16xf32>,
      tpu.vector_store %arg8[%swap3A_151, %swap3A_152], %mul3A_150 {strides = array<i32>} : memref<160x256xf32, #tpu.memory_space<vmem>>, vector<16xf32>,
      %get3A_154 = arith.index_cast %scan3A_49 : i32 to index
      %get3A_155 = arith.constant 240 : index
      %get3A_156 = tpu.vector_load %arg8[%get3A_154, %get3A_155] {strides = array<i32>} : memref<160x256xf32, #tpu.memory_space<vmem>>, vector<16xf32>,
      %mul3A_157 = arith.mulf %get3A_156, %gather3A : vector<16xf32>
      %swap3A_158 = arith.index_cast %scan3A_49 : i32 to index
      %swap3A_159 = arith.constant 240 : index
      %swap3A_160 = tpu.vector_load %arg8[%swap3A_158, %swap3A_159] {strides = array<i32>} : memref<160x256xf32, #tpu.memory_space<vmem>>, vector<16xf32>,
      tpu.vector_store %arg8[%swap3A_158, %swap3A_159], %mul3A_157 {strides = array<i32>} : memref<160x256xf32, #tpu.memory_space<vmem>>, vector<16xf32>,
      %scan3A_161 = arith.constant 0 : i32
      scf.yield %scan3A_161 : i32
    }
    %scan3A_48 = arith.constant 160 : i32
    "tpu.region"() ({
      %run_scoped3A = tpu.sem_alloc : memref<!tpu.dma_semaphore, #tpu.memory_space<semaphore_mem>>
      %dma_start3A_49 = arith.constant 0 : i32
      %dma_start3A_50 = tpu.memref_slice %arg5[%mul3A_2, %dma_start3A_49] : memref<5120x256xf32, #tpu.memory_space<hbm>> -> memref<160x256xf32, #tpu.memory_space<hbm>>
      %dma_start3A_51 = arith.constant 0 : i32
      %dma_start3A_52 = tpu.memref_slice %arg5[%mul3A_2, %dma_start3A_51] : memref<5120x256xf32, #tpu.memory_space<hbm>> -> memref<160x256xf32, #tpu.memory_space<hbm>>
      tpu.enqueue_dma source(%arg8 : memref<160x256xf32, #tpu.memory_space<vmem>>) target(%dma_start3A_52 : memref<160x256xf32, #tpu.memory_space<hbm>>) target_semaphore(%run_scoped3A : memref<!tpu.dma_semaphore, #tpu.memory_space<semaphore_mem>>)
      %dma_wait3A_53 = arith.constant 0 : i32
      %dma_wait3A_54 = tpu.memref_slice %arg5[%mul3A_2, %dma_wait3A_53] : memref<5120x256xf32, #tpu.memory_space<hbm>> -> memref<160x256xf32, #tpu.memory_space<hbm>>
      %dma_wait3A_55 = arith.constant 0 : i32
      %dma_wait3A_56 = tpu.memref_slice %arg5[%mul3A_2, %dma_wait3A_55] : memref<5120x256xf32, #tpu.memory_space<hbm>> -> memref<160x256xf32, #tpu.memory_space<hbm>>
      tpu.wait_dma2 semaphore(%run_scoped3A : memref<!tpu.dma_semaphore, #tpu.memory_space<semaphore_mem>>) src(%arg8 : memref<160x256xf32, #tpu.memory_space<vmem>>) dst(%dma_wait3A_56 : memref<160x256xf32, #tpu.memory_space<hbm>>)
      tpu.yield
    }) : () -> ()
    return
  }
}

#map = affine_map<(d0, d1) -> (0)>
#map1 = affine_map<(d0, d1) -> (0, 0)>
module attributes {stable_mosaic.version = 14 : i64} {
  func.func @_sc_aggregate(%arg0: i32, %arg1: i32, %arg2: memref<160000xi32, #tpu.memory_space<hbm>>, %arg3: memref<160000xi32, #tpu.memory_space<hbm>>, %arg4: memref<10000xf32, #tpu.memory_space<hbm>>, %arg5: memref<2x10240xf32, #tpu.memory_space<hbm>>, %arg6: memref<5000xi32, #tpu.memory_space<vmem>>, %arg7: memref<5000xi32, #tpu.memory_space<vmem>>, %arg8: memref<10000xf32, #tpu.memory_space<vmem>>, %arg9: memref<10240xf32, #tpu.memory_space<vmem>>, %arg10: memref<640xf32, #tpu.memory_space<vmem>>, %arg11: memref<16x10240xf32, #tpu.memory_space<vmem_shared>>) attributes {dimension_semantics = [#tpu.dimension_semantics<core_parallel>, #tpu.dimension_semantics<subcore_parallel>], iteration_bounds = array<i64: 2, 16>, scalar_prefetch = 0 : i64, scratch_operands = 6 : i64, tpu.core_type = #tpu.core_type<sc_vector_subcore>, window_params = [{transform_indices = #map}, {transform_indices = #map}, {transform_indices = #map}, {transform_indices = #map1}]} {
    %mul3A = arith.constant 2 : i32
    %mul3A_0 = arith.muli %arg1, %mul3A : i32
    %add3A = arith.addi %mul3A_0, %arg0 : i32
    %mul3A_1 = arith.constant 5000 : i32
    %mul3A_2 = arith.muli %add3A, %mul3A_1 : i32
    "tpu.region"() ({
      %run_scoped3A_144 = tpu.sem_alloc : memref<!tpu.dma_semaphore, #tpu.memory_space<semaphore_mem>>
      %dma_start3A = tpu.memref_slice %arg2[%mul3A_2] : memref<160000xi32, #tpu.memory_space<hbm>> -> memref<5000xi32, #tpu.memory_space<hbm>>
      %dma_start3A_145 = tpu.memref_slice %arg2[%mul3A_2] : memref<160000xi32, #tpu.memory_space<hbm>> -> memref<5000xi32, #tpu.memory_space<hbm>>
      tpu.enqueue_dma source(%dma_start3A_145 : memref<5000xi32, #tpu.memory_space<hbm>>) target(%arg6 : memref<5000xi32, #tpu.memory_space<vmem>>) target_semaphore(%run_scoped3A_144 : memref<!tpu.dma_semaphore, #tpu.memory_space<semaphore_mem>>)
      %dma_wait3A = tpu.memref_slice %arg2[%mul3A_2] : memref<160000xi32, #tpu.memory_space<hbm>> -> memref<5000xi32, #tpu.memory_space<hbm>>
      %dma_wait3A_146 = tpu.memref_slice %arg2[%mul3A_2] : memref<160000xi32, #tpu.memory_space<hbm>> -> memref<5000xi32, #tpu.memory_space<hbm>>
      tpu.wait_dma2 semaphore(%run_scoped3A_144 : memref<!tpu.dma_semaphore, #tpu.memory_space<semaphore_mem>>) src(%dma_wait3A_146 : memref<5000xi32, #tpu.memory_space<hbm>>) dst(%arg6 : memref<5000xi32, #tpu.memory_space<vmem>>)
      tpu.yield
    }) : () -> ()
    "tpu.region"() ({
      %run_scoped3A_144 = tpu.sem_alloc : memref<!tpu.dma_semaphore, #tpu.memory_space<semaphore_mem>>
      %dma_start3A = tpu.memref_slice %arg3[%mul3A_2] : memref<160000xi32, #tpu.memory_space<hbm>> -> memref<5000xi32, #tpu.memory_space<hbm>>
      %dma_start3A_145 = tpu.memref_slice %arg3[%mul3A_2] : memref<160000xi32, #tpu.memory_space<hbm>> -> memref<5000xi32, #tpu.memory_space<hbm>>
      tpu.enqueue_dma source(%dma_start3A_145 : memref<5000xi32, #tpu.memory_space<hbm>>) target(%arg7 : memref<5000xi32, #tpu.memory_space<vmem>>) target_semaphore(%run_scoped3A_144 : memref<!tpu.dma_semaphore, #tpu.memory_space<semaphore_mem>>)
      %dma_wait3A = tpu.memref_slice %arg3[%mul3A_2] : memref<160000xi32, #tpu.memory_space<hbm>> -> memref<5000xi32, #tpu.memory_space<hbm>>
      %dma_wait3A_146 = tpu.memref_slice %arg3[%mul3A_2] : memref<160000xi32, #tpu.memory_space<hbm>> -> memref<5000xi32, #tpu.memory_space<hbm>>
      tpu.wait_dma2 semaphore(%run_scoped3A_144 : memref<!tpu.dma_semaphore, #tpu.memory_space<semaphore_mem>>) src(%dma_wait3A_146 : memref<5000xi32, #tpu.memory_space<hbm>>) dst(%arg7 : memref<5000xi32, #tpu.memory_space<vmem>>)
      tpu.yield
    }) : () -> ()
    "tpu.region"() ({
      %run_scoped3A_144 = tpu.sem_alloc : memref<!tpu.dma_semaphore, #tpu.memory_space<semaphore_mem>>
      tpu.enqueue_dma source(%arg4 : memref<10000xf32, #tpu.memory_space<hbm>>) target(%arg8 : memref<10000xf32, #tpu.memory_space<vmem>>) target_semaphore(%run_scoped3A_144 : memref<!tpu.dma_semaphore, #tpu.memory_space<semaphore_mem>>)
      tpu.wait_dma2 semaphore(%run_scoped3A_144 : memref<!tpu.dma_semaphore, #tpu.memory_space<semaphore_mem>>) src(%arg4 : memref<10000xf32, #tpu.memory_space<hbm>>) dst(%arg8 : memref<10000xf32, #tpu.memory_space<vmem>>)
      tpu.yield
    }) : () -> ()
    %broadcast_in_dim3A = arith.constant 0.000000e+00 : f32
    %broadcast_in_dim3A_3 = vector.broadcast %broadcast_in_dim3A : f32 to vector<16xf32>
    %scan3A = arith.constant 0 : i32
    %scan3A_4 = arith.constant 0 : i32
    %scan3A_5 = arith.constant 640 : i32
    %scan3A_6 = arith.addi %scan3A_4, %scan3A_5 : i32
    %scan3A_7 = arith.constant 1 : i32
    %scan3A_8 = scf.for %scan3A_144 = %scan3A_4 to %scan3A_6 step %scan3A_7 iter_args(%scan3A_145 = %scan3A) -> (i32)  : i32 {
      %mul3A_146 = arith.constant 16 : i32
      %mul3A_147 = arith.muli %scan3A_144, %mul3A_146 : i32
      %swap3A = arith.index_cast %mul3A_147 : i32 to index
      %swap3A_148 = tpu.vector_load %arg9[%swap3A] {strides = array<i32>} : memref<10240xf32, #tpu.memory_space<vmem>>, vector<16xf32>,
      tpu.vector_store %arg9[%swap3A], %broadcast_in_dim3A_3 {strides = array<i32>} : memref<10240xf32, #tpu.memory_space<vmem>>, vector<16xf32>,
      %scan3A_149 = arith.constant 0 : i32
      scf.yield %scan3A_149 : i32
    }
    %scan3A_9 = arith.constant 640 : i32
    %scan3A_10 = arith.constant 0 : i32
    %scan3A_11 = arith.constant 0 : i32
    %scan3A_12 = arith.constant 312 : i32
    %scan3A_13 = arith.addi %scan3A_11, %scan3A_12 : i32
    %scan3A_14 = arith.constant 1 : i32
    %scan3A_15 = scf.for %scan3A_144 = %scan3A_11 to %scan3A_13 step %scan3A_14 iter_args(%scan3A_145 = %scan3A_10) -> (i32)  : i32 {
      %mul3A_146 = arith.constant 16 : i32
      %mul3A_147 = arith.muli %scan3A_144, %mul3A_146 : i32
      %get3A_148 = arith.index_cast %mul3A_147 : i32 to index
      %get3A_149 = tpu.vector_load %arg6[%get3A_148] {strides = array<i32>} : memref<5000xi32, #tpu.memory_space<vmem>>, vector<16xi32>,
      %get3A_150 = arith.index_cast %mul3A_147 : i32 to index
      %get3A_151 = tpu.vector_load %arg7[%get3A_150] {strides = array<i32>} : memref<5000xi32, #tpu.memory_space<vmem>>, vector<16xi32>,
      %gather3A_152 = tpu.vector_load_idx %arg8[%get3A_149] : memref<10000xf32, #tpu.memory_space<vmem>>[vector<16xi32>], vector<16xf32>,
      tpu.vector_store_idx %arg9[%get3A_151], %gather3A_152 {add = true} : memref<10240xf32, #tpu.memory_space<vmem>>[vector<16xi32>], vector<16xf32>,
      %scan3A_153 = arith.constant 0 : i32
      scf.yield %scan3A_153 : i32
    }
    %scan3A_16 = arith.constant 312 : i32
    %iota3A = tpu.iota {dimensions = array<i32: 0>} : vector<16xi32>
    %ge3A = arith.constant 8 : i32
    %ge3A_17 = vector.broadcast %ge3A : i32 to vector<16xi32>
    %ge3A_18 = arith.cmpi sge, %iota3A, %ge3A_17 : vector<16xi32>
    %get3A = arith.constant 4984 : index
    %get3A_19 = tpu.vector_load %arg6[%get3A] {strides = array<i32>} : memref<5000xi32, #tpu.memory_space<vmem>>, vector<16xi32>,
    %get3A_20 = arith.constant 4984 : index
    %get3A_21 = tpu.vector_load %arg7[%get3A_20] {strides = array<i32>} : memref<5000xi32, #tpu.memory_space<vmem>>, vector<16xi32>,
    %gather3A = tpu.vector_load_idx %arg8[%get3A_19] masked %ge3A_18 : memref<10000xf32, #tpu.memory_space<vmem>>[vector<16xi32>], vector<16xf32>, vector<16xi1>
    tpu.vector_store_idx %arg9[%get3A_21], %gather3A masked %ge3A_18 {add = true} : memref<10240xf32, #tpu.memory_space<vmem>>[vector<16xi32>], vector<16xf32>, vector<16xi1>
    "tpu.region"() ({
      %run_scoped3A_144 = tpu.sem_alloc : memref<!tpu.dma_semaphore, #tpu.memory_space<semaphore_mem>>
      %dma_start3A = arith.constant 0 : i32
      %dma_start3A_145 = tpu.memref_slice %arg11[%arg1, %dma_start3A] : memref<16x10240xf32, #tpu.memory_space<vmem_shared>> -> memref<1x10240xf32, #tpu.memory_space<vmem_shared>>
      %dma_start3A_146 = tpu.memref_squeeze %dma_start3A_145 : memref<1x10240xf32, #tpu.memory_space<vmem_shared>> -> memref<10240xf32, #tpu.memory_space<vmem_shared>>
      %dma_start3A_147 = arith.constant 0 : i32
      %dma_start3A_148 = tpu.memref_slice %arg11[%arg1, %dma_start3A_147] : memref<16x10240xf32, #tpu.memory_space<vmem_shared>> -> memref<1x10240xf32, #tpu.memory_space<vmem_shared>>
      %dma_start3A_149 = tpu.memref_squeeze %dma_start3A_148 : memref<1x10240xf32, #tpu.memory_space<vmem_shared>> -> memref<10240xf32, #tpu.memory_space<vmem_shared>>
      tpu.enqueue_dma source(%arg9 : memref<10240xf32, #tpu.memory_space<vmem>>) target(%dma_start3A_149 : memref<10240xf32, #tpu.memory_space<vmem_shared>>) target_semaphore(%run_scoped3A_144 : memref<!tpu.dma_semaphore, #tpu.memory_space<semaphore_mem>>)
      %dma_wait3A = arith.constant 0 : i32
      %dma_wait3A_150 = tpu.memref_slice %arg11[%arg1, %dma_wait3A] : memref<16x10240xf32, #tpu.memory_space<vmem_shared>> -> memref<1x10240xf32, #tpu.memory_space<vmem_shared>>
      %dma_wait3A_151 = tpu.memref_squeeze %dma_wait3A_150 : memref<1x10240xf32, #tpu.memory_space<vmem_shared>> -> memref<10240xf32, #tpu.memory_space<vmem_shared>>
      %dma_wait3A_152 = arith.constant 0 : i32
      %dma_wait3A_153 = tpu.memref_slice %arg11[%arg1, %dma_wait3A_152] : memref<16x10240xf32, #tpu.memory_space<vmem_shared>> -> memref<1x10240xf32, #tpu.memory_space<vmem_shared>>
      %dma_wait3A_154 = tpu.memref_squeeze %dma_wait3A_153 : memref<1x10240xf32, #tpu.memory_space<vmem_shared>> -> memref<10240xf32, #tpu.memory_space<vmem_shared>>
      tpu.wait_dma2 semaphore(%run_scoped3A_144 : memref<!tpu.dma_semaphore, #tpu.memory_space<semaphore_mem>>) src(%arg9 : memref<10240xf32, #tpu.memory_space<vmem>>) dst(%dma_wait3A_154 : memref<10240xf32, #tpu.memory_space<vmem_shared>>)
      tpu.yield
    }) : () -> ()
    %barrier3A = arith.constant 0 : index
    tpu.barrier barrier_id(%barrier3A)
    %mul3A_22 = arith.constant 640 : i32
    %mul3A_23 = arith.muli %arg1, %mul3A_22 : i32
    %run_scoped3A = arith.constant 0 : i32
    "tpu.region"() ({
      %run_scoped3A_144 = tpu.sem_alloc : memref<!tpu.dma_semaphore, #tpu.memory_space<semaphore_mem>>
      %dma_start3A = arith.constant 0 : i32
      %dma_start3A_145 = tpu.memref_slice %arg9[%dma_start3A] : memref<10240xf32, #tpu.memory_space<vmem>> -> memref<640xf32, #tpu.memory_space<vmem>>
      %dma_start3A_146 = tpu.memref_slice %arg11[%run_scoped3A, %mul3A_23] : memref<16x10240xf32, #tpu.memory_space<vmem_shared>> -> memref<1x640xf32, #tpu.memory_space<vmem_shared>>
      %dma_start3A_147 = tpu.memref_squeeze %dma_start3A_146 : memref<1x640xf32, #tpu.memory_space<vmem_shared>> -> memref<640xf32, #tpu.memory_space<vmem_shared>>
      %dma_start3A_148 = arith.constant 0 : i32
      %dma_start3A_149 = tpu.memref_slice %arg9[%dma_start3A_148] : memref<10240xf32, #tpu.memory_space<vmem>> -> memref<640xf32, #tpu.memory_space<vmem>>
      %dma_start3A_150 = tpu.memref_slice %arg11[%run_scoped3A, %mul3A_23] : memref<16x10240xf32, #tpu.memory_space<vmem_shared>> -> memref<1x640xf32, #tpu.memory_space<vmem_shared>>
      %dma_start3A_151 = tpu.memref_squeeze %dma_start3A_150 : memref<1x640xf32, #tpu.memory_space<vmem_shared>> -> memref<640xf32, #tpu.memory_space<vmem_shared>>
      tpu.enqueue_dma source(%dma_start3A_151 : memref<640xf32, #tpu.memory_space<vmem_shared>>) target(%dma_start3A_149 : memref<640xf32, #tpu.memory_space<vmem>>) target_semaphore(%run_scoped3A_144 : memref<!tpu.dma_semaphore, #tpu.memory_space<semaphore_mem>>)
      %dma_wait3A = arith.constant 0 : i32
      %dma_wait3A_152 = tpu.memref_slice %arg9[%dma_wait3A] : memref<10240xf32, #tpu.memory_space<vmem>> -> memref<640xf32, #tpu.memory_space<vmem>>
      %dma_wait3A_153 = tpu.memref_slice %arg11[%run_scoped3A, %mul3A_23] : memref<16x10240xf32, #tpu.memory_space<vmem_shared>> -> memref<1x640xf32, #tpu.memory_space<vmem_shared>>
      %dma_wait3A_154 = tpu.memref_squeeze %dma_wait3A_153 : memref<1x640xf32, #tpu.memory_space<vmem_shared>> -> memref<640xf32, #tpu.memory_space<vmem_shared>>
      %dma_wait3A_155 = arith.constant 0 : i32
      %dma_wait3A_156 = tpu.memref_slice %arg9[%dma_wait3A_155] : memref<10240xf32, #tpu.memory_space<vmem>> -> memref<640xf32, #tpu.memory_space<vmem>>
      %dma_wait3A_157 = tpu.memref_slice %arg11[%run_scoped3A, %mul3A_23] : memref<16x10240xf32, #tpu.memory_space<vmem_shared>> -> memref<1x640xf32, #tpu.memory_space<vmem_shared>>
      %dma_wait3A_158 = tpu.memref_squeeze %dma_wait3A_157 : memref<1x640xf32, #tpu.memory_space<vmem_shared>> -> memref<640xf32, #tpu.memory_space<vmem_shared>>
      tpu.wait_dma2 semaphore(%run_scoped3A_144 : memref<!tpu.dma_semaphore, #tpu.memory_space<semaphore_mem>>) src(%dma_wait3A_158 : memref<640xf32, #tpu.memory_space<vmem_shared>>) dst(%dma_wait3A_156 : memref<640xf32, #tpu.memory_space<vmem>>)
      tpu.yield
    }) : () -> ()
    %run_scoped3A_24 = arith.constant 1 : i32
    "tpu.region"() ({
      %run_scoped3A_144 = tpu.sem_alloc : memref<!tpu.dma_semaphore, #tpu.memory_space<semaphore_mem>>
      %dma_start3A = tpu.memref_slice %arg11[%run_scoped3A_24, %mul3A_23] : memref<16x10240xf32, #tpu.memory_space<vmem_shared>> -> memref<1x640xf32, #tpu.memory_space<vmem_shared>>
      %dma_start3A_145 = tpu.memref_squeeze %dma_start3A : memref<1x640xf32, #tpu.memory_space<vmem_shared>> -> memref<640xf32, #tpu.memory_space<vmem_shared>>
      %dma_start3A_146 = tpu.memref_slice %arg11[%run_scoped3A_24, %mul3A_23] : memref<16x10240xf32, #tpu.memory_space<vmem_shared>> -> memref<1x640xf32, #tpu.memory_space<vmem_shared>>
      %dma_start3A_147 = tpu.memref_squeeze %dma_start3A_146 : memref<1x640xf32, #tpu.memory_space<vmem_shared>> -> memref<640xf32, #tpu.memory_space<vmem_shared>>
      tpu.enqueue_dma source(%dma_start3A_147 : memref<640xf32, #tpu.memory_space<vmem_shared>>) target(%arg10 : memref<640xf32, #tpu.memory_space<vmem>>) target_semaphore(%run_scoped3A_144 : memref<!tpu.dma_semaphore, #tpu.memory_space<semaphore_mem>>)
      %dma_wait3A = tpu.memref_slice %arg11[%run_scoped3A_24, %mul3A_23] : memref<16x10240xf32, #tpu.memory_space<vmem_shared>> -> memref<1x640xf32, #tpu.memory_space<vmem_shared>>
      %dma_wait3A_148 = tpu.memref_squeeze %dma_wait3A : memref<1x640xf32, #tpu.memory_space<vmem_shared>> -> memref<640xf32, #tpu.memory_space<vmem_shared>>
      %dma_wait3A_149 = tpu.memref_slice %arg11[%run_scoped3A_24, %mul3A_23] : memref<16x10240xf32, #tpu.memory_space<vmem_shared>> -> memref<1x640xf32, #tpu.memory_space<vmem_shared>>
      %dma_wait3A_150 = tpu.memref_squeeze %dma_wait3A_149 : memref<1x640xf32, #tpu.memory_space<vmem_shared>> -> memref<640xf32, #tpu.memory_space<vmem_shared>>
      tpu.wait_dma2 semaphore(%run_scoped3A_144 : memref<!tpu.dma_semaphore, #tpu.memory_space<semaphore_mem>>) src(%dma_wait3A_150 : memref<640xf32, #tpu.memory_space<vmem_shared>>) dst(%arg10 : memref<640xf32, #tpu.memory_space<vmem>>)
      tpu.yield
    }) : () -> ()
    %scan3A_25 = arith.constant 0 : i32
    %scan3A_26 = arith.constant 0 : i32
    %scan3A_27 = arith.constant 40 : i32
    %scan3A_28 = arith.addi %scan3A_26, %scan3A_27 : i32
    %scan3A_29 = arith.constant 1 : i32
    %scan3A_30 = scf.for %scan3A_144 = %scan3A_26 to %scan3A_28 step %scan3A_29 iter_args(%scan3A_145 = %scan3A_25) -> (i32)  : i32 {
      %mul3A_146 = arith.constant 16 : i32
      %mul3A_147 = arith.muli %scan3A_144, %mul3A_146 : i32
      %get3A_148 = arith.index_cast %mul3A_147 : i32 to index
      %get3A_149 = tpu.vector_load %arg9[%get3A_148] {strides = array<i32>} : memref<10240xf32, #tpu.memory_space<vmem>>, vector<16xf32>,
      %mul3A_150 = arith.constant 16 : i32
      %mul3A_151 = arith.muli %scan3A_144, %mul3A_150 : i32
      %get3A_152 = arith.index_cast %mul3A_151 : i32 to index
      %get3A_153 = tpu.vector_load %arg10[%get3A_152] {strides = array<i32>} : memref<640xf32, #tpu.memory_space<vmem>>, vector<16xf32>,
      %add3A_154 = arith.addf %get3A_149, %get3A_153 : vector<16xf32>
      %mul3A_155 = arith.constant 16 : i32
      %mul3A_156 = arith.muli %scan3A_144, %mul3A_155 : i32
      %swap3A = arith.index_cast %mul3A_156 : i32 to index
      %swap3A_157 = tpu.vector_load %arg9[%swap3A] {strides = array<i32>} : memref<10240xf32, #tpu.memory_space<vmem>>, vector<16xf32>,
      tpu.vector_store %arg9[%swap3A], %add3A_154 {strides = array<i32>} : memref<10240xf32, #tpu.memory_space<vmem>>, vector<16xf32>,
      %scan3A_158 = arith.constant 0 : i32
      scf.yield %scan3A_158 : i32
    }
    %scan3A_31 = arith.constant 40 : i32
    %run_scoped3A_32 = arith.constant 2 : i32
    "tpu.region"() ({
      %run_scoped3A_144 = tpu.sem_alloc : memref<!tpu.dma_semaphore, #tpu.memory_space<semaphore_mem>>
      %dma_start3A = tpu.memref_slice %arg11[%run_scoped3A_32, %mul3A_23] : memref<16x10240xf32, #tpu.memory_space<vmem_shared>> -> memref<1x640xf32, #tpu.memory_space<vmem_shared>>
      %dma_start3A_145 = tpu.memref_squeeze %dma_start3A : memref<1x640xf32, #tpu.memory_space<vmem_shared>> -> memref<640xf32, #tpu.memory_space<vmem_shared>>
      %dma_start3A_146 = tpu.memref_slice %arg11[%run_scoped3A_32, %mul3A_23] : memref<16x10240xf32, #tpu.memory_space<vmem_shared>> -> memref<1x640xf32, #tpu.memory_space<vmem_shared>>
      %dma_start3A_147 = tpu.memref_squeeze %dma_start3A_146 : memref<1x640xf32, #tpu.memory_space<vmem_shared>> -> memref<640xf32, #tpu.memory_space<vmem_shared>>
      tpu.enqueue_dma source(%dma_start3A_147 : memref<640xf32, #tpu.memory_space<vmem_shared>>) target(%arg10 : memref<640xf32, #tpu.memory_space<vmem>>) target_semaphore(%run_scoped3A_144 : memref<!tpu.dma_semaphore, #tpu.memory_space<semaphore_mem>>)
      %dma_wait3A = tpu.memref_slice %arg11[%run_scoped3A_32, %mul3A_23] : memref<16x10240xf32, #tpu.memory_space<vmem_shared>> -> memref<1x640xf32, #tpu.memory_space<vmem_shared>>
      %dma_wait3A_148 = tpu.memref_squeeze %dma_wait3A : memref<1x640xf32, #tpu.memory_space<vmem_shared>> -> memref<640xf32, #tpu.memory_space<vmem_shared>>
      %dma_wait3A_149 = tpu.memref_slice %arg11[%run_scoped3A_32, %mul3A_23] : memref<16x10240xf32, #tpu.memory_space<vmem_shared>> -> memref<1x640xf32, #tpu.memory_space<vmem_shared>>
      %dma_wait3A_150 = tpu.memref_squeeze %dma_wait3A_149 : memref<1x640xf32, #tpu.memory_space<vmem_shared>> -> memref<640xf32, #tpu.memory_space<vmem_shared>>
      tpu.wait_dma2 semaphore(%run_scoped3A_144 : memref<!tpu.dma_semaphore, #tpu.memory_space<semaphore_mem>>) src(%dma_wait3A_150 : memref<640xf32, #tpu.memory_space<vmem_shared>>) dst(%arg10 : memref<640xf32, #tpu.memory_space<vmem>>)
      tpu.yield
    }) : () -> ()
    %scan3A_33 = arith.constant 0 : i32
    %scan3A_34 = arith.constant 0 : i32
    %scan3A_35 = arith.constant 40 : i32
    %scan3A_36 = arith.addi %scan3A_34, %scan3A_35 : i32
    %scan3A_37 = arith.constant 1 : i32
    %scan3A_38 = scf.for %scan3A_144 = %scan3A_34 to %scan3A_36 step %scan3A_37 iter_args(%scan3A_145 = %scan3A_33) -> (i32)  : i32 {
      %mul3A_146 = arith.constant 16 : i32
      %mul3A_147 = arith.muli %scan3A_144, %mul3A_146 : i32
      %get3A_148 = arith.index_cast %mul3A_147 : i32 to index
      %get3A_149 = tpu.vector_load %arg9[%get3A_148] {strides = array<i32>} : memref<10240xf32, #tpu.memory_space<vmem>>, vector<16xf32>,
      %mul3A_150 = arith.constant 16 : i32
      %mul3A_151 = arith.muli %scan3A_144, %mul3A_150 : i32
      %get3A_152 = arith.index_cast %mul3A_151 : i32 to index
      %get3A_153 = tpu.vector_load %arg10[%get3A_152] {strides = array<i32>} : memref<640xf32, #tpu.memory_space<vmem>>, vector<16xf32>,
      %add3A_154 = arith.addf %get3A_149, %get3A_153 : vector<16xf32>
      %mul3A_155 = arith.constant 16 : i32
      %mul3A_156 = arith.muli %scan3A_144, %mul3A_155 : i32
      %swap3A = arith.index_cast %mul3A_156 : i32 to index
      %swap3A_157 = tpu.vector_load %arg9[%swap3A] {strides = array<i32>} : memref<10240xf32, #tpu.memory_space<vmem>>, vector<16xf32>,
      tpu.vector_store %arg9[%swap3A], %add3A_154 {strides = array<i32>} : memref<10240xf32, #tpu.memory_space<vmem>>, vector<16xf32>,
      %scan3A_158 = arith.constant 0 : i32
      scf.yield %scan3A_158 : i32
    }
    %scan3A_39 = arith.constant 40 : i32
    %run_scoped3A_40 = arith.constant 3 : i32
    "tpu.region"() ({
      %run_scoped3A_144 = tpu.sem_alloc : memref<!tpu.dma_semaphore, #tpu.memory_space<semaphore_mem>>
      %dma_start3A = tpu.memref_slice %arg11[%run_scoped3A_40, %mul3A_23] : memref<16x10240xf32, #tpu.memory_space<vmem_shared>> -> memref<1x640xf32, #tpu.memory_space<vmem_shared>>
      %dma_start3A_145 = tpu.memref_squeeze %dma_start3A : memref<1x640xf32, #tpu.memory_space<vmem_shared>> -> memref<640xf32, #tpu.memory_space<vmem_shared>>
      %dma_start3A_146 = tpu.memref_slice %arg11[%run_scoped3A_40, %mul3A_23] : memref<16x10240xf32, #tpu.memory_space<vmem_shared>> -> memref<1x640xf32, #tpu.memory_space<vmem_shared>>
      %dma_start3A_147 = tpu.memref_squeeze %dma_start3A_146 : memref<1x640xf32, #tpu.memory_space<vmem_shared>> -> memref<640xf32, #tpu.memory_space<vmem_shared>>
      tpu.enqueue_dma source(%dma_start3A_147 : memref<640xf32, #tpu.memory_space<vmem_shared>>) target(%arg10 : memref<640xf32, #tpu.memory_space<vmem>>) target_semaphore(%run_scoped3A_144 : memref<!tpu.dma_semaphore, #tpu.memory_space<semaphore_mem>>)
      %dma_wait3A = tpu.memref_slice %arg11[%run_scoped3A_40, %mul3A_23] : memref<16x10240xf32, #tpu.memory_space<vmem_shared>> -> memref<1x640xf32, #tpu.memory_space<vmem_shared>>
      %dma_wait3A_148 = tpu.memref_squeeze %dma_wait3A : memref<1x640xf32, #tpu.memory_space<vmem_shared>> -> memref<640xf32, #tpu.memory_space<vmem_shared>>
      %dma_wait3A_149 = tpu.memref_slice %arg11[%run_scoped3A_40, %mul3A_23] : memref<16x10240xf32, #tpu.memory_space<vmem_shared>> -> memref<1x640xf32, #tpu.memory_space<vmem_shared>>
      %dma_wait3A_150 = tpu.memref_squeeze %dma_wait3A_149 : memref<1x640xf32, #tpu.memory_space<vmem_shared>> -> memref<640xf32, #tpu.memory_space<vmem_shared>>
      tpu.wait_dma2 semaphore(%run_scoped3A_144 : memref<!tpu.dma_semaphore, #tpu.memory_space<semaphore_mem>>) src(%dma_wait3A_150 : memref<640xf32, #tpu.memory_space<vmem_shared>>) dst(%arg10 : memref<640xf32, #tpu.memory_space<vmem>>)
      tpu.yield
    }) : () -> ()
    %scan3A_41 = arith.constant 0 : i32
    %scan3A_42 = arith.constant 0 : i32
    %scan3A_43 = arith.constant 40 : i32
    %scan3A_44 = arith.addi %scan3A_42, %scan3A_43 : i32
    %scan3A_45 = arith.constant 1 : i32
    %scan3A_46 = scf.for %scan3A_144 = %scan3A_42 to %scan3A_44 step %scan3A_45 iter_args(%scan3A_145 = %scan3A_41) -> (i32)  : i32 {
      %mul3A_146 = arith.constant 16 : i32
      %mul3A_147 = arith.muli %scan3A_144, %mul3A_146 : i32
      %get3A_148 = arith.index_cast %mul3A_147 : i32 to index
      %get3A_149 = tpu.vector_load %arg9[%get3A_148] {strides = array<i32>} : memref<10240xf32, #tpu.memory_space<vmem>>, vector<16xf32>,
      %mul3A_150 = arith.constant 16 : i32
      %mul3A_151 = arith.muli %scan3A_144, %mul3A_150 : i32
      %get3A_152 = arith.index_cast %mul3A_151 : i32 to index
      %get3A_153 = tpu.vector_load %arg10[%get3A_152] {strides = array<i32>} : memref<640xf32, #tpu.memory_space<vmem>>, vector<16xf32>,
      %add3A_154 = arith.addf %get3A_149, %get3A_153 : vector<16xf32>
      %mul3A_155 = arith.constant 16 : i32
      %mul3A_156 = arith.muli %scan3A_144, %mul3A_155 : i32
      %swap3A = arith.index_cast %mul3A_156 : i32 to index
      %swap3A_157 = tpu.vector_load %arg9[%swap3A] {strides = array<i32>} : memref<10240xf32, #tpu.memory_space<vmem>>, vector<16xf32>,
      tpu.vector_store %arg9[%swap3A], %add3A_154 {strides = array<i32>} : memref<10240xf32, #tpu.memory_space<vmem>>, vector<16xf32>,
      %scan3A_158 = arith.constant 0 : i32
      scf.yield %scan3A_158 : i32
    }
    %scan3A_47 = arith.constant 40 : i32
    %run_scoped3A_48 = arith.constant 4 : i32
    "tpu.region"() ({
      %run_scoped3A_144 = tpu.sem_alloc : memref<!tpu.dma_semaphore, #tpu.memory_space<semaphore_mem>>
      %dma_start3A = tpu.memref_slice %arg11[%run_scoped3A_48, %mul3A_23] : memref<16x10240xf32, #tpu.memory_space<vmem_shared>> -> memref<1x640xf32, #tpu.memory_space<vmem_shared>>
      %dma_start3A_145 = tpu.memref_squeeze %dma_start3A : memref<1x640xf32, #tpu.memory_space<vmem_shared>> -> memref<640xf32, #tpu.memory_space<vmem_shared>>
      %dma_start3A_146 = tpu.memref_slice %arg11[%run_scoped3A_48, %mul3A_23] : memref<16x10240xf32, #tpu.memory_space<vmem_shared>> -> memref<1x640xf32, #tpu.memory_space<vmem_shared>>
      %dma_start3A_147 = tpu.memref_squeeze %dma_start3A_146 : memref<1x640xf32, #tpu.memory_space<vmem_shared>> -> memref<640xf32, #tpu.memory_space<vmem_shared>>
      tpu.enqueue_dma source(%dma_start3A_147 : memref<640xf32, #tpu.memory_space<vmem_shared>>) target(%arg10 : memref<640xf32, #tpu.memory_space<vmem>>) target_semaphore(%run_scoped3A_144 : memref<!tpu.dma_semaphore, #tpu.memory_space<semaphore_mem>>)
      %dma_wait3A = tpu.memref_slice %arg11[%run_scoped3A_48, %mul3A_23] : memref<16x10240xf32, #tpu.memory_space<vmem_shared>> -> memref<1x640xf32, #tpu.memory_space<vmem_shared>>
      %dma_wait3A_148 = tpu.memref_squeeze %dma_wait3A : memref<1x640xf32, #tpu.memory_space<vmem_shared>> -> memref<640xf32, #tpu.memory_space<vmem_shared>>
      %dma_wait3A_149 = tpu.memref_slice %arg11[%run_scoped3A_48, %mul3A_23] : memref<16x10240xf32, #tpu.memory_space<vmem_shared>> -> memref<1x640xf32, #tpu.memory_space<vmem_shared>>
      %dma_wait3A_150 = tpu.memref_squeeze %dma_wait3A_149 : memref<1x640xf32, #tpu.memory_space<vmem_shared>> -> memref<640xf32, #tpu.memory_space<vmem_shared>>
      tpu.wait_dma2 semaphore(%run_scoped3A_144 : memref<!tpu.dma_semaphore, #tpu.memory_space<semaphore_mem>>) src(%dma_wait3A_150 : memref<640xf32, #tpu.memory_space<vmem_shared>>) dst(%arg10 : memref<640xf32, #tpu.memory_space<vmem>>)
      tpu.yield
    }) : () -> ()
    %scan3A_49 = arith.constant 0 : i32
    %scan3A_50 = arith.constant 0 : i32
    %scan3A_51 = arith.constant 40 : i32
    %scan3A_52 = arith.addi %scan3A_50, %scan3A_51 : i32
    %scan3A_53 = arith.constant 1 : i32
    %scan3A_54 = scf.for %scan3A_144 = %scan3A_50 to %scan3A_52 step %scan3A_53 iter_args(%scan3A_145 = %scan3A_49) -> (i32)  : i32 {
      %mul3A_146 = arith.constant 16 : i32
      %mul3A_147 = arith.muli %scan3A_144, %mul3A_146 : i32
      %get3A_148 = arith.index_cast %mul3A_147 : i32 to index
      %get3A_149 = tpu.vector_load %arg9[%get3A_148] {strides = array<i32>} : memref<10240xf32, #tpu.memory_space<vmem>>, vector<16xf32>,
      %mul3A_150 = arith.constant 16 : i32
      %mul3A_151 = arith.muli %scan3A_144, %mul3A_150 : i32
      %get3A_152 = arith.index_cast %mul3A_151 : i32 to index
      %get3A_153 = tpu.vector_load %arg10[%get3A_152] {strides = array<i32>} : memref<640xf32, #tpu.memory_space<vmem>>, vector<16xf32>,
      %add3A_154 = arith.addf %get3A_149, %get3A_153 : vector<16xf32>
      %mul3A_155 = arith.constant 16 : i32
      %mul3A_156 = arith.muli %scan3A_144, %mul3A_155 : i32
      %swap3A = arith.index_cast %mul3A_156 : i32 to index
      %swap3A_157 = tpu.vector_load %arg9[%swap3A] {strides = array<i32>} : memref<10240xf32, #tpu.memory_space<vmem>>, vector<16xf32>,
      tpu.vector_store %arg9[%swap3A], %add3A_154 {strides = array<i32>} : memref<10240xf32, #tpu.memory_space<vmem>>, vector<16xf32>,
      %scan3A_158 = arith.constant 0 : i32
      scf.yield %scan3A_158 : i32
    }
    %scan3A_55 = arith.constant 40 : i32
    %run_scoped3A_56 = arith.constant 5 : i32
    "tpu.region"() ({
      %run_scoped3A_144 = tpu.sem_alloc : memref<!tpu.dma_semaphore, #tpu.memory_space<semaphore_mem>>
      %dma_start3A = tpu.memref_slice %arg11[%run_scoped3A_56, %mul3A_23] : memref<16x10240xf32, #tpu.memory_space<vmem_shared>> -> memref<1x640xf32, #tpu.memory_space<vmem_shared>>
      %dma_start3A_145 = tpu.memref_squeeze %dma_start3A : memref<1x640xf32, #tpu.memory_space<vmem_shared>> -> memref<640xf32, #tpu.memory_space<vmem_shared>>
      %dma_start3A_146 = tpu.memref_slice %arg11[%run_scoped3A_56, %mul3A_23] : memref<16x10240xf32, #tpu.memory_space<vmem_shared>> -> memref<1x640xf32, #tpu.memory_space<vmem_shared>>
      %dma_start3A_147 = tpu.memref_squeeze %dma_start3A_146 : memref<1x640xf32, #tpu.memory_space<vmem_shared>> -> memref<640xf32, #tpu.memory_space<vmem_shared>>
      tpu.enqueue_dma source(%dma_start3A_147 : memref<640xf32, #tpu.memory_space<vmem_shared>>) target(%arg10 : memref<640xf32, #tpu.memory_space<vmem>>) target_semaphore(%run_scoped3A_144 : memref<!tpu.dma_semaphore, #tpu.memory_space<semaphore_mem>>)
      %dma_wait3A = tpu.memref_slice %arg11[%run_scoped3A_56, %mul3A_23] : memref<16x10240xf32, #tpu.memory_space<vmem_shared>> -> memref<1x640xf32, #tpu.memory_space<vmem_shared>>
      %dma_wait3A_148 = tpu.memref_squeeze %dma_wait3A : memref<1x640xf32, #tpu.memory_space<vmem_shared>> -> memref<640xf32, #tpu.memory_space<vmem_shared>>
      %dma_wait3A_149 = tpu.memref_slice %arg11[%run_scoped3A_56, %mul3A_23] : memref<16x10240xf32, #tpu.memory_space<vmem_shared>> -> memref<1x640xf32, #tpu.memory_space<vmem_shared>>
      %dma_wait3A_150 = tpu.memref_squeeze %dma_wait3A_149 : memref<1x640xf32, #tpu.memory_space<vmem_shared>> -> memref<640xf32, #tpu.memory_space<vmem_shared>>
      tpu.wait_dma2 semaphore(%run_scoped3A_144 : memref<!tpu.dma_semaphore, #tpu.memory_space<semaphore_mem>>) src(%dma_wait3A_150 : memref<640xf32, #tpu.memory_space<vmem_shared>>) dst(%arg10 : memref<640xf32, #tpu.memory_space<vmem>>)
      tpu.yield
    }) : () -> ()
    %scan3A_57 = arith.constant 0 : i32
    %scan3A_58 = arith.constant 0 : i32
    %scan3A_59 = arith.constant 40 : i32
    %scan3A_60 = arith.addi %scan3A_58, %scan3A_59 : i32
    %scan3A_61 = arith.constant 1 : i32
    %scan3A_62 = scf.for %scan3A_144 = %scan3A_58 to %scan3A_60 step %scan3A_61 iter_args(%scan3A_145 = %scan3A_57) -> (i32)  : i32 {
      %mul3A_146 = arith.constant 16 : i32
      %mul3A_147 = arith.muli %scan3A_144, %mul3A_146 : i32
      %get3A_148 = arith.index_cast %mul3A_147 : i32 to index
      %get3A_149 = tpu.vector_load %arg9[%get3A_148] {strides = array<i32>} : memref<10240xf32, #tpu.memory_space<vmem>>, vector<16xf32>,
      %mul3A_150 = arith.constant 16 : i32
      %mul3A_151 = arith.muli %scan3A_144, %mul3A_150 : i32
      %get3A_152 = arith.index_cast %mul3A_151 : i32 to index
      %get3A_153 = tpu.vector_load %arg10[%get3A_152] {strides = array<i32>} : memref<640xf32, #tpu.memory_space<vmem>>, vector<16xf32>,
      %add3A_154 = arith.addf %get3A_149, %get3A_153 : vector<16xf32>
      %mul3A_155 = arith.constant 16 : i32
      %mul3A_156 = arith.muli %scan3A_144, %mul3A_155 : i32
      %swap3A = arith.index_cast %mul3A_156 : i32 to index
      %swap3A_157 = tpu.vector_load %arg9[%swap3A] {strides = array<i32>} : memref<10240xf32, #tpu.memory_space<vmem>>, vector<16xf32>,
      tpu.vector_store %arg9[%swap3A], %add3A_154 {strides = array<i32>} : memref<10240xf32, #tpu.memory_space<vmem>>, vector<16xf32>,
      %scan3A_158 = arith.constant 0 : i32
      scf.yield %scan3A_158 : i32
    }
    %scan3A_63 = arith.constant 40 : i32
    %run_scoped3A_64 = arith.constant 6 : i32
    "tpu.region"() ({
      %run_scoped3A_144 = tpu.sem_alloc : memref<!tpu.dma_semaphore, #tpu.memory_space<semaphore_mem>>
      %dma_start3A = tpu.memref_slice %arg11[%run_scoped3A_64, %mul3A_23] : memref<16x10240xf32, #tpu.memory_space<vmem_shared>> -> memref<1x640xf32, #tpu.memory_space<vmem_shared>>
      %dma_start3A_145 = tpu.memref_squeeze %dma_start3A : memref<1x640xf32, #tpu.memory_space<vmem_shared>> -> memref<640xf32, #tpu.memory_space<vmem_shared>>
      %dma_start3A_146 = tpu.memref_slice %arg11[%run_scoped3A_64, %mul3A_23] : memref<16x10240xf32, #tpu.memory_space<vmem_shared>> -> memref<1x640xf32, #tpu.memory_space<vmem_shared>>
      %dma_start3A_147 = tpu.memref_squeeze %dma_start3A_146 : memref<1x640xf32, #tpu.memory_space<vmem_shared>> -> memref<640xf32, #tpu.memory_space<vmem_shared>>
      tpu.enqueue_dma source(%dma_start3A_147 : memref<640xf32, #tpu.memory_space<vmem_shared>>) target(%arg10 : memref<640xf32, #tpu.memory_space<vmem>>) target_semaphore(%run_scoped3A_144 : memref<!tpu.dma_semaphore, #tpu.memory_space<semaphore_mem>>)
      %dma_wait3A = tpu.memref_slice %arg11[%run_scoped3A_64, %mul3A_23] : memref<16x10240xf32, #tpu.memory_space<vmem_shared>> -> memref<1x640xf32, #tpu.memory_space<vmem_shared>>
      %dma_wait3A_148 = tpu.memref_squeeze %dma_wait3A : memref<1x640xf32, #tpu.memory_space<vmem_shared>> -> memref<640xf32, #tpu.memory_space<vmem_shared>>
      %dma_wait3A_149 = tpu.memref_slice %arg11[%run_scoped3A_64, %mul3A_23] : memref<16x10240xf32, #tpu.memory_space<vmem_shared>> -> memref<1x640xf32, #tpu.memory_space<vmem_shared>>
      %dma_wait3A_150 = tpu.memref_squeeze %dma_wait3A_149 : memref<1x640xf32, #tpu.memory_space<vmem_shared>> -> memref<640xf32, #tpu.memory_space<vmem_shared>>
      tpu.wait_dma2 semaphore(%run_scoped3A_144 : memref<!tpu.dma_semaphore, #tpu.memory_space<semaphore_mem>>) src(%dma_wait3A_150 : memref<640xf32, #tpu.memory_space<vmem_shared>>) dst(%arg10 : memref<640xf32, #tpu.memory_space<vmem>>)
      tpu.yield
    }) : () -> ()
    %scan3A_65 = arith.constant 0 : i32
    %scan3A_66 = arith.constant 0 : i32
    %scan3A_67 = arith.constant 40 : i32
    %scan3A_68 = arith.addi %scan3A_66, %scan3A_67 : i32
    %scan3A_69 = arith.constant 1 : i32
    %scan3A_70 = scf.for %scan3A_144 = %scan3A_66 to %scan3A_68 step %scan3A_69 iter_args(%scan3A_145 = %scan3A_65) -> (i32)  : i32 {
      %mul3A_146 = arith.constant 16 : i32
      %mul3A_147 = arith.muli %scan3A_144, %mul3A_146 : i32
      %get3A_148 = arith.index_cast %mul3A_147 : i32 to index
      %get3A_149 = tpu.vector_load %arg9[%get3A_148] {strides = array<i32>} : memref<10240xf32, #tpu.memory_space<vmem>>, vector<16xf32>,
      %mul3A_150 = arith.constant 16 : i32
      %mul3A_151 = arith.muli %scan3A_144, %mul3A_150 : i32
      %get3A_152 = arith.index_cast %mul3A_151 : i32 to index
      %get3A_153 = tpu.vector_load %arg10[%get3A_152] {strides = array<i32>} : memref<640xf32, #tpu.memory_space<vmem>>, vector<16xf32>,
      %add3A_154 = arith.addf %get3A_149, %get3A_153 : vector<16xf32>
      %mul3A_155 = arith.constant 16 : i32
      %mul3A_156 = arith.muli %scan3A_144, %mul3A_155 : i32
      %swap3A = arith.index_cast %mul3A_156 : i32 to index
      %swap3A_157 = tpu.vector_load %arg9[%swap3A] {strides = array<i32>} : memref<10240xf32, #tpu.memory_space<vmem>>, vector<16xf32>,
      tpu.vector_store %arg9[%swap3A], %add3A_154 {strides = array<i32>} : memref<10240xf32, #tpu.memory_space<vmem>>, vector<16xf32>,
      %scan3A_158 = arith.constant 0 : i32
      scf.yield %scan3A_158 : i32
    }
    %scan3A_71 = arith.constant 40 : i32
    %run_scoped3A_72 = arith.constant 7 : i32
    "tpu.region"() ({
      %run_scoped3A_144 = tpu.sem_alloc : memref<!tpu.dma_semaphore, #tpu.memory_space<semaphore_mem>>
      %dma_start3A = tpu.memref_slice %arg11[%run_scoped3A_72, %mul3A_23] : memref<16x10240xf32, #tpu.memory_space<vmem_shared>> -> memref<1x640xf32, #tpu.memory_space<vmem_shared>>
      %dma_start3A_145 = tpu.memref_squeeze %dma_start3A : memref<1x640xf32, #tpu.memory_space<vmem_shared>> -> memref<640xf32, #tpu.memory_space<vmem_shared>>
      %dma_start3A_146 = tpu.memref_slice %arg11[%run_scoped3A_72, %mul3A_23] : memref<16x10240xf32, #tpu.memory_space<vmem_shared>> -> memref<1x640xf32, #tpu.memory_space<vmem_shared>>
      %dma_start3A_147 = tpu.memref_squeeze %dma_start3A_146 : memref<1x640xf32, #tpu.memory_space<vmem_shared>> -> memref<640xf32, #tpu.memory_space<vmem_shared>>
      tpu.enqueue_dma source(%dma_start3A_147 : memref<640xf32, #tpu.memory_space<vmem_shared>>) target(%arg10 : memref<640xf32, #tpu.memory_space<vmem>>) target_semaphore(%run_scoped3A_144 : memref<!tpu.dma_semaphore, #tpu.memory_space<semaphore_mem>>)
      %dma_wait3A = tpu.memref_slice %arg11[%run_scoped3A_72, %mul3A_23] : memref<16x10240xf32, #tpu.memory_space<vmem_shared>> -> memref<1x640xf32, #tpu.memory_space<vmem_shared>>
      %dma_wait3A_148 = tpu.memref_squeeze %dma_wait3A : memref<1x640xf32, #tpu.memory_space<vmem_shared>> -> memref<640xf32, #tpu.memory_space<vmem_shared>>
      %dma_wait3A_149 = tpu.memref_slice %arg11[%run_scoped3A_72, %mul3A_23] : memref<16x10240xf32, #tpu.memory_space<vmem_shared>> -> memref<1x640xf32, #tpu.memory_space<vmem_shared>>
      %dma_wait3A_150 = tpu.memref_squeeze %dma_wait3A_149 : memref<1x640xf32, #tpu.memory_space<vmem_shared>> -> memref<640xf32, #tpu.memory_space<vmem_shared>>
      tpu.wait_dma2 semaphore(%run_scoped3A_144 : memref<!tpu.dma_semaphore, #tpu.memory_space<semaphore_mem>>) src(%dma_wait3A_150 : memref<640xf32, #tpu.memory_space<vmem_shared>>) dst(%arg10 : memref<640xf32, #tpu.memory_space<vmem>>)
      tpu.yield
    }) : () -> ()
    %scan3A_73 = arith.constant 0 : i32
    %scan3A_74 = arith.constant 0 : i32
    %scan3A_75 = arith.constant 40 : i32
    %scan3A_76 = arith.addi %scan3A_74, %scan3A_75 : i32
    %scan3A_77 = arith.constant 1 : i32
    %scan3A_78 = scf.for %scan3A_144 = %scan3A_74 to %scan3A_76 step %scan3A_77 iter_args(%scan3A_145 = %scan3A_73) -> (i32)  : i32 {
      %mul3A_146 = arith.constant 16 : i32
      %mul3A_147 = arith.muli %scan3A_144, %mul3A_146 : i32
      %get3A_148 = arith.index_cast %mul3A_147 : i32 to index
      %get3A_149 = tpu.vector_load %arg9[%get3A_148] {strides = array<i32>} : memref<10240xf32, #tpu.memory_space<vmem>>, vector<16xf32>,
      %mul3A_150 = arith.constant 16 : i32
      %mul3A_151 = arith.muli %scan3A_144, %mul3A_150 : i32
      %get3A_152 = arith.index_cast %mul3A_151 : i32 to index
      %get3A_153 = tpu.vector_load %arg10[%get3A_152] {strides = array<i32>} : memref<640xf32, #tpu.memory_space<vmem>>, vector<16xf32>,
      %add3A_154 = arith.addf %get3A_149, %get3A_153 : vector<16xf32>
      %mul3A_155 = arith.constant 16 : i32
      %mul3A_156 = arith.muli %scan3A_144, %mul3A_155 : i32
      %swap3A = arith.index_cast %mul3A_156 : i32 to index
      %swap3A_157 = tpu.vector_load %arg9[%swap3A] {strides = array<i32>} : memref<10240xf32, #tpu.memory_space<vmem>>, vector<16xf32>,
      tpu.vector_store %arg9[%swap3A], %add3A_154 {strides = array<i32>} : memref<10240xf32, #tpu.memory_space<vmem>>, vector<16xf32>,
      %scan3A_158 = arith.constant 0 : i32
      scf.yield %scan3A_158 : i32
    }
    %scan3A_79 = arith.constant 40 : i32
    %run_scoped3A_80 = arith.constant 8 : i32
    "tpu.region"() ({
      %run_scoped3A_144 = tpu.sem_alloc : memref<!tpu.dma_semaphore, #tpu.memory_space<semaphore_mem>>
      %dma_start3A = tpu.memref_slice %arg11[%run_scoped3A_80, %mul3A_23] : memref<16x10240xf32, #tpu.memory_space<vmem_shared>> -> memref<1x640xf32, #tpu.memory_space<vmem_shared>>
      %dma_start3A_145 = tpu.memref_squeeze %dma_start3A : memref<1x640xf32, #tpu.memory_space<vmem_shared>> -> memref<640xf32, #tpu.memory_space<vmem_shared>>
      %dma_start3A_146 = tpu.memref_slice %arg11[%run_scoped3A_80, %mul3A_23] : memref<16x10240xf32, #tpu.memory_space<vmem_shared>> -> memref<1x640xf32, #tpu.memory_space<vmem_shared>>
      %dma_start3A_147 = tpu.memref_squeeze %dma_start3A_146 : memref<1x640xf32, #tpu.memory_space<vmem_shared>> -> memref<640xf32, #tpu.memory_space<vmem_shared>>
      tpu.enqueue_dma source(%dma_start3A_147 : memref<640xf32, #tpu.memory_space<vmem_shared>>) target(%arg10 : memref<640xf32, #tpu.memory_space<vmem>>) target_semaphore(%run_scoped3A_144 : memref<!tpu.dma_semaphore, #tpu.memory_space<semaphore_mem>>)
      %dma_wait3A = tpu.memref_slice %arg11[%run_scoped3A_80, %mul3A_23] : memref<16x10240xf32, #tpu.memory_space<vmem_shared>> -> memref<1x640xf32, #tpu.memory_space<vmem_shared>>
      %dma_wait3A_148 = tpu.memref_squeeze %dma_wait3A : memref<1x640xf32, #tpu.memory_space<vmem_shared>> -> memref<640xf32, #tpu.memory_space<vmem_shared>>
      %dma_wait3A_149 = tpu.memref_slice %arg11[%run_scoped3A_80, %mul3A_23] : memref<16x10240xf32, #tpu.memory_space<vmem_shared>> -> memref<1x640xf32, #tpu.memory_space<vmem_shared>>
      %dma_wait3A_150 = tpu.memref_squeeze %dma_wait3A_149 : memref<1x640xf32, #tpu.memory_space<vmem_shared>> -> memref<640xf32, #tpu.memory_space<vmem_shared>>
      tpu.wait_dma2 semaphore(%run_scoped3A_144 : memref<!tpu.dma_semaphore, #tpu.memory_space<semaphore_mem>>) src(%dma_wait3A_150 : memref<640xf32, #tpu.memory_space<vmem_shared>>) dst(%arg10 : memref<640xf32, #tpu.memory_space<vmem>>)
      tpu.yield
    }) : () -> ()
    %scan3A_81 = arith.constant 0 : i32
    %scan3A_82 = arith.constant 0 : i32
    %scan3A_83 = arith.constant 40 : i32
    %scan3A_84 = arith.addi %scan3A_82, %scan3A_83 : i32
    %scan3A_85 = arith.constant 1 : i32
    %scan3A_86 = scf.for %scan3A_144 = %scan3A_82 to %scan3A_84 step %scan3A_85 iter_args(%scan3A_145 = %scan3A_81) -> (i32)  : i32 {
      %mul3A_146 = arith.constant 16 : i32
      %mul3A_147 = arith.muli %scan3A_144, %mul3A_146 : i32
      %get3A_148 = arith.index_cast %mul3A_147 : i32 to index
      %get3A_149 = tpu.vector_load %arg9[%get3A_148] {strides = array<i32>} : memref<10240xf32, #tpu.memory_space<vmem>>, vector<16xf32>,
      %mul3A_150 = arith.constant 16 : i32
      %mul3A_151 = arith.muli %scan3A_144, %mul3A_150 : i32
      %get3A_152 = arith.index_cast %mul3A_151 : i32 to index
      %get3A_153 = tpu.vector_load %arg10[%get3A_152] {strides = array<i32>} : memref<640xf32, #tpu.memory_space<vmem>>, vector<16xf32>,
      %add3A_154 = arith.addf %get3A_149, %get3A_153 : vector<16xf32>
      %mul3A_155 = arith.constant 16 : i32
      %mul3A_156 = arith.muli %scan3A_144, %mul3A_155 : i32
      %swap3A = arith.index_cast %mul3A_156 : i32 to index
      %swap3A_157 = tpu.vector_load %arg9[%swap3A] {strides = array<i32>} : memref<10240xf32, #tpu.memory_space<vmem>>, vector<16xf32>,
      tpu.vector_store %arg9[%swap3A], %add3A_154 {strides = array<i32>} : memref<10240xf32, #tpu.memory_space<vmem>>, vector<16xf32>,
      %scan3A_158 = arith.constant 0 : i32
      scf.yield %scan3A_158 : i32
    }
    %scan3A_87 = arith.constant 40 : i32
    %run_scoped3A_88 = arith.constant 9 : i32
    "tpu.region"() ({
      %run_scoped3A_144 = tpu.sem_alloc : memref<!tpu.dma_semaphore, #tpu.memory_space<semaphore_mem>>
      %dma_start3A = tpu.memref_slice %arg11[%run_scoped3A_88, %mul3A_23] : memref<16x10240xf32, #tpu.memory_space<vmem_shared>> -> memref<1x640xf32, #tpu.memory_space<vmem_shared>>
      %dma_start3A_145 = tpu.memref_squeeze %dma_start3A : memref<1x640xf32, #tpu.memory_space<vmem_shared>> -> memref<640xf32, #tpu.memory_space<vmem_shared>>
      %dma_start3A_146 = tpu.memref_slice %arg11[%run_scoped3A_88, %mul3A_23] : memref<16x10240xf32, #tpu.memory_space<vmem_shared>> -> memref<1x640xf32, #tpu.memory_space<vmem_shared>>
      %dma_start3A_147 = tpu.memref_squeeze %dma_start3A_146 : memref<1x640xf32, #tpu.memory_space<vmem_shared>> -> memref<640xf32, #tpu.memory_space<vmem_shared>>
      tpu.enqueue_dma source(%dma_start3A_147 : memref<640xf32, #tpu.memory_space<vmem_shared>>) target(%arg10 : memref<640xf32, #tpu.memory_space<vmem>>) target_semaphore(%run_scoped3A_144 : memref<!tpu.dma_semaphore, #tpu.memory_space<semaphore_mem>>)
      %dma_wait3A = tpu.memref_slice %arg11[%run_scoped3A_88, %mul3A_23] : memref<16x10240xf32, #tpu.memory_space<vmem_shared>> -> memref<1x640xf32, #tpu.memory_space<vmem_shared>>
      %dma_wait3A_148 = tpu.memref_squeeze %dma_wait3A : memref<1x640xf32, #tpu.memory_space<vmem_shared>> -> memref<640xf32, #tpu.memory_space<vmem_shared>>
      %dma_wait3A_149 = tpu.memref_slice %arg11[%run_scoped3A_88, %mul3A_23] : memref<16x10240xf32, #tpu.memory_space<vmem_shared>> -> memref<1x640xf32, #tpu.memory_space<vmem_shared>>
      %dma_wait3A_150 = tpu.memref_squeeze %dma_wait3A_149 : memref<1x640xf32, #tpu.memory_space<vmem_shared>> -> memref<640xf32, #tpu.memory_space<vmem_shared>>
      tpu.wait_dma2 semaphore(%run_scoped3A_144 : memref<!tpu.dma_semaphore, #tpu.memory_space<semaphore_mem>>) src(%dma_wait3A_150 : memref<640xf32, #tpu.memory_space<vmem_shared>>) dst(%arg10 : memref<640xf32, #tpu.memory_space<vmem>>)
      tpu.yield
    }) : () -> ()
    %scan3A_89 = arith.constant 0 : i32
    %scan3A_90 = arith.constant 0 : i32
    %scan3A_91 = arith.constant 40 : i32
    %scan3A_92 = arith.addi %scan3A_90, %scan3A_91 : i32
    %scan3A_93 = arith.constant 1 : i32
    %scan3A_94 = scf.for %scan3A_144 = %scan3A_90 to %scan3A_92 step %scan3A_93 iter_args(%scan3A_145 = %scan3A_89) -> (i32)  : i32 {
      %mul3A_146 = arith.constant 16 : i32
      %mul3A_147 = arith.muli %scan3A_144, %mul3A_146 : i32
      %get3A_148 = arith.index_cast %mul3A_147 : i32 to index
      %get3A_149 = tpu.vector_load %arg9[%get3A_148] {strides = array<i32>} : memref<10240xf32, #tpu.memory_space<vmem>>, vector<16xf32>,
      %mul3A_150 = arith.constant 16 : i32
      %mul3A_151 = arith.muli %scan3A_144, %mul3A_150 : i32
      %get3A_152 = arith.index_cast %mul3A_151 : i32 to index
      %get3A_153 = tpu.vector_load %arg10[%get3A_152] {strides = array<i32>} : memref<640xf32, #tpu.memory_space<vmem>>, vector<16xf32>,
      %add3A_154 = arith.addf %get3A_149, %get3A_153 : vector<16xf32>
      %mul3A_155 = arith.constant 16 : i32
      %mul3A_156 = arith.muli %scan3A_144, %mul3A_155 : i32
      %swap3A = arith.index_cast %mul3A_156 : i32 to index
      %swap3A_157 = tpu.vector_load %arg9[%swap3A] {strides = array<i32>} : memref<10240xf32, #tpu.memory_space<vmem>>, vector<16xf32>,
      tpu.vector_store %arg9[%swap3A], %add3A_154 {strides = array<i32>} : memref<10240xf32, #tpu.memory_space<vmem>>, vector<16xf32>,
      %scan3A_158 = arith.constant 0 : i32
      scf.yield %scan3A_158 : i32
    }
    %scan3A_95 = arith.constant 40 : i32
    %run_scoped3A_96 = arith.constant 10 : i32
    "tpu.region"() ({
      %run_scoped3A_144 = tpu.sem_alloc : memref<!tpu.dma_semaphore, #tpu.memory_space<semaphore_mem>>
      %dma_start3A = tpu.memref_slice %arg11[%run_scoped3A_96, %mul3A_23] : memref<16x10240xf32, #tpu.memory_space<vmem_shared>> -> memref<1x640xf32, #tpu.memory_space<vmem_shared>>
      %dma_start3A_145 = tpu.memref_squeeze %dma_start3A : memref<1x640xf32, #tpu.memory_space<vmem_shared>> -> memref<640xf32, #tpu.memory_space<vmem_shared>>
      %dma_start3A_146 = tpu.memref_slice %arg11[%run_scoped3A_96, %mul3A_23] : memref<16x10240xf32, #tpu.memory_space<vmem_shared>> -> memref<1x640xf32, #tpu.memory_space<vmem_shared>>
      %dma_start3A_147 = tpu.memref_squeeze %dma_start3A_146 : memref<1x640xf32, #tpu.memory_space<vmem_shared>> -> memref<640xf32, #tpu.memory_space<vmem_shared>>
      tpu.enqueue_dma source(%dma_start3A_147 : memref<640xf32, #tpu.memory_space<vmem_shared>>) target(%arg10 : memref<640xf32, #tpu.memory_space<vmem>>) target_semaphore(%run_scoped3A_144 : memref<!tpu.dma_semaphore, #tpu.memory_space<semaphore_mem>>)
      %dma_wait3A = tpu.memref_slice %arg11[%run_scoped3A_96, %mul3A_23] : memref<16x10240xf32, #tpu.memory_space<vmem_shared>> -> memref<1x640xf32, #tpu.memory_space<vmem_shared>>
      %dma_wait3A_148 = tpu.memref_squeeze %dma_wait3A : memref<1x640xf32, #tpu.memory_space<vmem_shared>> -> memref<640xf32, #tpu.memory_space<vmem_shared>>
      %dma_wait3A_149 = tpu.memref_slice %arg11[%run_scoped3A_96, %mul3A_23] : memref<16x10240xf32, #tpu.memory_space<vmem_shared>> -> memref<1x640xf32, #tpu.memory_space<vmem_shared>>
      %dma_wait3A_150 = tpu.memref_squeeze %dma_wait3A_149 : memref<1x640xf32, #tpu.memory_space<vmem_shared>> -> memref<640xf32, #tpu.memory_space<vmem_shared>>
      tpu.wait_dma2 semaphore(%run_scoped3A_144 : memref<!tpu.dma_semaphore, #tpu.memory_space<semaphore_mem>>) src(%dma_wait3A_150 : memref<640xf32, #tpu.memory_space<vmem_shared>>) dst(%arg10 : memref<640xf32, #tpu.memory_space<vmem>>)
      tpu.yield
    }) : () -> ()
    %scan3A_97 = arith.constant 0 : i32
    %scan3A_98 = arith.constant 0 : i32
    %scan3A_99 = arith.constant 40 : i32
    %scan3A_100 = arith.addi %scan3A_98, %scan3A_99 : i32
    %scan3A_101 = arith.constant 1 : i32
    %scan3A_102 = scf.for %scan3A_144 = %scan3A_98 to %scan3A_100 step %scan3A_101 iter_args(%scan3A_145 = %scan3A_97) -> (i32)  : i32 {
      %mul3A_146 = arith.constant 16 : i32
      %mul3A_147 = arith.muli %scan3A_144, %mul3A_146 : i32
      %get3A_148 = arith.index_cast %mul3A_147 : i32 to index
      %get3A_149 = tpu.vector_load %arg9[%get3A_148] {strides = array<i32>} : memref<10240xf32, #tpu.memory_space<vmem>>, vector<16xf32>,
      %mul3A_150 = arith.constant 16 : i32
      %mul3A_151 = arith.muli %scan3A_144, %mul3A_150 : i32
      %get3A_152 = arith.index_cast %mul3A_151 : i32 to index
      %get3A_153 = tpu.vector_load %arg10[%get3A_152] {strides = array<i32>} : memref<640xf32, #tpu.memory_space<vmem>>, vector<16xf32>,
      %add3A_154 = arith.addf %get3A_149, %get3A_153 : vector<16xf32>
      %mul3A_155 = arith.constant 16 : i32
      %mul3A_156 = arith.muli %scan3A_144, %mul3A_155 : i32
      %swap3A = arith.index_cast %mul3A_156 : i32 to index
      %swap3A_157 = tpu.vector_load %arg9[%swap3A] {strides = array<i32>} : memref<10240xf32, #tpu.memory_space<vmem>>, vector<16xf32>,
      tpu.vector_store %arg9[%swap3A], %add3A_154 {strides = array<i32>} : memref<10240xf32, #tpu.memory_space<vmem>>, vector<16xf32>,
      %scan3A_158 = arith.constant 0 : i32
      scf.yield %scan3A_158 : i32
    }
    %scan3A_103 = arith.constant 40 : i32
    %run_scoped3A_104 = arith.constant 11 : i32
    "tpu.region"() ({
      %run_scoped3A_144 = tpu.sem_alloc : memref<!tpu.dma_semaphore, #tpu.memory_space<semaphore_mem>>
      %dma_start3A = tpu.memref_slice %arg11[%run_scoped3A_104, %mul3A_23] : memref<16x10240xf32, #tpu.memory_space<vmem_shared>> -> memref<1x640xf32, #tpu.memory_space<vmem_shared>>
      %dma_start3A_145 = tpu.memref_squeeze %dma_start3A : memref<1x640xf32, #tpu.memory_space<vmem_shared>> -> memref<640xf32, #tpu.memory_space<vmem_shared>>
      %dma_start3A_146 = tpu.memref_slice %arg11[%run_scoped3A_104, %mul3A_23] : memref<16x10240xf32, #tpu.memory_space<vmem_shared>> -> memref<1x640xf32, #tpu.memory_space<vmem_shared>>
      %dma_start3A_147 = tpu.memref_squeeze %dma_start3A_146 : memref<1x640xf32, #tpu.memory_space<vmem_shared>> -> memref<640xf32, #tpu.memory_space<vmem_shared>>
      tpu.enqueue_dma source(%dma_start3A_147 : memref<640xf32, #tpu.memory_space<vmem_shared>>) target(%arg10 : memref<640xf32, #tpu.memory_space<vmem>>) target_semaphore(%run_scoped3A_144 : memref<!tpu.dma_semaphore, #tpu.memory_space<semaphore_mem>>)
      %dma_wait3A = tpu.memref_slice %arg11[%run_scoped3A_104, %mul3A_23] : memref<16x10240xf32, #tpu.memory_space<vmem_shared>> -> memref<1x640xf32, #tpu.memory_space<vmem_shared>>
      %dma_wait3A_148 = tpu.memref_squeeze %dma_wait3A : memref<1x640xf32, #tpu.memory_space<vmem_shared>> -> memref<640xf32, #tpu.memory_space<vmem_shared>>
      %dma_wait3A_149 = tpu.memref_slice %arg11[%run_scoped3A_104, %mul3A_23] : memref<16x10240xf32, #tpu.memory_space<vmem_shared>> -> memref<1x640xf32, #tpu.memory_space<vmem_shared>>
      %dma_wait3A_150 = tpu.memref_squeeze %dma_wait3A_149 : memref<1x640xf32, #tpu.memory_space<vmem_shared>> -> memref<640xf32, #tpu.memory_space<vmem_shared>>
      tpu.wait_dma2 semaphore(%run_scoped3A_144 : memref<!tpu.dma_semaphore, #tpu.memory_space<semaphore_mem>>) src(%dma_wait3A_150 : memref<640xf32, #tpu.memory_space<vmem_shared>>) dst(%arg10 : memref<640xf32, #tpu.memory_space<vmem>>)
      tpu.yield
    }) : () -> ()
    %scan3A_105 = arith.constant 0 : i32
    %scan3A_106 = arith.constant 0 : i32
    %scan3A_107 = arith.constant 40 : i32
    %scan3A_108 = arith.addi %scan3A_106, %scan3A_107 : i32
    %scan3A_109 = arith.constant 1 : i32
    %scan3A_110 = scf.for %scan3A_144 = %scan3A_106 to %scan3A_108 step %scan3A_109 iter_args(%scan3A_145 = %scan3A_105) -> (i32)  : i32 {
      %mul3A_146 = arith.constant 16 : i32
      %mul3A_147 = arith.muli %scan3A_144, %mul3A_146 : i32
      %get3A_148 = arith.index_cast %mul3A_147 : i32 to index
      %get3A_149 = tpu.vector_load %arg9[%get3A_148] {strides = array<i32>} : memref<10240xf32, #tpu.memory_space<vmem>>, vector<16xf32>,
      %mul3A_150 = arith.constant 16 : i32
      %mul3A_151 = arith.muli %scan3A_144, %mul3A_150 : i32
      %get3A_152 = arith.index_cast %mul3A_151 : i32 to index
      %get3A_153 = tpu.vector_load %arg10[%get3A_152] {strides = array<i32>} : memref<640xf32, #tpu.memory_space<vmem>>, vector<16xf32>,
      %add3A_154 = arith.addf %get3A_149, %get3A_153 : vector<16xf32>
      %mul3A_155 = arith.constant 16 : i32
      %mul3A_156 = arith.muli %scan3A_144, %mul3A_155 : i32
      %swap3A = arith.index_cast %mul3A_156 : i32 to index
      %swap3A_157 = tpu.vector_load %arg9[%swap3A] {strides = array<i32>} : memref<10240xf32, #tpu.memory_space<vmem>>, vector<16xf32>,
      tpu.vector_store %arg9[%swap3A], %add3A_154 {strides = array<i32>} : memref<10240xf32, #tpu.memory_space<vmem>>, vector<16xf32>,
      %scan3A_158 = arith.constant 0 : i32
      scf.yield %scan3A_158 : i32
    }
    %scan3A_111 = arith.constant 40 : i32
    %run_scoped3A_112 = arith.constant 12 : i32
    "tpu.region"() ({
      %run_scoped3A_144 = tpu.sem_alloc : memref<!tpu.dma_semaphore, #tpu.memory_space<semaphore_mem>>
      %dma_start3A = tpu.memref_slice %arg11[%run_scoped3A_112, %mul3A_23] : memref<16x10240xf32, #tpu.memory_space<vmem_shared>> -> memref<1x640xf32, #tpu.memory_space<vmem_shared>>
      %dma_start3A_145 = tpu.memref_squeeze %dma_start3A : memref<1x640xf32, #tpu.memory_space<vmem_shared>> -> memref<640xf32, #tpu.memory_space<vmem_shared>>
      %dma_start3A_146 = tpu.memref_slice %arg11[%run_scoped3A_112, %mul3A_23] : memref<16x10240xf32, #tpu.memory_space<vmem_shared>> -> memref<1x640xf32, #tpu.memory_space<vmem_shared>>
      %dma_start3A_147 = tpu.memref_squeeze %dma_start3A_146 : memref<1x640xf32, #tpu.memory_space<vmem_shared>> -> memref<640xf32, #tpu.memory_space<vmem_shared>>
      tpu.enqueue_dma source(%dma_start3A_147 : memref<640xf32, #tpu.memory_space<vmem_shared>>) target(%arg10 : memref<640xf32, #tpu.memory_space<vmem>>) target_semaphore(%run_scoped3A_144 : memref<!tpu.dma_semaphore, #tpu.memory_space<semaphore_mem>>)
      %dma_wait3A = tpu.memref_slice %arg11[%run_scoped3A_112, %mul3A_23] : memref<16x10240xf32, #tpu.memory_space<vmem_shared>> -> memref<1x640xf32, #tpu.memory_space<vmem_shared>>
      %dma_wait3A_148 = tpu.memref_squeeze %dma_wait3A : memref<1x640xf32, #tpu.memory_space<vmem_shared>> -> memref<640xf32, #tpu.memory_space<vmem_shared>>
      %dma_wait3A_149 = tpu.memref_slice %arg11[%run_scoped3A_112, %mul3A_23] : memref<16x10240xf32, #tpu.memory_space<vmem_shared>> -> memref<1x640xf32, #tpu.memory_space<vmem_shared>>
      %dma_wait3A_150 = tpu.memref_squeeze %dma_wait3A_149 : memref<1x640xf32, #tpu.memory_space<vmem_shared>> -> memref<640xf32, #tpu.memory_space<vmem_shared>>
      tpu.wait_dma2 semaphore(%run_scoped3A_144 : memref<!tpu.dma_semaphore, #tpu.memory_space<semaphore_mem>>) src(%dma_wait3A_150 : memref<640xf32, #tpu.memory_space<vmem_shared>>) dst(%arg10 : memref<640xf32, #tpu.memory_space<vmem>>)
      tpu.yield
    }) : () -> ()
    %scan3A_113 = arith.constant 0 : i32
    %scan3A_114 = arith.constant 0 : i32
    %scan3A_115 = arith.constant 40 : i32
    %scan3A_116 = arith.addi %scan3A_114, %scan3A_115 : i32
    %scan3A_117 = arith.constant 1 : i32
    %scan3A_118 = scf.for %scan3A_144 = %scan3A_114 to %scan3A_116 step %scan3A_117 iter_args(%scan3A_145 = %scan3A_113) -> (i32)  : i32 {
      %mul3A_146 = arith.constant 16 : i32
      %mul3A_147 = arith.muli %scan3A_144, %mul3A_146 : i32
      %get3A_148 = arith.index_cast %mul3A_147 : i32 to index
      %get3A_149 = tpu.vector_load %arg9[%get3A_148] {strides = array<i32>} : memref<10240xf32, #tpu.memory_space<vmem>>, vector<16xf32>,
      %mul3A_150 = arith.constant 16 : i32
      %mul3A_151 = arith.muli %scan3A_144, %mul3A_150 : i32
      %get3A_152 = arith.index_cast %mul3A_151 : i32 to index
      %get3A_153 = tpu.vector_load %arg10[%get3A_152] {strides = array<i32>} : memref<640xf32, #tpu.memory_space<vmem>>, vector<16xf32>,
      %add3A_154 = arith.addf %get3A_149, %get3A_153 : vector<16xf32>
      %mul3A_155 = arith.constant 16 : i32
      %mul3A_156 = arith.muli %scan3A_144, %mul3A_155 : i32
      %swap3A = arith.index_cast %mul3A_156 : i32 to index
      %swap3A_157 = tpu.vector_load %arg9[%swap3A] {strides = array<i32>} : memref<10240xf32, #tpu.memory_space<vmem>>, vector<16xf32>,
      tpu.vector_store %arg9[%swap3A], %add3A_154 {strides = array<i32>} : memref<10240xf32, #tpu.memory_space<vmem>>, vector<16xf32>,
      %scan3A_158 = arith.constant 0 : i32
      scf.yield %scan3A_158 : i32
    }
    %scan3A_119 = arith.constant 40 : i32
    %run_scoped3A_120 = arith.constant 13 : i32
    "tpu.region"() ({
      %run_scoped3A_144 = tpu.sem_alloc : memref<!tpu.dma_semaphore, #tpu.memory_space<semaphore_mem>>
      %dma_start3A = tpu.memref_slice %arg11[%run_scoped3A_120, %mul3A_23] : memref<16x10240xf32, #tpu.memory_space<vmem_shared>> -> memref<1x640xf32, #tpu.memory_space<vmem_shared>>
      %dma_start3A_145 = tpu.memref_squeeze %dma_start3A : memref<1x640xf32, #tpu.memory_space<vmem_shared>> -> memref<640xf32, #tpu.memory_space<vmem_shared>>
      %dma_start3A_146 = tpu.memref_slice %arg11[%run_scoped3A_120, %mul3A_23] : memref<16x10240xf32, #tpu.memory_space<vmem_shared>> -> memref<1x640xf32, #tpu.memory_space<vmem_shared>>
      %dma_start3A_147 = tpu.memref_squeeze %dma_start3A_146 : memref<1x640xf32, #tpu.memory_space<vmem_shared>> -> memref<640xf32, #tpu.memory_space<vmem_shared>>
      tpu.enqueue_dma source(%dma_start3A_147 : memref<640xf32, #tpu.memory_space<vmem_shared>>) target(%arg10 : memref<640xf32, #tpu.memory_space<vmem>>) target_semaphore(%run_scoped3A_144 : memref<!tpu.dma_semaphore, #tpu.memory_space<semaphore_mem>>)
      %dma_wait3A = tpu.memref_slice %arg11[%run_scoped3A_120, %mul3A_23] : memref<16x10240xf32, #tpu.memory_space<vmem_shared>> -> memref<1x640xf32, #tpu.memory_space<vmem_shared>>
      %dma_wait3A_148 = tpu.memref_squeeze %dma_wait3A : memref<1x640xf32, #tpu.memory_space<vmem_shared>> -> memref<640xf32, #tpu.memory_space<vmem_shared>>
      %dma_wait3A_149 = tpu.memref_slice %arg11[%run_scoped3A_120, %mul3A_23] : memref<16x10240xf32, #tpu.memory_space<vmem_shared>> -> memref<1x640xf32, #tpu.memory_space<vmem_shared>>
      %dma_wait3A_150 = tpu.memref_squeeze %dma_wait3A_149 : memref<1x640xf32, #tpu.memory_space<vmem_shared>> -> memref<640xf32, #tpu.memory_space<vmem_shared>>
      tpu.wait_dma2 semaphore(%run_scoped3A_144 : memref<!tpu.dma_semaphore, #tpu.memory_space<semaphore_mem>>) src(%dma_wait3A_150 : memref<640xf32, #tpu.memory_space<vmem_shared>>) dst(%arg10 : memref<640xf32, #tpu.memory_space<vmem>>)
      tpu.yield
    }) : () -> ()
    %scan3A_121 = arith.constant 0 : i32
    %scan3A_122 = arith.constant 0 : i32
    %scan3A_123 = arith.constant 40 : i32
    %scan3A_124 = arith.addi %scan3A_122, %scan3A_123 : i32
    %scan3A_125 = arith.constant 1 : i32
    %scan3A_126 = scf.for %scan3A_144 = %scan3A_122 to %scan3A_124 step %scan3A_125 iter_args(%scan3A_145 = %scan3A_121) -> (i32)  : i32 {
      %mul3A_146 = arith.constant 16 : i32
      %mul3A_147 = arith.muli %scan3A_144, %mul3A_146 : i32
      %get3A_148 = arith.index_cast %mul3A_147 : i32 to index
      %get3A_149 = tpu.vector_load %arg9[%get3A_148] {strides = array<i32>} : memref<10240xf32, #tpu.memory_space<vmem>>, vector<16xf32>,
      %mul3A_150 = arith.constant 16 : i32
      %mul3A_151 = arith.muli %scan3A_144, %mul3A_150 : i32
      %get3A_152 = arith.index_cast %mul3A_151 : i32 to index
      %get3A_153 = tpu.vector_load %arg10[%get3A_152] {strides = array<i32>} : memref<640xf32, #tpu.memory_space<vmem>>, vector<16xf32>,
      %add3A_154 = arith.addf %get3A_149, %get3A_153 : vector<16xf32>
      %mul3A_155 = arith.constant 16 : i32
      %mul3A_156 = arith.muli %scan3A_144, %mul3A_155 : i32
      %swap3A = arith.index_cast %mul3A_156 : i32 to index
      %swap3A_157 = tpu.vector_load %arg9[%swap3A] {strides = array<i32>} : memref<10240xf32, #tpu.memory_space<vmem>>, vector<16xf32>,
      tpu.vector_store %arg9[%swap3A], %add3A_154 {strides = array<i32>} : memref<10240xf32, #tpu.memory_space<vmem>>, vector<16xf32>,
      %scan3A_158 = arith.constant 0 : i32
      scf.yield %scan3A_158 : i32
    }
    %scan3A_127 = arith.constant 40 : i32
    %run_scoped3A_128 = arith.constant 14 : i32
    "tpu.region"() ({
      %run_scoped3A_144 = tpu.sem_alloc : memref<!tpu.dma_semaphore, #tpu.memory_space<semaphore_mem>>
      %dma_start3A = tpu.memref_slice %arg11[%run_scoped3A_128, %mul3A_23] : memref<16x10240xf32, #tpu.memory_space<vmem_shared>> -> memref<1x640xf32, #tpu.memory_space<vmem_shared>>
      %dma_start3A_145 = tpu.memref_squeeze %dma_start3A : memref<1x640xf32, #tpu.memory_space<vmem_shared>> -> memref<640xf32, #tpu.memory_space<vmem_shared>>
      %dma_start3A_146 = tpu.memref_slice %arg11[%run_scoped3A_128, %mul3A_23] : memref<16x10240xf32, #tpu.memory_space<vmem_shared>> -> memref<1x640xf32, #tpu.memory_space<vmem_shared>>
      %dma_start3A_147 = tpu.memref_squeeze %dma_start3A_146 : memref<1x640xf32, #tpu.memory_space<vmem_shared>> -> memref<640xf32, #tpu.memory_space<vmem_shared>>
      tpu.enqueue_dma source(%dma_start3A_147 : memref<640xf32, #tpu.memory_space<vmem_shared>>) target(%arg10 : memref<640xf32, #tpu.memory_space<vmem>>) target_semaphore(%run_scoped3A_144 : memref<!tpu.dma_semaphore, #tpu.memory_space<semaphore_mem>>)
      %dma_wait3A = tpu.memref_slice %arg11[%run_scoped3A_128, %mul3A_23] : memref<16x10240xf32, #tpu.memory_space<vmem_shared>> -> memref<1x640xf32, #tpu.memory_space<vmem_shared>>
      %dma_wait3A_148 = tpu.memref_squeeze %dma_wait3A : memref<1x640xf32, #tpu.memory_space<vmem_shared>> -> memref<640xf32, #tpu.memory_space<vmem_shared>>
      %dma_wait3A_149 = tpu.memref_slice %arg11[%run_scoped3A_128, %mul3A_23] : memref<16x10240xf32, #tpu.memory_space<vmem_shared>> -> memref<1x640xf32, #tpu.memory_space<vmem_shared>>
      %dma_wait3A_150 = tpu.memref_squeeze %dma_wait3A_149 : memref<1x640xf32, #tpu.memory_space<vmem_shared>> -> memref<640xf32, #tpu.memory_space<vmem_shared>>
      tpu.wait_dma2 semaphore(%run_scoped3A_144 : memref<!tpu.dma_semaphore, #tpu.memory_space<semaphore_mem>>) src(%dma_wait3A_150 : memref<640xf32, #tpu.memory_space<vmem_shared>>) dst(%arg10 : memref<640xf32, #tpu.memory_space<vmem>>)
      tpu.yield
    }) : () -> ()
    %scan3A_129 = arith.constant 0 : i32
    %scan3A_130 = arith.constant 0 : i32
    %scan3A_131 = arith.constant 40 : i32
    %scan3A_132 = arith.addi %scan3A_130, %scan3A_131 : i32
    %scan3A_133 = arith.constant 1 : i32
    %scan3A_134 = scf.for %scan3A_144 = %scan3A_130 to %scan3A_132 step %scan3A_133 iter_args(%scan3A_145 = %scan3A_129) -> (i32)  : i32 {
      %mul3A_146 = arith.constant 16 : i32
      %mul3A_147 = arith.muli %scan3A_144, %mul3A_146 : i32
      %get3A_148 = arith.index_cast %mul3A_147 : i32 to index
      %get3A_149 = tpu.vector_load %arg9[%get3A_148] {strides = array<i32>} : memref<10240xf32, #tpu.memory_space<vmem>>, vector<16xf32>,
      %mul3A_150 = arith.constant 16 : i32
      %mul3A_151 = arith.muli %scan3A_144, %mul3A_150 : i32
      %get3A_152 = arith.index_cast %mul3A_151 : i32 to index
      %get3A_153 = tpu.vector_load %arg10[%get3A_152] {strides = array<i32>} : memref<640xf32, #tpu.memory_space<vmem>>, vector<16xf32>,
      %add3A_154 = arith.addf %get3A_149, %get3A_153 : vector<16xf32>
      %mul3A_155 = arith.constant 16 : i32
      %mul3A_156 = arith.muli %scan3A_144, %mul3A_155 : i32
      %swap3A = arith.index_cast %mul3A_156 : i32 to index
      %swap3A_157 = tpu.vector_load %arg9[%swap3A] {strides = array<i32>} : memref<10240xf32, #tpu.memory_space<vmem>>, vector<16xf32>,
      tpu.vector_store %arg9[%swap3A], %add3A_154 {strides = array<i32>} : memref<10240xf32, #tpu.memory_space<vmem>>, vector<16xf32>,
      %scan3A_158 = arith.constant 0 : i32
      scf.yield %scan3A_158 : i32
    }
    %scan3A_135 = arith.constant 40 : i32
    %run_scoped3A_136 = arith.constant 15 : i32
    "tpu.region"() ({
      %run_scoped3A_144 = tpu.sem_alloc : memref<!tpu.dma_semaphore, #tpu.memory_space<semaphore_mem>>
      %dma_start3A = tpu.memref_slice %arg11[%run_scoped3A_136, %mul3A_23] : memref<16x10240xf32, #tpu.memory_space<vmem_shared>> -> memref<1x640xf32, #tpu.memory_space<vmem_shared>>
      %dma_start3A_145 = tpu.memref_squeeze %dma_start3A : memref<1x640xf32, #tpu.memory_space<vmem_shared>> -> memref<640xf32, #tpu.memory_space<vmem_shared>>
      %dma_start3A_146 = tpu.memref_slice %arg11[%run_scoped3A_136, %mul3A_23] : memref<16x10240xf32, #tpu.memory_space<vmem_shared>> -> memref<1x640xf32, #tpu.memory_space<vmem_shared>>
      %dma_start3A_147 = tpu.memref_squeeze %dma_start3A_146 : memref<1x640xf32, #tpu.memory_space<vmem_shared>> -> memref<640xf32, #tpu.memory_space<vmem_shared>>
      tpu.enqueue_dma source(%dma_start3A_147 : memref<640xf32, #tpu.memory_space<vmem_shared>>) target(%arg10 : memref<640xf32, #tpu.memory_space<vmem>>) target_semaphore(%run_scoped3A_144 : memref<!tpu.dma_semaphore, #tpu.memory_space<semaphore_mem>>)
      %dma_wait3A = tpu.memref_slice %arg11[%run_scoped3A_136, %mul3A_23] : memref<16x10240xf32, #tpu.memory_space<vmem_shared>> -> memref<1x640xf32, #tpu.memory_space<vmem_shared>>
      %dma_wait3A_148 = tpu.memref_squeeze %dma_wait3A : memref<1x640xf32, #tpu.memory_space<vmem_shared>> -> memref<640xf32, #tpu.memory_space<vmem_shared>>
      %dma_wait3A_149 = tpu.memref_slice %arg11[%run_scoped3A_136, %mul3A_23] : memref<16x10240xf32, #tpu.memory_space<vmem_shared>> -> memref<1x640xf32, #tpu.memory_space<vmem_shared>>
      %dma_wait3A_150 = tpu.memref_squeeze %dma_wait3A_149 : memref<1x640xf32, #tpu.memory_space<vmem_shared>> -> memref<640xf32, #tpu.memory_space<vmem_shared>>
      tpu.wait_dma2 semaphore(%run_scoped3A_144 : memref<!tpu.dma_semaphore, #tpu.memory_space<semaphore_mem>>) src(%dma_wait3A_150 : memref<640xf32, #tpu.memory_space<vmem_shared>>) dst(%arg10 : memref<640xf32, #tpu.memory_space<vmem>>)
      tpu.yield
    }) : () -> ()
    %scan3A_137 = arith.constant 0 : i32
    %scan3A_138 = arith.constant 0 : i32
    %scan3A_139 = arith.constant 40 : i32
    %scan3A_140 = arith.addi %scan3A_138, %scan3A_139 : i32
    %scan3A_141 = arith.constant 1 : i32
    %scan3A_142 = scf.for %scan3A_144 = %scan3A_138 to %scan3A_140 step %scan3A_141 iter_args(%scan3A_145 = %scan3A_137) -> (i32)  : i32 {
      %mul3A_146 = arith.constant 16 : i32
      %mul3A_147 = arith.muli %scan3A_144, %mul3A_146 : i32
      %get3A_148 = arith.index_cast %mul3A_147 : i32 to index
      %get3A_149 = tpu.vector_load %arg9[%get3A_148] {strides = array<i32>} : memref<10240xf32, #tpu.memory_space<vmem>>, vector<16xf32>,
      %mul3A_150 = arith.constant 16 : i32
      %mul3A_151 = arith.muli %scan3A_144, %mul3A_150 : i32
      %get3A_152 = arith.index_cast %mul3A_151 : i32 to index
      %get3A_153 = tpu.vector_load %arg10[%get3A_152] {strides = array<i32>} : memref<640xf32, #tpu.memory_space<vmem>>, vector<16xf32>,
      %add3A_154 = arith.addf %get3A_149, %get3A_153 : vector<16xf32>
      %mul3A_155 = arith.constant 16 : i32
      %mul3A_156 = arith.muli %scan3A_144, %mul3A_155 : i32
      %swap3A = arith.index_cast %mul3A_156 : i32 to index
      %swap3A_157 = tpu.vector_load %arg9[%swap3A] {strides = array<i32>} : memref<10240xf32, #tpu.memory_space<vmem>>, vector<16xf32>,
      tpu.vector_store %arg9[%swap3A], %add3A_154 {strides = array<i32>} : memref<10240xf32, #tpu.memory_space<vmem>>, vector<16xf32>,
      %scan3A_158 = arith.constant 0 : i32
      scf.yield %scan3A_158 : i32
    }
    %scan3A_143 = arith.constant 40 : i32
    "tpu.region"() ({
      %run_scoped3A_144 = tpu.sem_alloc : memref<!tpu.dma_semaphore, #tpu.memory_space<semaphore_mem>>
      %dma_start3A = arith.constant 0 : i32
      %dma_start3A_145 = tpu.memref_slice %arg9[%dma_start3A] : memref<10240xf32, #tpu.memory_space<vmem>> -> memref<640xf32, #tpu.memory_space<vmem>>
      %dma_start3A_146 = tpu.memref_slice %arg5[%arg0, %mul3A_23] : memref<2x10240xf32, #tpu.memory_space<hbm>> -> memref<1x640xf32, #tpu.memory_space<hbm>>
      %dma_start3A_147 = tpu.memref_squeeze %dma_start3A_146 : memref<1x640xf32, #tpu.memory_space<hbm>> -> memref<640xf32, #tpu.memory_space<hbm>>
      %dma_start3A_148 = tpu.memref_slice %arg5[%arg0, %mul3A_23] : memref<2x10240xf32, #tpu.memory_space<hbm>> -> memref<1x640xf32, #tpu.memory_space<hbm>>
      %dma_start3A_149 = tpu.memref_squeeze %dma_start3A_148 : memref<1x640xf32, #tpu.memory_space<hbm>> -> memref<640xf32, #tpu.memory_space<hbm>>
      %dma_start3A_150 = arith.constant 0 : i32
      %dma_start3A_151 = tpu.memref_slice %arg9[%dma_start3A_150] : memref<10240xf32, #tpu.memory_space<vmem>> -> memref<640xf32, #tpu.memory_space<vmem>>
      tpu.enqueue_dma source(%dma_start3A_151 : memref<640xf32, #tpu.memory_space<vmem>>) target(%dma_start3A_149 : memref<640xf32, #tpu.memory_space<hbm>>) target_semaphore(%run_scoped3A_144 : memref<!tpu.dma_semaphore, #tpu.memory_space<semaphore_mem>>)
      %dma_wait3A = arith.constant 0 : i32
      %dma_wait3A_152 = tpu.memref_slice %arg9[%dma_wait3A] : memref<10240xf32, #tpu.memory_space<vmem>> -> memref<640xf32, #tpu.memory_space<vmem>>
      %dma_wait3A_153 = tpu.memref_slice %arg5[%arg0, %mul3A_23] : memref<2x10240xf32, #tpu.memory_space<hbm>> -> memref<1x640xf32, #tpu.memory_space<hbm>>
      %dma_wait3A_154 = tpu.memref_squeeze %dma_wait3A_153 : memref<1x640xf32, #tpu.memory_space<hbm>> -> memref<640xf32, #tpu.memory_space<hbm>>
      %dma_wait3A_155 = tpu.memref_slice %arg5[%arg0, %mul3A_23] : memref<2x10240xf32, #tpu.memory_space<hbm>> -> memref<1x640xf32, #tpu.memory_space<hbm>>
      %dma_wait3A_156 = tpu.memref_squeeze %dma_wait3A_155 : memref<1x640xf32, #tpu.memory_space<hbm>> -> memref<640xf32, #tpu.memory_space<hbm>>
      %dma_wait3A_157 = arith.constant 0 : i32
      %dma_wait3A_158 = tpu.memref_slice %arg9[%dma_wait3A_157] : memref<10240xf32, #tpu.memory_space<vmem>> -> memref<640xf32, #tpu.memory_space<vmem>>
      tpu.wait_dma2 semaphore(%run_scoped3A_144 : memref<!tpu.dma_semaphore, #tpu.memory_space<semaphore_mem>>) src(%dma_wait3A_158 : memref<640xf32, #tpu.memory_space<vmem>>) dst(%dma_wait3A_156 : memref<640xf32, #tpu.memory_space<hbm>>)
      tpu.yield
    }) : () -> ()
    return
  }
}

module attributes {stable_mosaic.version = 14 : i64} {
  func.func @_tc_y_body(%arg0: i32, %arg1: memref<1000x256xf32, #tpu.memory_space<vmem>>, %arg2: memref<256x1xf32, #tpu.memory_space<vmem>>, %arg3: memref<2x1000x1xf32, #tpu.memory_space<vmem>>, %arg4: memref<1000x1xf32, #tpu.memory_space<vmem>>) attributes {dimension_semantics = [#tpu.dimension_semantics<arbitrary>], iteration_bounds = array<i64: 10>, scalar_prefetch = 0 : i64, scratch_operands = 0 : i64, tpu.core_type = #tpu.core_type<tc>, window_params = [{transform_indices = @transform_0, window_bounds = array<i64: 1000, 256>}, {pipeline_mode = #tpu.pipeline_mode<synchronous>, transform_indices = @transform_1, window_bounds = array<i64: 256, 1>}, {transform_indices = @transform_2, window_bounds = array<i64: 2, 1000, 1>}, {transform_indices = @transform_3, window_bounds = array<i64: 1000, 1>}]} {
    %get3A = arith.constant 0 : index
    %get3A_0 = arith.constant 0 : index
    %get3A_1 = vector.load %arg1[%get3A, %get3A_0] : memref<1000x256xf32, #tpu.memory_space<vmem>>, vector<1000x256xf32>
    %get3A_2 = arith.constant 0 : index
    %get3A_3 = arith.constant 0 : index
    %get3A_4 = vector.load %arg2[%get3A_2, %get3A_3] : memref<256x1xf32, #tpu.memory_space<vmem>>, vector<256x1xf32>
    %dot_general3A = arith.constant dense<0.000000e+00> : vector<1000x1xf32>
    %dot_general3A_5 = tpu.matmul %get3A_1, %get3A_4, %dot_general3A {dimension_numbers = #tpu.dot_dimension_numbers<[1], [0], [0], [1], [0, 0, 1, 1], [], []>, transpose_lhs_hint = false} : vector<1000x256xf32>, vector<256x1xf32>, vector<1000x1xf32> -> vector<1000x1xf32>
    %get3A_6 = arith.constant 0 : index
    %get3A_7 = arith.constant 0 : index
    %get3A_8 = arith.constant 0 : index
    %get3A_9 = vector.load %arg3[%get3A_6, %get3A_7, %get3A_8] : memref<2x1000x1xf32, #tpu.memory_space<vmem>>, vector<1x1000x1xf32>
    %get3A_10 = vector.shape_cast %get3A_9 : vector<1x1000x1xf32> to vector<1000x1xf32>
    %get3A_11 = arith.constant 1 : index
    %get3A_12 = arith.constant 0 : index
    %get3A_13 = arith.constant 0 : index
    %get3A_14 = vector.load %arg3[%get3A_11, %get3A_12, %get3A_13] : memref<2x1000x1xf32, #tpu.memory_space<vmem>>, vector<1x1000x1xf32>
    %get3A_15 = vector.shape_cast %get3A_14 : vector<1x1000x1xf32> to vector<1000x1xf32>
    %add3A = arith.addf %get3A_10, %get3A_15 : vector<1000x1xf32>
    %max3A = arith.constant 1.000000e+00 : f32
    %max3A_16 = vector.broadcast %max3A : f32 to vector<1000x1xf32>
    %max3A_17 = arith.maximumf %add3A, %max3A_16 : vector<1000x1xf32>
    %rsqrt3A = math.rsqrt %max3A_17 : vector<1000x1xf32>
    %mul3A = arith.mulf %dot_general3A_5, %rsqrt3A : vector<1000x1xf32>
    %swap3A = arith.constant 0 : index
    %swap3A_18 = arith.constant 0 : index
    %swap3A_19 = vector.load %arg4[%swap3A, %swap3A_18] : memref<1000x1xf32, #tpu.memory_space<vmem>>, vector<1000x1xf32>
    tpu.vector_store %arg4[%swap3A, %swap3A_18], %mul3A {strides = array<i32>} : memref<1000x1xf32, #tpu.memory_space<vmem>>, vector<1000x1xf32>,
    return
  }
  func.func @transform_0(%arg0: i32) -> (i32, i32) {
    %c0_i32 = arith.constant 0 : i32
    %c0_i32_0 = arith.constant 0 : i32
    return %arg0, %c0_i32 : i32, i32
  }
  func.func @transform_1(%arg0: i32) -> (i32, i32) {
    %c0_i32 = arith.constant 0 : i32
    %c0_i32_0 = arith.constant 0 : i32
    %c0_i32_1 = arith.constant 0 : i32
    return %c0_i32, %c0_i32_0 : i32, i32
  }
  func.func @transform_2(%arg0: i32) -> (i32, i32, i32) {
    %c0_i32 = arith.constant 0 : i32
    %c0_i32_0 = arith.constant 0 : i32
    %c0_i32_1 = arith.constant 0 : i32
    return %c0_i32, %arg0, %c0_i32_0 : i32, i32, i32
  }
  func.func @transform_3(%arg0: i32) -> (i32, i32) {
    %c0_i32 = arith.constant 0 : i32
    %c0_i32_0 = arith.constant 0 : i32
    return %arg0, %c0_i32 : i32, i32
  }
}

module attributes {stable_mosaic.version = 14 : i64} {
  func.func @_tc_rank_body(%arg0: memref<2x100x100xf32, #tpu.memory_space<vmem>>, %arg1: memref<2x100x100xf32, #tpu.memory_space<vmem>>, %arg2: memref<1x1xf32, #tpu.memory_space<vmem>>, %arg3: memref<100x50xi32, #tpu.memory_space<vmem>>, %arg4: memref<100x50xf32, #tpu.memory_space<vmem>>) attributes {dimension_semantics = [], scalar_prefetch = 0 : i64, scratch_operands = 0 : i64, tpu.core_type = #tpu.core_type<tc>} {
    %get3A = arith.constant 0 : index
    %get3A_0 = arith.constant 0 : index
    %get3A_1 = arith.constant 0 : index
    %get3A_2 = vector.load %arg0[%get3A, %get3A_0, %get3A_1] : memref<2x100x100xf32, #tpu.memory_space<vmem>>, vector<1x100x100xf32>
    %get3A_3 = vector.shape_cast %get3A_2 : vector<1x100x100xf32> to vector<100x100xf32>
    %get3A_4 = arith.constant 1 : index
    %get3A_5 = arith.constant 0 : index
    %get3A_6 = arith.constant 0 : index
    %get3A_7 = vector.load %arg0[%get3A_4, %get3A_5, %get3A_6] : memref<2x100x100xf32, #tpu.memory_space<vmem>>, vector<1x100x100xf32>
    %get3A_8 = vector.shape_cast %get3A_7 : vector<1x100x100xf32> to vector<100x100xf32>
    %add3A = arith.addf %get3A_3, %get3A_8 : vector<100x100xf32>
    %get3A_9 = arith.constant 0 : index
    %get3A_10 = arith.constant 0 : index
    %get3A_11 = arith.constant 0 : index
    %get3A_12 = vector.load %arg1[%get3A_9, %get3A_10, %get3A_11] : memref<2x100x100xf32, #tpu.memory_space<vmem>>, vector<1x100x100xf32>
    %get3A_13 = vector.shape_cast %get3A_12 : vector<1x100x100xf32> to vector<100x100xf32>
    %get3A_14 = arith.constant 1 : index
    %get3A_15 = arith.constant 0 : index
    %get3A_16 = arith.constant 0 : index
    %get3A_17 = vector.load %arg1[%get3A_14, %get3A_15, %get3A_16] : memref<2x100x100xf32, #tpu.memory_space<vmem>>, vector<1x100x100xf32>
    %get3A_18 = vector.shape_cast %get3A_17 : vector<1x100x100xf32> to vector<100x100xf32>
    %add3A_19 = arith.addf %get3A_13, %get3A_18 : vector<100x100xf32>
    %max3A = arith.constant 1.000000e+00 : f32
    %max3A_20 = vector.broadcast %max3A : f32 to vector<100x100xf32>
    %max3A_21 = arith.maximumf %add3A_19, %max3A_20 : vector<100x100xf32>
    %rsqrt3A = math.rsqrt %max3A_21 : vector<100x100xf32>
    %mul3A = arith.mulf %add3A, %rsqrt3A : vector<100x100xf32>
    %get3A_22 = arith.constant 0 : index
    %get3A_23 = arith.constant 0 : index
    %get3A_24 = vector.load %arg2[%get3A_22, %get3A_23] : memref<1x1xf32, #tpu.memory_space<vmem>>, vector<1x1xf32>
    %get3A_25 = vector.extract %get3A_24[0, 0] : f32 from vector<1x1xf32>
    %add3A_26 = vector.broadcast %get3A_25 : f32 to vector<100x100xf32>
    %add3A_27 = arith.addf %mul3A, %add3A_26 : vector<100x100xf32>
    %iota3A = tpu.iota {dimensions = array<i32: 1>} : vector<100x100x100xi32>
    %iota3A_28 = tpu.iota {dimensions = array<i32: 2>} : vector<100x100x100xi32>
    %broadcast_in_dim3A = vector.shape_cast %add3A_27 : vector<100x100xf32> to vector<100x100x1xf32>
    %broadcast_in_dim3A_29 = vector.shape_cast %add3A_27 : vector<100x100xf32> to vector<100x1x100xf32>
    %gt3A = vector.broadcast %broadcast_in_dim3A_29 : vector<100x1x100xf32> to vector<100x100x100xf32>
    %gt3A_30 = vector.broadcast %broadcast_in_dim3A : vector<100x100x1xf32> to vector<100x100x100xf32>
    %gt3A_31 = arith.cmpf ogt, %gt3A, %gt3A_30 : vector<100x100x100xf32>
    %eq3A = vector.broadcast %broadcast_in_dim3A_29 : vector<100x1x100xf32> to vector<100x100x100xf32>
    %eq3A_32 = vector.broadcast %broadcast_in_dim3A : vector<100x100x1xf32> to vector<100x100x100xf32>
    %eq3A_33 = arith.cmpf oeq, %eq3A, %eq3A_32 : vector<100x100x100xf32>
    %lt3A = arith.cmpi slt, %iota3A_28, %iota3A : vector<100x100x100xi32>
    %and3A = arith.andi %eq3A_33, %lt3A : vector<100x100x100xi1>
    %or3A = arith.ori %gt3A_31, %and3A : vector<100x100x100xi1>
    %convert_element_type3A = arith.extui %or3A : vector<100x100x100xi1> to vector<100x100x100xi32>
    %reduce_sum3A = arith.constant dense<0> : vector<100x100xi32>
    %reduce_sum3A_34 = vector.multi_reduction <add>, %convert_element_type3A, %reduce_sum3A [2] : vector<100x100x100xi32> to vector<100x100xi32>
    %iota3A_35 = tpu.iota {dimensions = array<i32: 2>} : vector<100x100x50xi32>
    %broadcast_in_dim3A_36 = vector.shape_cast %reduce_sum3A_34 : vector<100x100xi32> to vector<100x100x1xi32>
    %eq3A_37 = vector.broadcast %broadcast_in_dim3A_36 : vector<100x100x1xi32> to vector<100x100x50xi32>
    %eq3A_38 = arith.cmpi eq, %eq3A_37, %iota3A_35 : vector<100x100x50xi32>
    %iota3A_39 = tpu.iota {dimensions = array<i32: 1>} : vector<100x100x50xi32>
    %iota3A_40 = tpu.iota {dimensions = array<i32: 0>} : vector<100x50xi32>
    %jit3A = arith.constant 0 : i32
    %broadcast_in_dim3A_41 = vector.broadcast %jit3A : i32 to vector<100x100x50xi32>
    %select_n3A = arith.select %eq3A_38, %iota3A_39, %broadcast_in_dim3A_41 : vector<100x100x50xi1>, vector<100x100x50xi32>
    %reduce_sum3A_42 = arith.constant dense<0> : vector<100x50xi32>
    %reduce_sum3A_43 = vector.multi_reduction <add>, %select_n3A, %reduce_sum3A_42 [1] : vector<100x100x50xi32> to vector<100x50xi32>
    %mul3A_44 = arith.constant 100 : i32
    %mul3A_45 = vector.broadcast %mul3A_44 : i32 to vector<100x50xi32>
    %mul3A_46 = arith.muli %iota3A_40, %mul3A_45 : vector<100x50xi32>
    %add3A_47 = arith.addi %reduce_sum3A_43, %mul3A_46 : vector<100x50xi32>
    %swap3A = arith.constant 0 : index
    %swap3A_48 = arith.constant 0 : index
    %swap3A_49 = vector.load %arg3[%swap3A, %swap3A_48] : memref<100x50xi32, #tpu.memory_space<vmem>>, vector<100x50xi32>
    tpu.vector_store %arg3[%swap3A, %swap3A_48], %add3A_47 {strides = array<i32>} : memref<100x50xi32, #tpu.memory_space<vmem>>, vector<100x50xi32>,
    %broadcast_in_dim3A_50 = vector.shape_cast %add3A_27 : vector<100x100xf32> to vector<100x100x1xf32>
    %jit3A_51 = arith.constant 0.000000e+00 : f32
    %broadcast_in_dim3A_52 = vector.shape_cast %broadcast_in_dim3A_50 : vector<100x100x1xf32> to vector<100x100x1xf32>
    %broadcast_in_dim3A_53 = vector.broadcast %broadcast_in_dim3A_52 : vector<100x100x1xf32> to vector<100x100x50xf32>
    %broadcast_in_dim3A_54 = vector.broadcast %jit3A_51 : f32 to vector<100x100x50xf32>
    %select_n3A_55 = arith.select %eq3A_38, %broadcast_in_dim3A_53, %broadcast_in_dim3A_54 : vector<100x100x50xi1>, vector<100x100x50xf32>
    %reduce_sum3A_56 = arith.constant dense<0.000000e+00> : vector<100x50xf32>
    %reduce_sum3A_57 = vector.multi_reduction <add>, %select_n3A_55, %reduce_sum3A_56 [1] : vector<100x100x50xf32> to vector<100x50xf32>
    %tanh3A = math.tanh %reduce_sum3A_57 : vector<100x50xf32>
    %swap3A_58 = arith.constant 0 : index
    %swap3A_59 = arith.constant 0 : index
    %swap3A_60 = vector.load %arg4[%swap3A_58, %swap3A_59] : memref<100x50xf32, #tpu.memory_space<vmem>>, vector<100x50xf32>
    tpu.vector_store %arg4[%swap3A_58, %swap3A_59], %tanh3A {strides = array<i32>} : memref<100x50xf32, #tpu.memory_space<vmem>>, vector<100x50xf32>,
    return
  }
}

</mosaic_0001>

<sc_bundles>
// kernel: kernel.10.cloned.1.call-start
scs
__scs_entry_jumppad:
0x0: {  	(pc) =	sbr.rel $0x88, $3  }
0x1: {  	(tag) =	ssettag $0x0;
	lr =	simm.s32 $0x1  }
0x2: {  	[smem:$0x3F9C] =	sst lr;
	_ =	strace $0xD0000000  }
0x3: {  	_ = 	snop  }
0x4: {  	_ = 	snop  }
0x5: {  	_ = 	snop  }
0x6: {  	_ = 	snop  }
0x7: {  	_ = 	snop  }
__scs_overlays_trampoline_lowered:
0x8: {  	[smem:$0x3FAB] =	sst s0  }
0x9: {  	[smem:$0x3FAC] =	sst s1  }
0xa: {  	[smem:$0x3FAD] =	sst s2  }
0xb: {  	[smem:$0x3FAE] =	sst s3  }
0xc: {  	[smem:$0x3FAF] =	sst s4  }
0xd: {  	[smem:$0x3FB0] =	sst s5  }
0xe: {  	[smem:$0x3FB1] =	sst s6  }
0xf: {  	[smem:$0x3FB2] =	sst s7  }
0x10: {  	[smem:$0x3FB3] =	sst s8  }
0x11: {  	[smem:$0x3FB4] =	sst s9;
	s0 =	simm.s32 @!p0 $0x0  }
0x12: {  	s1 =	sld [smem:$0x3F9A];
	s0 =	simm.s32 @p0 $0x1  }
0x13: {  	[smem:$0x3FB5] =	sst s0;
	s0 =	simm.s32 @!p1 $0x0  }
0x14: {  	s2 =	sld [smem:$0x3F99];
	s0 =	simm.s32 @p1 $0x1  }
0x15: {  	[smem:$0x3FB6] =	sst s0;
	s0 =	simm.s32 @!p2 $0x0  }
0x16: {  	s3 =	sld [smem:$0x3FDB];
	s0 =	simm.s32 @p2 $0x1  }
0x17: {  	s4 =	simm.s32 $0x1BF5;
	[smem:$0x3FB8] =	sst s0  }
0x18: {  	s0 =	sld [smem:$0x3F9B];
	_ =	swait.ge [sflag:s4], $0x0  }
0x19: {  	s7 =	sld [smem:$0x3F9C]  }
0x1a: {  	s8 =	sadd.s32 $0xFFFFE003, lr  }
0x1b: {  	s9 =	sadd.s32 $0xFFFFFEF7, lr;
	s5 =	simm.s32 $0xFFFFFFFF;
	p2 =	slt.u32 s8, $0xFFFFF086  }
0x1c: {  	p1 =	slt.u32 s9, $0xF7A;
	s5 =	simm.s32 @!p2 $0x0  }
0x1d: {  	s5 =	simm.s32 @p1 $0x1;
	p0 =	seq.s32 s7, s2  }
0x1e: {  	s7 =	smul.u32 @!p0 $0xF7A, s2;
	p2 =	seq.s32 @!p0 s5, $0x0  }
0x1f: {  	s9 =	smul.u32 $0xF7A, s1;
	s8 =	simm.s32 @!p0 $0x1BF5;
	p2 =	por !p2, p0  }
0x20: {  	[sflag:s8] =	ssyncset.s32 @!p0 $0xFFFFF086;
	s6 =	sadd.s32 @!p0 s3, s7;
	s7 =	simm.s32 @!p0 $0x108  }
0x21: {  	s3 =	sadd.s32 s3, s9;
	s6 =	sadd.s32 @!p0 $0x88, s6;
	s7 =	simm.s32 @p2 $0x1082  }
0x22: {  	[simem:s7], [sflag:s8] =	dma.local @!p0 [hbm:s6], $0xF7A  }
0x23: {  	s9 =	sor.u32 $0xD0000000, s2;
	s6 =	simm.s32 $0x108;
	_ =	swait.ge @!p0 [sflag:s8], $0x0  }
0x24: {  	s3 =	sadd.s32 $0x88, s3;
	s6 =	simm.s32 @!p1 $0x1082;
	[sflag:s4] =	ssyncset.s32 $0xFFFFF086  }
0x25: {  	[simem:s6], [sflag:s4] =	dma.local [hbm:s3], $0xF7A  }
0x26: {  	[smem:$0x3F9C] =	sst s1;
	(tag) =	ssettag s2;
	_ =	strace s9  }
0x27: {  	s1 =	sld [smem:$0x3FAC]  }
0x28: {  	s2 =	sld [smem:$0x3FAD]  }
0x29: {  	s4 =	sld [smem:$0x3FAF]  }
0x2a: {  	p0 =	seq.s32 s5, $0x0;
	s5 =	sld [smem:$0x3FB0]  }
0x2b: {  	s6 =	sld [smem:$0x3FB1]  }
0x2c: {  	s7 =	sld [smem:$0x3FB2]  }
0x2d: {  	s3 =	simm.s32 $0x108;
	s8 =	sld [smem:$0x3FB3]  }
0x2e: {  	s3 =	simm.s32 @!p0 $0x1082;
	s9 =	sld [smem:$0x3FB4]  }
0x2f: {  	lr =	sadd.s32 s0, s3;
	s0 =	sld [smem:$0x3FAB]  }
0x30: {  	s3 =	sld [smem:$0x3FAE]  }
0x31: {  	[smem:$0x3FB7] =	sst s10  }
0x32: {  	s10 =	sld [smem:$0x3FB5];
	_ =	sdelay $0x3  }
0x33: {  	p0 =	seq.s32 s10, $0x1;
	s10 =	sld [smem:$0x3FB7];
	_ =	sdelay $0x3  }
0x34: {  	[smem:$0x3FB7] =	sst s10  }
0x35: {  	s10 =	sld [smem:$0x3FB6];
	_ =	sdelay $0x3  }
0x36: {  	p1 =	seq.s32 s10, $0x1;
	s10 =	sld [smem:$0x3FB7];
	_ =	sdelay $0x3  }
0x37: {  	[smem:$0x3FB7] =	sst s10  }
0x38: {  	s10 =	sld [smem:$0x3FB8]  }
0x39: {  	_ = 	snop;
	(pc) =	sbr.ind lr, $3  }
0x3a: {  	_ = 	snop  }
0x3b: {  	_ = 	snop  }
0x3c: {  	p2 =	seq.s32 s10, $0x1;
	s10 =	sld [smem:$0x3FB7]  }
0x3d: {  	_ =	shalt  }
0x3e: {  	_ =	shalt  }
0x3f: {  	_ =	shalt  }
0x40: {  	_ =	shalt  }
0x41: {  	_ =	shalt  }
0x42: {  	_ =	shalt  }
0x43: {  	_ =	shalt  }
0x44: {  	_ =	shalt  }
0x45: {  	_ =	shalt  }
0x46: {  	_ =	shalt  }
0x47: {  	_ =	shalt  }
0x48: {  	_ =	shalt  }
0x49: {  	_ =	shalt  }
0x4a: {  	_ =	shalt  }
0x4b: {  	_ =	shalt  }
0x4c: {  	_ =	shalt  }
0x4d: {  	_ =	shalt  }
0x4e: {  	_ =	shalt  }
0x4f: {  	_ =	shalt  }
0x50: {  	_ =	shalt  }
0x51: {  	_ =	shalt  }
0x52: {  	_ =	shalt  }
0x53: {  	_ =	shalt  }
0x54: {  	_ =	shalt  }
0x55: {  	_ =	shalt  }
0x56: {  	_ =	shalt  }
0x57: {  	_ =	shalt  }
0x58: {  	_ =	shalt  }
0x59: {  	_ =	shalt  }
0x5a: {  	_ =	shalt  }
0x5b: {  	_ =	shalt  }
0x5c: {  	_ =	shalt  }
0x5d: {  	_ =	shalt  }
0x5e: {  	_ =	shalt  }
0x5f: {  	_ =	shalt  }
0x60: {  	_ =	shalt  }
0x61: {  	_ =	shalt  }
0x62: {  	_ =	shalt  }
0x63: {  	_ =	shalt  }
0x64: {  	_ =	shalt  }
0x65: {  	_ =	shalt  }
0x66: {  	_ =	shalt  }
0x67: {  	_ =	shalt  }
0x68: {  	_ =	shalt  }
0x69: {  	_ =	shalt  }
0x6a: {  	_ =	shalt  }
0x6b: {  	_ =	shalt  }
0x6c: {  	_ =	shalt  }
0x6d: {  	_ =	shalt  }
0x6e: {  	_ =	shalt  }
0x6f: {  	_ =	shalt  }
0x70: {  	_ =	shalt  }
0x71: {  	_ =	shalt  }
0x72: {  	_ =	shalt  }
0x73: {  	_ =	shalt  }
0x74: {  	_ =	shalt  }
0x75: {  	_ =	shalt  }
0x76: {  	_ =	shalt  }
0x77: {  	_ =	shalt  }
0x78: {  	_ =	shalt  }
0x79: {  	_ =	shalt  }
0x7a: {  	_ =	shalt  }
0x7b: {  	_ =	shalt  }
0x7c: {  	_ =	shalt  }
0x7d: {  	_ =	shalt  }
0x7e: {  	_ =	shalt  }
0x7f: {  	_ =	shalt  }
0x80: {  	_ =	shalt  }
0x81: {  	_ =	shalt  }
0x82: {  	_ =	shalt  }
0x83: {  	_ =	shalt  }
0x84: {  	_ =	shalt  }
0x85: {  	_ =	shalt  }
0x86: {  	_ =	shalt  }
0x87: {  	_ =	shalt  }
.Lfunc_end0:
.L_simem_size_0:
called_computation.1_lowered:
.L_overlay_start_0:
0x88: {  	s2 =	sld [smem:$0x3FD9]  }
0x89: {  	s3 =	sld [smem:$0x3FFE];
	_ =	sdelay $0x1  }
0x8a: {  	s1 =	srdreg.scid  }
0x8b: {  	s0 =	sand.u32 $0x1, s1  }
0x8c: {  	s14 =	sshll.u32 s0, $0xA;
	s2 =	sadd.s32 s3, s2  }
0x8d: {  	s2 =	sadd.s32 s2, s14  }
0x8e: {  	[smem:$0x3FC3] =	sst s2  }
0x8f: {  	_ = 	snop  }
0x90: {  	s2 =	sld [smem:$0x3FD0];
	_ =	sdelay $0x2  }
0x91: {  	s15 =	simm.s32 $0xA;
	s4 =	simm.s32 $0x10  }
0x92: {  	[smem:s4], [sflag:s15] =	dma.local [hbm:s2], $0x1  }
0x93: {  	_ =	swait.eq [sflag:s15], $0x1  }
0x94: {  	[sflag:s15] =	ssyncset.done $0x0  }
0x95: {  	[sflag:s15] =	ssyncadd.s32 $0xFFFFFFFF  }
0x96: {  	s16 =	sld [smem:$0x10];
	(tm) =	ssettm $0x1  }
0x97: {  	s17 =	sld [smem:$0x3FFB];
	_ =	sdelay $0x3  }
0x98: {  	_ =	strace s17  }
0x99: {  	s3 =	sld [smem:$0x3FFC];
	_ =	sdelay $0x3  }
0x9a: {  	_ =	strace s3  }
0x9b: {  	s3 =	sld [smem:$0x3FFD];
	_ =	sdelay $0x3  }
0x9c: {  	_ =	strace s3  }
0x9d: {  	_ =	strace $0x8FFFFFFF  }
0x9e: {  	s18 =	sld [smem:$0x3FDB];
	_ =	sdelay $0x1  }
0x9f: {  	s19 =	simm.s32 $_scs_section_size  }
0xa0: {  	s5 =	simm.s32 $_size__tile_overlayer_lowered;
	s6 =	simm.s32 $_tile_overlayer_lowered  }
0xa1: {  	s22 =	simm.s32 $0x1BFF;
	s21 =	sshll.u32 s6, $0x1;
	s3 =	sadd.s32 s19, s18  }
0xa2: {  	s7 =	simm.s32 $0x0;
	s20 =	sshll.u32 s5, $0x1;
	s5 =	sadd.s32 s21, s3  }
0xa3: {  	[timem:s7], [sflag:s22] =	dma.local [hbm:s5], s20  }
0xa4: {  	_ =	swait.ge [sflag:s22], s20  }
0xa5: {  	s4 =	ssub.s32 $0x0, s20;
	[sflag:s22] =	ssyncset.done $0x0  }
0xa6: {  	[sflag:s22] =	ssyncadd.s32 s4;
	_ =	sdelay $0x1  }
0xa7: {  	s23 =	simm.s32 $0x1B8B  }
0xa8: {  	_ =	swait.ge [sflag:s23], $0x1  }
0xa9: {  	[sflag:s23] =	ssyncset.done $0x0  }
0xaa: {  	s25 =	simm.s32 $0x1B8E;
	s24 =	sld [smem:$0x3FFE];
	[sflag:s23] =	ssyncadd.s32 $0xFFFFFFFF  }
0xab: {  	s26 =	simm.s32 $execute0_lowered;
	[smem:$0x3FD2] =	sst s25  }
0xac: {  	s5 =	sshll.u32 s26, $0x1;
	_ =	strace $0x80000049;
	[dreg:$0x1] =	wrdreg $0xFFFFFFFF  }
0xad: {  	s28 =	simm.s32 $_size_execute0_lowered;
	s3 =	sadd.s32 s3, s5;
	[dreg:$0x0] =	wrdreg $0x0  }
0xae: {  	s5 =	sshll.u32 s28, $0x1;
	[dreg:$0x2] =	wrdreg s3  }
0xaf: {  	[dreg:$0x3] =	wrdreg s5  }
0xb0: {  	[dreg:$0x4] =	wrdreg $0xC0  }
0xb1: {  	_ =	task [dreg:s7], $0x5FFFF  }
0xb2: {  	[dreg:$0x1] =	wrdreg $0xFFFFFFFF  }
0xb3: {  	[dreg:$0x0] =	wrdreg $0x60  }
0xb4: {  	[dreg:$0x2] =	wrdreg s24  }
0xb5: {  	[dreg:$0x3] =	wrdreg s16  }
0xb6: {  	[dreg:$0x4] =	wrdreg $0x7A000  }
0xb7: {  	[dreg:$0x5] =	wrdreg $0x9  }
0xb8: {  	_ =	task.clear_ibuf [dreg:s7], $0x6FFFF;
	_ =	strace $0x90000049  }
0xb9: {  	s29 =	simm.s32 $0x9;
	_ =	strace $0x8000004B  }
0xba: {  	_ =	swait.ge [sflag:s29], $0x1  }
0xbb: {  	[sflag:s29] =	ssyncadd.s32 $0xFFFFFFFF  }
0xbc: {  	_ =	strace $0x9000004B  }
0xbd: {  	_ =	sfence  }
0xbe: {  	s30 =	sld [smem:$0x0];
	_ =	sdelay $0x2  }
0xbf: {  	s31 =	sshll.u32 s1, $0xD;
	s1 =	sshrl.u32 s1, $0x2  }
0xc0: {  	s3 =	sand.u32 $0x4000, s31;
	s1 =	sadd.s32 s1, s30  }
0xc1: {  	s0 =	sor.u32 s3, s0;
	s1 =	sshll.u32 s1, $0x11  }
0xc2: {  	s0 =	sor.u32 s1, s0  }
0xc3: {  	s0 =	sadd.s32 $0x8F2B, s0  }
0xc4: {  	[sflag:s0] =	ssyncadd.remote.s32 $0x1  }
0xc5: {  	_ =	sfence.sel $0xFFFF  }
0xc6: {  	[dreg:$0x0] =	wrdreg $0xFFFFFFFF;
	(pc) =	sbr.abs _section_cstart, $3  }
0xc7: {  	[dreg:$0x1] =	wrdreg $0xFFFFFFFF  }
0xc8: {  	_ =	task.clear_ibuf [dreg:s7], $0x2FFFF;
	_ =	strace $0x9FFFFFFF  }
0xc9: {  	(tm) =	ssettm $0x7FFFFFFF  }
tec
execute0_lowered:
.L_overlay_start_1:
0x0: {  	(tag) =	ssettag $0x1  }
0x1: {  	s0 =	rddreg [dreg:$0x0]  }
0x2: {  	s1 =	srdreg.scid;
	s3 =	rddreg [dreg:$0x1]  }
0x3: {  	s10 =	stileid.u32;
	s6 =	rddreg [dreg:$0x2];
	s28 =	simm.s32 $0x2800  }
0x4: {  	s29 =	simm.s32 $0x4F80;
	s30 =	simm.s32 $0x80;
	s31 =	simm.s32 $0x400  }
0x5: {  	s1 =	sand.u32 $0x1, s1;
	s2 =	sshll.u32 s10, $0x1;
	s19 =	smul.u32 $0x500, s10  }
0x6: {  	s9 =	sadd.s32 $0x5A00, s0;
	s20 =	sshrl.u32 s10, $0x3;
	s22 =	smul.u32 $0x5000, s10  }
0x7: {  	s24 =	sshll.u32 s10, $0x7;
	s4 =	sor.u32 s1, s2;
	s2 =	simm.s32 $0x0  }
0x8: {  	s8 =	sshll.u32 s1, $0x7;
	s1 =	ssub.s32 $0x2, s1;
	s5 =	smul.u32 $0x271, s4  }
0x9: {  	[smem:$0x7FF] =	sst s2;
	s4 =	sor.u32 s8, s19;
	s8 =	smul.u32 $0x50000, s20  }
0xa: {  	s21 =	sshrl.u32 s1, $0x1;
	s26 =	sshrl.u32 s22, $0x2;
	_ =	strace $0x8000004A  }
0xb: {  	[dreg:$0x4] =	wrdreg s9;
	s4 =	sshrl.u32 s4, $0x3;
	s1 =	ssub.s32 s1, s21  }
0xc: {  	s7 =	sadd.s32 s5, s0;
	s0 =	sadd.s32 s4, s0;
	s5 =	sadd.s32 s3, s5  }
0xd: {  	s25 =	sshrl.u32 s8, $0x2;
	s3 =	sand.u32 $0x380, s24;
	s24 =	smax.u32 s1, $0x1  }
0xe: {  	s1 =	simm.s32 $0x7780;
	s23 =	sadd.s32 $0xA00, s7;
	s7 =	sadd.s32 s25, s6  }
0xf: {  	s6 =	sadd.s32 s26, s6;
	s25 =	simm.s32 $0x1;
	s26 =	simm.s32 $0x0  }
0x10: {  	[dreg:$0x5] =	wrdreg s23;
	s7 =	sadd.s32 s3, s7;
	s8 =	sadd.s32 $0x80, s6  }
0x11: {  	s9 =	sadd.s32 $0x100, s6;
	s10 =	sadd.s32 $0x180, s6;
	s11 =	sadd.s32 $0x200, s6  }
0x12: {  	s12 =	sadd.s32 $0x280, s6;
	s13 =	sadd.s32 $0x300, s6;
	s14 =	sadd.s32 $0x380, s6  }
0x13: {  	s15 =	sadd.s32 $0x14000, s6;
	s16 =	sadd.s32 $0x14080, s6;
	s17 =	sadd.s32 $0x14100, s6  }
0x14: {  	s18 =	sadd.s32 $0x14180, s6;
	s19 =	sadd.s32 $0x14200, s6;
	s20 =	sadd.s32 $0x14280, s6  }
0x15: {  	v0 =	vimm.f32 $0.0e+00;
	vm0 =	vcmask $0x3F20;
	s21 =	sadd.s32 $0x14300, s6;
	s22 =	sadd.s32 $0x14380, s6;
	s23 =	sadd.s32 $0x6000, s0  }
.LBB2_1:
0x16: {  	s0 =	rddreg [dreg:$0x5]  }
0x17: {  	[tilespmem:s2], [sflag:$0x1] =	stream.linear.gather [hbm4b:s0+s2], $0x1388, $0x38;
	[tilespmem:$0xA200] =	vst v63  }
0x18: {  	_ =	swait.ge [sflag:s25], $0x1388  }
0x19: {  	[sflag:s25] =	ssyncset.done $0x0  }
0x1a: {  	s3 =	simm.s32 $0x1400;
	[sflag:s25] =	ssyncadd.s32 $0xFFFFEC78  }
0x1b: {  	[tilespmem:s3], [sflag:$0x1] =	stream.linear.gather [hbm4b:s5+s2], $0x1388, $0x38;
	[tilespmem:$0xA200] =	vst v63  }
0x1c: {  	_ =	swait.ge [sflag:s25], $0x1388  }
0x1d: {  	[sflag:s25] =	ssyncset.done $0x0  }
0x1e: {  	s4 =	rddreg [dreg:$0x4];
	[sflag:s25] =	ssyncadd.s32 $0xFFFFEC78  }
0x1f: {  	[tilespmem:s28], [sflag:$0x1] =	stream.linear.gather [hbm4b:s4+s2], $0x2780, $0x38;
	[tilespmem:$0xA200] =	vst v63  }
0x20: {  	_ =	swait.ge [sflag:s25], $0x2780  }
0x21: {  	[sflag:s25] =	ssyncset.done $0x0  }
0x22: {  	s0 =	simm.s32 $0x0;
	[sflag:s25] =	ssyncadd.s32 $0xFFFFD880  }
.LBB2_2:
0x23: {  	p0 =	sne.s32 s0, $0x9FC0  }
.Ltmp0:
0x24: {  	_ = 	snop;
	(pc) =	sbr.rel @p0 .LBB2_2-.Ltmp0, $3  }
0x25: {  	_ =	sdelay $0x1  }
0x26: {  	s3 =	sshra.s32 s0, $0x2  }
0x27: {  	s0 =	sadd.s32 $0x40, s0;
	[tilespmem:s3+$0x4F80] =	vst v0  }
0x28: {  	s3 =	simm.s32 $0x0;
	s0 =	simm.s32 $0x40  }
.LBB2_4:
0x29: {  	p0 =	sne.s32 s0, $0x4DC0;
	v1 =	vld [tilespmem:s3+$0x0];
	_ =	sdelay $0x5  }
0x2a: {  	v2 =	vld [tilespmem:s3+$0x1400];
	_ =	sdelay $0x1  }
0x2b: {  	v1 =	vld.idx.msk [tilespmem:v1+s28+$0x0], $0xffff;
	_ =	sdelay $0x1  }
.Ltmp1:
0x2c: {  	(pc) =	sbr.rel @p0 .LBB2_4-.Ltmp1, $2  }
0x2d: {  	_ =	sdelay $0x2  }
0x2e: {  	s3 =	sshra.s32 s0, $0x2;
	s0 =	sadd.s32 $0x40, s0;
	[tilespmem:v2+s29+$0x0] =	vst.idx.add.f32.msk $0xffff, v1  }
0x2f: {  	v1 =	vld [tilespmem:s3+$0x0];
	_ =	sdelay $0x4  }
0x30: {  	v2 =	vld [tilespmem:s3+$0x1400];
	_ =	sdelay $0x2  }
0x31: {  	v1 =	vld.idx.msk [tilespmem:v1+s28+$0x0], $0xffff;
	_ =	sdelay $0x4  }
0x32: {  	[tilespmem:v2+s29+$0x0] =	vst.idx.add.f32.msk $0xffff, v1  }
0x33: {  	v1 =	vld [tilespmem:$0x1378];
	_ =	sdelay $0x4  }
0x34: {  	v2 =	vld [tilespmem:$0x2778];
	_ =	sdelay $0x2  }
0x35: {  	v1 =	vld.idx.msk [tilespmem:v1+s28+$0x0], vm0;
	_ =	sdelay $0x4  }
0x36: {  	[tilespmem:v2+s29+$0x0] =	vst.idx.add.f32.msk vm0, v1  }
0x37: {  	[spmem:s7] =	stream.strided.scatter [tilespmem:s29], [sflag:$0x1], $0x2800, s31, s30, $0x38;
	[tilespmem:$0xA200] =	vst v63  }
0x38: {  	_ =	swait.ge [sflag:s25], $0x2800  }
0x39: {  	[sflag:s25] =	ssyncset.done $0x0  }
0x3a: {  	[sflag:s25] =	ssyncadd.s32 $0xFFFFD800  }
0x3b: {  	[bflag:$0x0] =	sbarrier.arrive $0xFFFF  }
0x3c: {  	[tilespmem:s29], [sflag:$0x1] =	stream.strided.gather [spmem:s6], $0x280, s31, s30, $0x38;
	[tilespmem:$0xA200] =	vst v63  }
0x3d: {  	_ =	swait.ge [sflag:s25], $0x280  }
0x3e: {  	[sflag:s25] =	ssyncset.done $0x0  }
0x3f: {  	[sflag:s25] =	ssyncadd.s32 $0xFFFFFD80  }
0x40: {  	[tilespmem:s1], [sflag:$0x1] =	stream.strided.gather [spmem:s8], $0x280, s31, s30, $0x38;
	[tilespmem:$0xA200] =	vst v63  }
0x41: {  	_ =	swait.ge [sflag:s25], $0x280  }
0x42: {  	[sflag:s25] =	ssyncset.done $0x0  }
0x43: {  	s0 =	simm.s32 $0x0;
	[sflag:s25] =	ssyncadd.s32 $0xFFFFFD80  }
0x44: {  	s3 =	simm.s32 $0x40;
	v1 =	vld [tilespmem:s0+$0x7780]  }
.LBB2_6:
0x45: {  	p0 =	sne.s32 s3, $0x9C0;
	v2 =	vld [tilespmem:s0+$0x4F80];
	_ =	sdelay $0x2  }
.Ltmp2:
0x46: {  	(pc) =	sbr.rel @p0 .LBB2_6-.Ltmp2, $4  }
0x47: {  	_ = 	snop  }
0x48: {  	v2 =	vadd.f32 v1, v2  }
0x49: {  	s4 =	sshra.s32 s3, $0x2  }
0x4a: {  	s3 =	sadd.s32 $0x40, s3;
	v1 =	vld [tilespmem:s4+$0x7780];
	[tilespmem:s0+$0x4F80] =	vst v2;
	s0 =	smov.u32 s4  }
0x4b: {  	v2 =	vld [tilespmem:s0+$0x4F80];
	_ =	sdelay $0x4  }
0x4c: {  	v1 =	vadd.f32 v1, v2;
	_ =	sdelay $0x1  }
0x4d: {  	[tilespmem:s0+$0x4F80] =	vst v1  }
0x4e: {  	[tilespmem:s1], [sflag:$0x1] =	stream.strided.gather [spmem:s9], $0x280, s31, s30, $0x38;
	[tilespmem:$0xA200] =	vst v63  }
0x4f: {  	_ =	swait.ge [sflag:s25], $0x280  }
0x50: {  	[sflag:s25] =	ssyncset.done $0x0  }
0x51: {  	s0 =	simm.s32 $0x0;
	[sflag:s25] =	ssyncadd.s32 $0xFFFFFD80  }
0x52: {  	s3 =	simm.s32 $0x40;
	v1 =	vld [tilespmem:s0+$0x7780]  }
.LBB2_8:
0x53: {  	p0 =	sne.s32 s3, $0x9C0;
	v2 =	vld [tilespmem:s0+$0x4F80];
	_ =	sdelay $0x2  }
.Ltmp3:
0x54: {  	(pc) =	sbr.rel @p0 .LBB2_8-.Ltmp3, $4  }
0x55: {  	_ = 	snop  }
0x56: {  	v2 =	vadd.f32 v1, v2  }
0x57: {  	s4 =	sshra.s32 s3, $0x2  }
0x58: {  	s3 =	sadd.s32 $0x40, s3;
	v1 =	vld [tilespmem:s4+$0x7780];
	[tilespmem:s0+$0x4F80] =	vst v2;
	s0 =	smov.u32 s4  }
0x59: {  	v2 =	vld [tilespmem:s0+$0x4F80];
	_ =	sdelay $0x4  }
0x5a: {  	v1 =	vadd.f32 v1, v2;
	_ =	sdelay $0x1  }
0x5b: {  	[tilespmem:s0+$0x4F80] =	vst v1  }
0x5c: {  	[tilespmem:s1], [sflag:$0x1] =	stream.strided.gather [spmem:s10], $0x280, s31, s30, $0x38;
	[tilespmem:$0xA200] =	vst v63  }
0x5d: {  	_ =	swait.ge [sflag:s25], $0x280  }
0x5e: {  	[sflag:s25] =	ssyncset.done $0x0  }
0x5f: {  	s0 =	simm.s32 $0x0;
	[sflag:s25] =	ssyncadd.s32 $0xFFFFFD80  }
0x60: {  	s3 =	simm.s32 $0x40;
	v1 =	vld [tilespmem:s0+$0x7780]  }
.LBB2_10:
0x61: {  	p0 =	sne.s32 s3, $0x9C0;
	v2 =	vld [tilespmem:s0+$0x4F80];
	_ =	sdelay $0x2  }
.Ltmp4:
0x62: {  	(pc) =	sbr.rel @p0 .LBB2_10-.Ltmp4, $4  }
0x63: {  	_ = 	snop  }
0x64: {  	v2 =	vadd.f32 v1, v2  }
0x65: {  	s4 =	sshra.s32 s3, $0x2  }
0x66: {  	s3 =	sadd.s32 $0x40, s3;
	v1 =	vld [tilespmem:s4+$0x7780];
	[tilespmem:s0+$0x4F80] =	vst v2;
	s0 =	smov.u32 s4  }
0x67: {  	v2 =	vld [tilespmem:s0+$0x4F80];
	_ =	sdelay $0x4  }
0x68: {  	v1 =	vadd.f32 v1, v2;
	_ =	sdelay $0x1  }
0x69: {  	[tilespmem:s0+$0x4F80] =	vst v1  }
0x6a: {  	[tilespmem:s1], [sflag:$0x1] =	stream.strided.gather [spmem:s11], $0x280, s31, s30, $0x38;
	[tilespmem:$0xA200] =	vst v63  }
0x6b: {  	_ =	swait.ge [sflag:s25], $0x280  }
0x6c: {  	[sflag:s25] =	ssyncset.done $0x0  }
0x6d: {  	s0 =	simm.s32 $0x0;
	[sflag:s25] =	ssyncadd.s32 $0xFFFFFD80  }
0x6e: {  	s3 =	simm.s32 $0x40;
	v1 =	vld [tilespmem:s0+$0x7780]  }
.LBB2_12:
0x6f: {  	p0 =	sne.s32 s3, $0x9C0;
	v2 =	vld [tilespmem:s0+$0x4F80];
	_ =	sdelay $0x2  }
.Ltmp5:
0x70: {  	(pc) =	sbr.rel @p0 .LBB2_12-.Ltmp5, $4  }
0x71: {  	_ = 	snop  }
0x72: {  	v2 =	vadd.f32 v1, v2  }
0x73: {  	s4 =	sshra.s32 s3, $0x2  }
0x74: {  	s3 =	sadd.s32 $0x40, s3;
	v1 =	vld [tilespmem:s4+$0x7780];
	[tilespmem:s0+$0x4F80] =	vst v2;
	s0 =	smov.u32 s4  }
0x75: {  	v2 =	vld [tilespmem:s0+$0x4F80];
	_ =	sdelay $0x4  }
0x76: {  	v1 =	vadd.f32 v1, v2;
	_ =	sdelay $0x1  }
0x77: {  	[tilespmem:s0+$0x4F80] =	vst v1  }
0x78: {  	[tilespmem:s1], [sflag:$0x1] =	stream.strided.gather [spmem:s12], $0x280, s31, s30, $0x38;
	[tilespmem:$0xA200] =	vst v63  }
0x79: {  	_ =	swait.ge [sflag:s25], $0x280  }
0x7a: {  	[sflag:s25] =	ssyncset.done $0x0  }
0x7b: {  	s0 =	simm.s32 $0x0;
	[sflag:s25] =	ssyncadd.s32 $0xFFFFFD80  }
0x7c: {  	s3 =	simm.s32 $0x40;
	v1 =	vld [tilespmem:s0+$0x7780]  }
.LBB2_14:
0x7d: {  	p0 =	sne.s32 s3, $0x9C0;
	v2 =	vld [tilespmem:s0+$0x4F80];
	_ =	sdelay $0x2  }
.Ltmp6:
0x7e: {  	(pc) =	sbr.rel @p0 .LBB2_14-.Ltmp6, $4  }
0x7f: {  	_ = 	snop  }
0x80: {  	v2 =	vadd.f32 v1, v2  }
0x81: {  	s4 =	sshra.s32 s3, $0x2  }
0x82: {  	s3 =	sadd.s32 $0x40, s3;
	v1 =	vld [tilespmem:s4+$0x7780];
	[tilespmem:s0+$0x4F80] =	vst v2;
	s0 =	smov.u32 s4  }
0x83: {  	v2 =	vld [tilespmem:s0+$0x4F80];
	_ =	sdelay $0x4  }
0x84: {  	v1 =	vadd.f32 v1, v2;
	_ =	sdelay $0x1  }
0x85: {  	[tilespmem:s0+$0x4F80] =	vst v1  }
0x86: {  	[tilespmem:s1], [sflag:$0x1] =	stream.strided.gather [spmem:s13], $0x280, s31, s30, $0x38;
	[tilespmem:$0xA200] =	vst v63  }
0x87: {  	_ =	swait.ge [sflag:s25], $0x280  }
0x88: {  	[sflag:s25] =	ssyncset.done $0x0  }
0x89: {  	s0 =	simm.s32 $0x0;
	[sflag:s25] =	ssyncadd.s32 $0xFFFFFD80  }
0x8a: {  	s3 =	simm.s32 $0x40;
	v1 =	vld [tilespmem:s0+$0x7780]  }
.LBB2_16:
0x8b: {  	p0 =	sne.s32 s3, $0x9C0;
	v2 =	vld [tilespmem:s0+$0x4F80];
	_ =	sdelay $0x2  }
.Ltmp7:
0x8c: {  	(pc) =	sbr.rel @p0 .LBB2_16-.Ltmp7, $4  }
0x8d: {  	_ = 	snop  }
0x8e: {  	v2 =	vadd.f32 v1, v2  }
0x8f: {  	s4 =	sshra.s32 s3, $0x2  }
0x90: {  	s3 =	sadd.s32 $0x40, s3;
	v1 =	vld [tilespmem:s4+$0x7780];
	[tilespmem:s0+$0x4F80] =	vst v2;
	s0 =	smov.u32 s4  }
0x91: {  	v2 =	vld [tilespmem:s0+$0x4F80];
	_ =	sdelay $0x4  }
0x92: {  	v1 =	vadd.f32 v1, v2;
	_ =	sdelay $0x1  }
0x93: {  	[tilespmem:s0+$0x4F80] =	vst v1  }
0x94: {  	[tilespmem:s1], [sflag:$0x1] =	stream.strided.gather [spmem:s14], $0x280, s31, s30, $0x38;
	[tilespmem:$0xA200] =	vst v63  }
0x95: {  	_ =	swait.ge [sflag:s25], $0x280  }
0x96: {  	[sflag:s25] =	ssyncset.done $0x0  }
0x97: {  	s0 =	simm.s32 $0x0;
	[sflag:s25] =	ssyncadd.s32 $0xFFFFFD80  }
0x98: {  	s3 =	simm.s32 $0x40;
	v1 =	vld [tilespmem:s0+$0x7780]  }
.LBB2_18:
0x99: {  	p0 =	sne.s32 s3, $0x9C0;
	v2 =	vld [tilespmem:s0+$0x4F80];
	_ =	sdelay $0x2  }
.Ltmp8:
0x9a: {  	(pc) =	sbr.rel @p0 .LBB2_18-.Ltmp8, $4  }
0x9b: {  	_ = 	snop  }
0x9c: {  	v2 =	vadd.f32 v1, v2  }
0x9d: {  	s4 =	sshra.s32 s3, $0x2  }
0x9e: {  	s3 =	sadd.s32 $0x40, s3;
	v1 =	vld [tilespmem:s4+$0x7780];
	[tilespmem:s0+$0x4F80] =	vst v2;
	s0 =	smov.u32 s4  }
0x9f: {  	v2 =	vld [tilespmem:s0+$0x4F80];
	_ =	sdelay $0x4  }
0xa0: {  	v1 =	vadd.f32 v1, v2;
	_ =	sdelay $0x1  }
0xa1: {  	[tilespmem:s0+$0x4F80] =	vst v1  }
0xa2: {  	[tilespmem:s1], [sflag:$0x1] =	stream.strided.gather [spmem:s15], $0x280, s31, s30, $0x38;
	[tilespmem:$0xA200] =	vst v63  }
0xa3: {  	_ =	swait.ge [sflag:s25], $0x280  }
0xa4: {  	[sflag:s25] =	ssyncset.done $0x0  }
0xa5: {  	s0 =	simm.s32 $0x0;
	[sflag:s25] =	ssyncadd.s32 $0xFFFFFD80  }
0xa6: {  	s3 =	simm.s32 $0x40;
	v1 =	vld [tilespmem:s0+$0x7780]  }
.LBB2_20:
0xa7: {  	p0 =	sne.s32 s3, $0x9C0;
	v2 =	vld [tilespmem:s0+$0x4F80];
	_ =	sdelay $0x2  }
.Ltmp9:
0xa8: {  	(pc) =	sbr.rel @p0 .LBB2_20-.Ltmp9, $4  }
0xa9: {  	_ = 	snop  }
0xaa: {  	v2 =	vadd.f32 v1, v2  }
0xab: {  	s4 =	sshra.s32 s3, $0x2  }
0xac: {  	s3 =	sadd.s32 $0x40, s3;
	v1 =	vld [tilespmem:s4+$0x7780];
	[tilespmem:s0+$0x4F80] =	vst v2;
	s0 =	smov.u32 s4  }
0xad: {  	v2 =	vld [tilespmem:s0+$0x4F80];
	_ =	sdelay $0x4  }
0xae: {  	v1 =	vadd.f32 v1, v2;
	_ =	sdelay $0x1  }
0xaf: {  	[tilespmem:s0+$0x4F80] =	vst v1  }
0xb0: {  	[tilespmem:s1], [sflag:$0x1] =	stream.strided.gather [spmem:s16], $0x280, s31, s30, $0x38;
	[tilespmem:$0xA200] =	vst v63  }
0xb1: {  	_ =	swait.ge [sflag:s25], $0x280  }
0xb2: {  	[sflag:s25] =	ssyncset.done $0x0  }
0xb3: {  	s0 =	simm.s32 $0x0;
	[sflag:s25] =	ssyncadd.s32 $0xFFFFFD80  }
0xb4: {  	s3 =	simm.s32 $0x40;
	v1 =	vld [tilespmem:s0+$0x7780]  }
.LBB2_22:
0xb5: {  	p0 =	sne.s32 s3, $0x9C0;
	v2 =	vld [tilespmem:s0+$0x4F80];
	_ =	sdelay $0x2  }
.Ltmp10:
0xb6: {  	(pc) =	sbr.rel @p0 .LBB2_22-.Ltmp10, $4  }
0xb7: {  	_ = 	snop  }
0xb8: {  	v2 =	vadd.f32 v1, v2  }
0xb9: {  	s4 =	sshra.s32 s3, $0x2  }
0xba: {  	s3 =	sadd.s32 $0x40, s3;
	v1 =	vld [tilespmem:s4+$0x7780];
	[tilespmem:s0+$0x4F80] =	vst v2;
	s0 =	smov.u32 s4  }
0xbb: {  	v2 =	vld [tilespmem:s0+$0x4F80];
	_ =	sdelay $0x4  }
0xbc: {  	v1 =	vadd.f32 v1, v2;
	_ =	sdelay $0x1  }
0xbd: {  	[tilespmem:s0+$0x4F80] =	vst v1  }
0xbe: {  	[tilespmem:s1], [sflag:$0x1] =	stream.strided.gather [spmem:s17], $0x280, s31, s30, $0x38;
	[tilespmem:$0xA200] =	vst v63  }
0xbf: {  	_ =	swait.ge [sflag:s25], $0x280  }
0xc0: {  	[sflag:s25] =	ssyncset.done $0x0  }
0xc1: {  	s0 =	simm.s32 $0x0;
	[sflag:s25] =	ssyncadd.s32 $0xFFFFFD80  }
0xc2: {  	s3 =	simm.s32 $0x40;
	v1 =	vld [tilespmem:s0+$0x7780]  }
.LBB2_24:
0xc3: {  	p0 =	sne.s32 s3, $0x9C0;
	v2 =	vld [tilespmem:s0+$0x4F80];
	_ =	sdelay $0x2  }
.Ltmp11:
0xc4: {  	(pc) =	sbr.rel @p0 .LBB2_24-.Ltmp11, $4  }
0xc5: {  	_ = 	snop  }
0xc6: {  	v2 =	vadd.f32 v1, v2  }
0xc7: {  	s4 =	sshra.s32 s3, $0x2  }
0xc8: {  	s3 =	sadd.s32 $0x40, s3;
	v1 =	vld [tilespmem:s4+$0x7780];
	[tilespmem:s0+$0x4F80] =	vst v2;
	s0 =	smov.u32 s4  }
0xc9: {  	v2 =	vld [tilespmem:s0+$0x4F80];
	_ =	sdelay $0x4  }
0xca: {  	v1 =	vadd.f32 v1, v2;
	_ =	sdelay $0x1  }
0xcb: {  	[tilespmem:s0+$0x4F80] =	vst v1  }
0xcc: {  	[tilespmem:s1], [sflag:$0x1] =	stream.strided.gather [spmem:s18], $0x280, s31, s30, $0x38;
	[tilespmem:$0xA200] =	vst v63  }
0xcd: {  	_ =	swait.ge [sflag:s25], $0x280  }
0xce: {  	[sflag:s25] =	ssyncset.done $0x0  }
0xcf: {  	s0 =	simm.s32 $0x0;
	[sflag:s25] =	ssyncadd.s32 $0xFFFFFD80  }
0xd0: {  	s3 =	simm.s32 $0x40;
	v1 =	vld [tilespmem:s0+$0x7780]  }
.LBB2_26:
0xd1: {  	p0 =	sne.s32 s3, $0x9C0;
	v2 =	vld [tilespmem:s0+$0x4F80];
	_ =	sdelay $0x2  }
.Ltmp12:
0xd2: {  	(pc) =	sbr.rel @p0 .LBB2_26-.Ltmp12, $4  }
0xd3: {  	_ = 	snop  }
0xd4: {  	v2 =	vadd.f32 v1, v2  }
0xd5: {  	s4 =	sshra.s32 s3, $0x2  }
0xd6: {  	s3 =	sadd.s32 $0x40, s3;
	v1 =	vld [tilespmem:s4+$0x7780];
	[tilespmem:s0+$0x4F80] =	vst v2;
	s0 =	smov.u32 s4  }
0xd7: {  	v2 =	vld [tilespmem:s0+$0x4F80];
	_ =	sdelay $0x4  }
0xd8: {  	v1 =	vadd.f32 v1, v2;
	_ =	sdelay $0x1  }
0xd9: {  	[tilespmem:s0+$0x4F80] =	vst v1  }
0xda: {  	[tilespmem:s1], [sflag:$0x1] =	stream.strided.gather [spmem:s19], $0x280, s31, s30, $0x38;
	[tilespmem:$0xA200] =	vst v63  }
0xdb: {  	_ =	swait.ge [sflag:s25], $0x280  }
0xdc: {  	[sflag:s25] =	ssyncset.done $0x0  }
0xdd: {  	s0 =	simm.s32 $0x0;
	[sflag:s25] =	ssyncadd.s32 $0xFFFFFD80  }
0xde: {  	s3 =	simm.s32 $0x40;
	v1 =	vld [tilespmem:s0+$0x7780]  }
.LBB2_28:
0xdf: {  	p0 =	sne.s32 s3, $0x9C0;
	v2 =	vld [tilespmem:s0+$0x4F80];
	_ =	sdelay $0x2  }
.Ltmp13:
0xe0: {  	(pc) =	sbr.rel @p0 .LBB2_28-.Ltmp13, $4  }
0xe1: {  	_ = 	snop  }
0xe2: {  	v2 =	vadd.f32 v1, v2  }
0xe3: {  	s4 =	sshra.s32 s3, $0x2  }
0xe4: {  	s3 =	sadd.s32 $0x40, s3;
	v1 =	vld [tilespmem:s4+$0x7780];
	[tilespmem:s0+$0x4F80] =	vst v2;
	s0 =	smov.u32 s4  }
0xe5: {  	v2 =	vld [tilespmem:s0+$0x4F80];
	_ =	sdelay $0x4  }
0xe6: {  	v1 =	vadd.f32 v1, v2;
	_ =	sdelay $0x1  }
0xe7: {  	[tilespmem:s0+$0x4F80] =	vst v1  }
0xe8: {  	[tilespmem:s1], [sflag:$0x1] =	stream.strided.gather [spmem:s20], $0x280, s31, s30, $0x38;
	[tilespmem:$0xA200] =	vst v63  }
0xe9: {  	_ =	swait.ge [sflag:s25], $0x280  }
0xea: {  	[sflag:s25] =	ssyncset.done $0x0  }
0xeb: {  	s0 =	simm.s32 $0x0;
	[sflag:s25] =	ssyncadd.s32 $0xFFFFFD80  }
0xec: {  	s3 =	simm.s32 $0x40;
	v1 =	vld [tilespmem:s0+$0x7780]  }
.LBB2_30:
0xed: {  	p0 =	sne.s32 s3, $0x9C0;
	v2 =	vld [tilespmem:s0+$0x4F80];
	_ =	sdelay $0x2  }
.Ltmp14:
0xee: {  	(pc) =	sbr.rel @p0 .LBB2_30-.Ltmp14, $4  }
0xef: {  	_ = 	snop  }
0xf0: {  	v2 =	vadd.f32 v1, v2  }
0xf1: {  	s4 =	sshra.s32 s3, $0x2  }
0xf2: {  	s3 =	sadd.s32 $0x40, s3;
	v1 =	vld [tilespmem:s4+$0x7780];
	[tilespmem:s0+$0x4F80] =	vst v2;
	s0 =	smov.u32 s4  }
0xf3: {  	v2 =	vld [tilespmem:s0+$0x4F80];
	_ =	sdelay $0x4  }
0xf4: {  	v1 =	vadd.f32 v1, v2;
	_ =	sdelay $0x1  }
0xf5: {  	[tilespmem:s0+$0x4F80] =	vst v1  }
0xf6: {  	[tilespmem:s1], [sflag:$0x1] =	stream.strided.gather [spmem:s21], $0x280, s31, s30, $0x38;
	[tilespmem:$0xA200] =	vst v63  }
0xf7: {  	_ =	swait.ge [sflag:s25], $0x280  }
0xf8: {  	[sflag:s25] =	ssyncset.done $0x0  }
0xf9: {  	s0 =	simm.s32 $0x0;
	[sflag:s25] =	ssyncadd.s32 $0xFFFFFD80  }
0xfa: {  	s3 =	simm.s32 $0x40;
	v1 =	vld [tilespmem:s0+$0x7780]  }
.LBB2_32:
0xfb: {  	p0 =	sne.s32 s3, $0x9C0;
	v2 =	vld [tilespmem:s0+$0x4F80];
	_ =	sdelay $0x2  }
.Ltmp15:
0xfc: {  	(pc) =	sbr.rel @p0 .LBB2_32-.Ltmp15, $4  }
0xfd: {  	_ = 	snop  }
0xfe: {  	v2 =	vadd.f32 v1, v2  }
0xff: {  	s4 =	sshra.s32 s3, $0x2  }
0x100: {  	s3 =	sadd.s32 $0x40, s3;
	v1 =	vld [tilespmem:s4+$0x7780];
	[tilespmem:s0+$0x4F80] =	vst v2;
	s0 =	smov.u32 s4  }
0x101: {  	v2 =	vld [tilespmem:s0+$0x4F80];
	_ =	sdelay $0x4  }
0x102: {  	v1 =	vadd.f32 v1, v2;
	_ =	sdelay $0x1  }
0x103: {  	[tilespmem:s0+$0x4F80] =	vst v1  }
0x104: {  	[tilespmem:s1], [sflag:$0x1] =	stream.strided.gather [spmem:s22], $0x280, s31, s30, $0x38;
	[tilespmem:$0xA200] =	vst v63  }
0x105: {  	_ =	swait.ge [sflag:s25], $0x280  }
0x106: {  	[sflag:s25] =	ssyncset.done $0x0  }
0x107: {  	s0 =	simm.s32 $0x0;
	[sflag:s25] =	ssyncadd.s32 $0xFFFFFD80  }
0x108: {  	s3 =	simm.s32 $0x40;
	v1 =	vld [tilespmem:s0+$0x7780]  }
.LBB2_34:
0x109: {  	p0 =	sne.s32 s3, $0x9C0;
	v2 =	vld [tilespmem:s0+$0x4F80];
	_ =	sdelay $0x2  }
.Ltmp16:
0x10a: {  	(pc) =	sbr.rel @p0 .LBB2_34-.Ltmp16, $4  }
0x10b: {  	_ = 	snop  }
0x10c: {  	v2 =	vadd.f32 v1, v2  }
0x10d: {  	s4 =	sshra.s32 s3, $0x2  }
0x10e: {  	s3 =	sadd.s32 $0x40, s3;
	v1 =	vld [tilespmem:s4+$0x7780];
	[tilespmem:s0+$0x4F80] =	vst v2;
	s0 =	smov.u32 s4  }
0x10f: {  	v2 =	vld [tilespmem:s0+$0x4F80];
	_ =	sdelay $0x4  }
0x110: {  	s26 =	sadd.s32 $0x1, s26;
	v1 =	vadd.f32 v1, v2  }
0x111: {  	p0 =	sne.s32 s26, s24  }
.Ltmp17:
0x112: {  	s4 =	simm.s32 $0x100;
	[tilespmem:s0+$0x4F80] =	vst v1;
	(pc) =	sbr.rel @p0 .LBB2_1-.Ltmp17, $4  }
0x113: {  	[hbm4b:s23+s30] =	stream.strided.scatter [tilespmem:s29], [sflag:$0x1], $0x280, s4, s30, $0x38;
	[tilespmem:$0xA200] =	vst v63  }
0x114: {  	_ =	swait.ge [sflag:s25], $0x280  }
0x115: {  	[sflag:s25] =	ssyncset.done $0x0  }
0x116: {  	[sflag:s25] =	ssyncadd.s32 $0xFFFFFD80  }
0x117: {  	_ =	sfence.sel $0x180000  }
0x118: {  	[bflag:$0x0] =	sbarrier.arrive $0xFFFF  }
0x119: {  	_ =	strace $0x9000004A  }
0x11a: {  	s0 =	stileid.u32;
	[bflag:$0x2] =	sbarrier.arrive $0xFFFF  }
0x11b: {  	p0 =	sne.s32 s0, $0x0;
	s0 =	rddreg [dreg:$0x3]  }
0x11c: {  	s0 =	sadd.s32 @!p0 $0x100000, s0  }
0x11d: {  	[sflag:s0] =	ssyncadd.tile.s32 @!p0 $0x1;
	_ =	shalt  }
.Lfunc_end2:
_tile_overlayer_lowered:
.L_overlay_start_2:
0x11e: {  	(tag) =	ssettag $0x2  }
0x11f: {  	s0 =	rddreg [dreg:$0x0];
	s2 =	stileid.u32  }
0x120: {  	s1 =	rddreg [dreg:$0x1];
	p0 =	sne.s32 s2, $0x0  }
0x121: {  	s3 =	rddreg [dreg:$0x2];
	[bflag:$0x3] =	sbarrier.arrive $0xFFFF;
	s2 =	simm.s32 @!p0 $0x1C01  }
0x122: {  	[timem:s3], [sflag:s2] =	dma.local @!p0 [hbm:s0], s1  }
0x123: {  	s0 =	simm.s32 @!p0 $0x1  }
0x124: {  	_ =	swait.ge @!p0 [sflag:s0], s1  }
0x125: {  	s1 =	ssub.s32 @!p0 $0x0, s1;
	[sflag:s0] =	ssyncset.done @!p0 $0x0  }
0x126: {  	[sflag:s0] =	ssyncadd.s32 @!p0 s1  }
0x127: {  	[bflag:$0x3] =	sbarrier.arrive $0xFFFF  }
0x128: {  	_ =	shalt  }

// kernel: kernel.13.cloned.1.call-start
scs
__scs_entry_jumppad:
0x0: {  	(pc) =	sbr.rel $0x88, $3  }
0x1: {  	(tag) =	ssettag $0x0;
	lr =	simm.s32 $0x1  }
0x2: {  	[smem:$0x3F9C] =	sst lr;
	_ =	strace $0xD0000000  }
0x3: {  	_ = 	snop  }
0x4: {  	_ = 	snop  }
0x5: {  	_ = 	snop  }
0x6: {  	_ = 	snop  }
0x7: {  	_ = 	snop  }
__scs_overlays_trampoline_lowered:
0x8: {  	[smem:$0x3FAB] =	sst s0  }
0x9: {  	[smem:$0x3FAC] =	sst s1  }
0xa: {  	[smem:$0x3FAD] =	sst s2  }
0xb: {  	[smem:$0x3FAE] =	sst s3  }
0xc: {  	[smem:$0x3FAF] =	sst s4  }
0xd: {  	[smem:$0x3FB0] =	sst s5  }
0xe: {  	[smem:$0x3FB1] =	sst s6  }
0xf: {  	[smem:$0x3FB2] =	sst s7  }
0x10: {  	[smem:$0x3FB3] =	sst s8  }
0x11: {  	[smem:$0x3FB4] =	sst s9;
	s0 =	simm.s32 @!p0 $0x0  }
0x12: {  	s1 =	sld [smem:$0x3F9A];
	s0 =	simm.s32 @p0 $0x1  }
0x13: {  	[smem:$0x3FB5] =	sst s0;
	s0 =	simm.s32 @!p1 $0x0  }
0x14: {  	s2 =	sld [smem:$0x3F99];
	s0 =	simm.s32 @p1 $0x1  }
0x15: {  	[smem:$0x3FB6] =	sst s0;
	s0 =	simm.s32 @!p2 $0x0  }
0x16: {  	s3 =	sld [smem:$0x3FDB];
	s0 =	simm.s32 @p2 $0x1  }
0x17: {  	s4 =	simm.s32 $0x1BF5;
	[smem:$0x3FB8] =	sst s0  }
0x18: {  	s0 =	sld [smem:$0x3F9B];
	_ =	swait.ge [sflag:s4], $0x0  }
0x19: {  	s7 =	sld [smem:$0x3F9C]  }
0x1a: {  	s8 =	sadd.s32 $0xFFFFE003, lr  }
0x1b: {  	s9 =	sadd.s32 $0xFFFFFEF7, lr;
	s5 =	simm.s32 $0xFFFFFFFF;
	p2 =	slt.u32 s8, $0xFFFFF086  }
0x1c: {  	p1 =	slt.u32 s9, $0xF7A;
	s5 =	simm.s32 @!p2 $0x0  }
0x1d: {  	s5 =	simm.s32 @p1 $0x1;
	p0 =	seq.s32 s7, s2  }
0x1e: {  	s7 =	smul.u32 @!p0 $0xF7A, s2;
	p2 =	seq.s32 @!p0 s5, $0x0  }
0x1f: {  	s9 =	smul.u32 $0xF7A, s1;
	s8 =	simm.s32 @!p0 $0x1BF5;
	p2 =	por !p2, p0  }
0x20: {  	[sflag:s8] =	ssyncset.s32 @!p0 $0xFFFFF086;
	s6 =	sadd.s32 @!p0 s3, s7;
	s7 =	simm.s32 @!p0 $0x108  }
0x21: {  	s3 =	sadd.s32 s3, s9;
	s6 =	sadd.s32 @!p0 $0x88, s6;
	s7 =	simm.s32 @p2 $0x1082  }
0x22: {  	[simem:s7], [sflag:s8] =	dma.local @!p0 [hbm:s6], $0xF7A  }
0x23: {  	s9 =	sor.u32 $0xD0000000, s2;
	s6 =	simm.s32 $0x108;
	_ =	swait.ge @!p0 [sflag:s8], $0x0  }
0x24: {  	s3 =	sadd.s32 $0x88, s3;
	s6 =	simm.s32 @!p1 $0x1082;
	[sflag:s4] =	ssyncset.s32 $0xFFFFF086  }
0x25: {  	[simem:s6], [sflag:s4] =	dma.local [hbm:s3], $0xF7A  }
0x26: {  	[smem:$0x3F9C] =	sst s1;
	(tag) =	ssettag s2;
	_ =	strace s9  }
0x27: {  	s1 =	sld [smem:$0x3FAC]  }
0x28: {  	s2 =	sld [smem:$0x3FAD]  }
0x29: {  	s4 =	sld [smem:$0x3FAF]  }
0x2a: {  	p0 =	seq.s32 s5, $0x0;
	s5 =	sld [smem:$0x3FB0]  }
0x2b: {  	s6 =	sld [smem:$0x3FB1]  }
0x2c: {  	s7 =	sld [smem:$0x3FB2]  }
0x2d: {  	s3 =	simm.s32 $0x108;
	s8 =	sld [smem:$0x3FB3]  }
0x2e: {  	s3 =	simm.s32 @!p0 $0x1082;
	s9 =	sld [smem:$0x3FB4]  }
0x2f: {  	lr =	sadd.s32 s0, s3;
	s0 =	sld [smem:$0x3FAB]  }
0x30: {  	s3 =	sld [smem:$0x3FAE]  }
0x31: {  	[smem:$0x3FB7] =	sst s10  }
0x32: {  	s10 =	sld [smem:$0x3FB5];
	_ =	sdelay $0x3  }
0x33: {  	p0 =	seq.s32 s10, $0x1;
	s10 =	sld [smem:$0x3FB7];
	_ =	sdelay $0x3  }
0x34: {  	[smem:$0x3FB7] =	sst s10  }
0x35: {  	s10 =	sld [smem:$0x3FB6];
	_ =	sdelay $0x3  }
0x36: {  	p1 =	seq.s32 s10, $0x1;
	s10 =	sld [smem:$0x3FB7];
	_ =	sdelay $0x3  }
0x37: {  	[smem:$0x3FB7] =	sst s10  }
0x38: {  	s10 =	sld [smem:$0x3FB8]  }
0x39: {  	_ = 	snop;
	(pc) =	sbr.ind lr, $3  }
0x3a: {  	_ = 	snop  }
0x3b: {  	_ = 	snop  }
0x3c: {  	p2 =	seq.s32 s10, $0x1;
	s10 =	sld [smem:$0x3FB7]  }
0x3d: {  	_ =	shalt  }
0x3e: {  	_ =	shalt  }
0x3f: {  	_ =	shalt  }
0x40: {  	_ =	shalt  }
0x41: {  	_ =	shalt  }
0x42: {  	_ =	shalt  }
0x43: {  	_ =	shalt  }
0x44: {  	_ =	shalt  }
0x45: {  	_ =	shalt  }
0x46: {  	_ =	shalt  }
0x47: {  	_ =	shalt  }
0x48: {  	_ =	shalt  }
0x49: {  	_ =	shalt  }
0x4a: {  	_ =	shalt  }
0x4b: {  	_ =	shalt  }
0x4c: {  	_ =	shalt  }
0x4d: {  	_ =	shalt  }
0x4e: {  	_ =	shalt  }
0x4f: {  	_ =	shalt  }
0x50: {  	_ =	shalt  }
0x51: {  	_ =	shalt  }
0x52: {  	_ =	shalt  }
0x53: {  	_ =	shalt  }
0x54: {  	_ =	shalt  }
0x55: {  	_ =	shalt  }
0x56: {  	_ =	shalt  }
0x57: {  	_ =	shalt  }
0x58: {  	_ =	shalt  }
0x59: {  	_ =	shalt  }
0x5a: {  	_ =	shalt  }
0x5b: {  	_ =	shalt  }
0x5c: {  	_ =	shalt  }
0x5d: {  	_ =	shalt  }
0x5e: {  	_ =	shalt  }
0x5f: {  	_ =	shalt  }
0x60: {  	_ =	shalt  }
0x61: {  	_ =	shalt  }
0x62: {  	_ =	shalt  }
0x63: {  	_ =	shalt  }
0x64: {  	_ =	shalt  }
0x65: {  	_ =	shalt  }
0x66: {  	_ =	shalt  }
0x67: {  	_ =	shalt  }
0x68: {  	_ =	shalt  }
0x69: {  	_ =	shalt  }
0x6a: {  	_ =	shalt  }
0x6b: {  	_ =	shalt  }
0x6c: {  	_ =	shalt  }
0x6d: {  	_ =	shalt  }
0x6e: {  	_ =	shalt  }
0x6f: {  	_ =	shalt  }
0x70: {  	_ =	shalt  }
0x71: {  	_ =	shalt  }
0x72: {  	_ =	shalt  }
0x73: {  	_ =	shalt  }
0x74: {  	_ =	shalt  }
0x75: {  	_ =	shalt  }
0x76: {  	_ =	shalt  }
0x77: {  	_ =	shalt  }
0x78: {  	_ =	shalt  }
0x79: {  	_ =	shalt  }
0x7a: {  	_ =	shalt  }
0x7b: {  	_ =	shalt  }
0x7c: {  	_ =	shalt  }
0x7d: {  	_ =	shalt  }
0x7e: {  	_ =	shalt  }
0x7f: {  	_ =	shalt  }
0x80: {  	_ =	shalt  }
0x81: {  	_ =	shalt  }
0x82: {  	_ =	shalt  }
0x83: {  	_ =	shalt  }
0x84: {  	_ =	shalt  }
0x85: {  	_ =	shalt  }
0x86: {  	_ =	shalt  }
0x87: {  	_ =	shalt  }
.Lfunc_end0:
.L_simem_size_0:
called_computation.2_lowered:
.L_overlay_start_0:
0x88: {  	s2 =	sld [smem:$0x3FD9]  }
0x89: {  	s3 =	sld [smem:$0x3FFE];
	_ =	sdelay $0x1  }
0x8a: {  	s1 =	srdreg.scid  }
0x8b: {  	s0 =	sand.u32 $0x1, s1  }
0x8c: {  	s14 =	sshll.u32 s0, $0xA;
	s2 =	sadd.s32 s3, s2  }
0x8d: {  	s2 =	sadd.s32 s2, s14  }
0x8e: {  	[smem:$0x3FC3] =	sst s2  }
0x8f: {  	_ = 	snop  }
0x90: {  	s2 =	sld [smem:$0x3FD0];
	_ =	sdelay $0x2  }
0x91: {  	s4 =	simm.s32 $0xA;
	s5 =	simm.s32 $0x10;
	s15 =	sld [smem:$0x3FC9]  }
0x92: {  	[smem:s5], [sflag:s4] =	dma.local [hbm:s2], $0x1  }
0x93: {  	_ =	swait.eq [sflag:s4], $0x1  }
0x94: {  	[sflag:s4] =	ssyncset.done $0x0  }
0x95: {  	[sflag:s4] =	ssyncadd.s32 $0xFFFFFFFF  }
0x96: {  	s16 =	sld [smem:$0x10];
	(tm) =	ssettm $0x1  }
0x97: {  	s17 =	sld [smem:$0x3FFB];
	_ =	sdelay $0x3  }
0x98: {  	_ =	strace s17  }
0x99: {  	s4 =	sld [smem:$0x3FFC];
	_ =	sdelay $0x3  }
0x9a: {  	_ =	strace s4  }
0x9b: {  	s4 =	sld [smem:$0x3FFD];
	_ =	sdelay $0x3  }
0x9c: {  	_ =	strace s4  }
0x9d: {  	_ =	strace $0x8FFFFFFF  }
0x9e: {  	s18 =	sld [smem:$0x3FDB];
	_ =	sdelay $0x1  }
0x9f: {  	s19 =	simm.s32 $_scs_section_size  }
0xa0: {  	s6 =	simm.s32 $_size__tile_overlayer_lowered;
	s7 =	simm.s32 $_tile_overlayer_lowered  }
0xa1: {  	s22 =	simm.s32 $0x1BFF;
	s21 =	sshll.u32 s7, $0x1;
	s4 =	sadd.s32 s19, s18  }
0xa2: {  	s8 =	simm.s32 $0x0;
	s20 =	sshll.u32 s6, $0x1;
	s6 =	sadd.s32 s21, s4  }
0xa3: {  	[timem:s8], [sflag:s22] =	dma.local [hbm:s6], s20  }
0xa4: {  	_ =	swait.ge [sflag:s22], s20  }
0xa5: {  	s5 =	ssub.s32 $0x0, s20;
	[sflag:s22] =	ssyncset.done $0x0  }
0xa6: {  	[sflag:s22] =	ssyncadd.s32 s5;
	_ =	sdelay $0x1  }
0xa7: {  	s23 =	simm.s32 $0x1B8B  }
0xa8: {  	_ =	swait.ge [sflag:s23], $0x1  }
0xa9: {  	[sflag:s23] =	ssyncset.done $0x0  }
0xaa: {  	s25 =	simm.s32 $0x1B8E;
	s24 =	sld [smem:$0x3FFE];
	[sflag:s23] =	ssyncadd.s32 $0xFFFFFFFF  }
0xab: {  	s26 =	simm.s32 $execute0_lowered;
	[smem:$0x3FD2] =	sst s25  }
0xac: {  	s6 =	sshll.u32 s26, $0x1;
	_ =	strace $0x8000004C;
	[dreg:$0x1] =	wrdreg $0xFFFFFFFF  }
0xad: {  	s28 =	simm.s32 $_size_execute0_lowered;
	s4 =	sadd.s32 s4, s6;
	[dreg:$0x0] =	wrdreg $0x0  }
0xae: {  	s6 =	sshll.u32 s28, $0x1;
	[dreg:$0x2] =	wrdreg s4  }
0xaf: {  	[dreg:$0x3] =	wrdreg s6  }
0xb0: {  	[dreg:$0x4] =	wrdreg $0xC0  }
0xb1: {  	_ =	task [dreg:s8], $0x5FFFF  }
0xb2: {  	[dreg:$0x1] =	wrdreg $0xFFFFFFFF  }
0xb3: {  	[dreg:$0x0] =	wrdreg $0x60  }
0xb4: {  	[dreg:$0x2] =	wrdreg s15  }
0xb5: {  	[dreg:$0x3] =	wrdreg s16  }
0xb6: {  	[dreg:$0x4] =	wrdreg s24  }
0xb7: {  	[dreg:$0x5] =	wrdreg $0x9  }
0xb8: {  	_ =	task.clear_ibuf [dreg:s8], $0x6FFFF;
	_ =	strace $0x9000004C  }
0xb9: {  	s29 =	simm.s32 $0x9;
	_ =	strace $0x8000004E  }
0xba: {  	_ =	swait.ge [sflag:s29], $0x1  }
0xbb: {  	[sflag:s29] =	ssyncadd.s32 $0xFFFFFFFF  }
0xbc: {  	_ =	strace $0x9000004E  }
0xbd: {  	_ =	sfence  }
0xbe: {  	s30 =	sld [smem:$0x0];
	_ =	sdelay $0x2  }
0xbf: {  	s31 =	sshll.u32 s1, $0xD;
	s1 =	sshrl.u32 s1, $0x2  }
0xc0: {  	s3 =	sand.u32 $0x4000, s31;
	s1 =	sadd.s32 s1, s30  }
0xc1: {  	s0 =	sor.u32 s3, s0;
	s1 =	sshll.u32 s1, $0x11  }
0xc2: {  	s0 =	sor.u32 s1, s0  }
0xc3: {  	s0 =	sadd.s32 $0x8F2B, s0  }
0xc4: {  	[sflag:s0] =	ssyncadd.remote.s32 $0x1  }
0xc5: {  	_ =	sfence.sel $0xFFFF  }
0xc6: {  	[dreg:$0x0] =	wrdreg $0xFFFFFFFF;
	(pc) =	sbr.abs _section_cstart, $3  }
0xc7: {  	[dreg:$0x1] =	wrdreg $0xFFFFFFFF  }
0xc8: {  	_ =	task.clear_ibuf [dreg:s8], $0x2FFFF;
	_ =	strace $0x9FFFFFFF  }
0xc9: {  	(tm) =	ssettm $0x7FFFFFFF  }
tec
execute0_lowered:
.L_overlay_start_1:
0x0: {  	(tag) =	ssettag $0x1  }
0x1: {  	s1 =	rddreg [dreg:$0x0]  }
0x2: {  	s0 =	rddreg [dreg:$0x1];
	s2 =	srdreg.scid  }
0x3: {  	s3 =	stileid.u32;
	s4 =	rddreg [dreg:$0x2];
	s9 =	simm.s32 $0x100  }
0x4: {  	s10 =	simm.s32 $0x200;
	s16 =	simm.s32 $0x3200;
	s17 =	simm.s32 $0x3A00  }
0x5: {  	s18 =	simm.s32 $0x4200;
	s19 =	simm.s32 $0x4A00;
	s20 =	simm.s32 $0x5200  }
0x6: {  	s21 =	simm.s32 $0x5A00;
	s22 =	simm.s32 $0x6200;
	s23 =	simm.s32 $0x6A00  }
0x7: {  	s24 =	simm.s32 $0x7200;
	s25 =	simm.s32 $0x7A00;
	s26 =	simm.s32 $0x8200  }
0x8: {  	s28 =	simm.s32 $0x8A00;
	s29 =	simm.s32 $0x9200;
	s30 =	simm.s32 $0x9A00  }
0x9: {  	s2 =	sand.u32 $0x1, s2;
	s5 =	sshll.u32 s3, $0x1;
	s3 =	simm.s32 $0x0  }
0xa: {  	s31 =	simm.s32 $0x1;
	s5 =	sor.u32 s2, s5;
	[smem:$0x7FF] =	sst s3  }
0xb: {  	s2 =	ssub.s32 $0x2, s2;
	s6 =	smul.u32 $0x14, s5;
	_ =	strace $0x8000004D  }
0xc: {  	s7 =	smul.u32 $0x1400, s5;
	s8 =	sshrl.u32 s2, $0x1;
	s5 =	sshll.u32 s5, $0x5  }
0xd: {  	v2 =	vlaneseq.u32;
	s2 =	ssub.s32 s2, s8;
	s8 =	simm.s32 $0x2;
	s6 =	sadd.s32 s6, s4  }
0xe: {  	vm0 =	vmmov $0xffff;
	v1 =	vshrl.u32 v2, $0x3;
	s7 =	sadd.s32 s7, s4;
	s4 =	sadd.s32 s0, s5;
	s5 =	sadd.s32 $0xA00, s6  }
0xf: {  	v0 =	vand.u32 $0x7, v2;
	v2 =	vor.u32 $0x8, v2;
	v1 =	vmul.u32 $0x8, v1;
	s6 =	sadd.s32 $0xE00, s7;
	s7 =	smax.u32 s2, $0x1;
	s2 =	simm.s32 $0x0  }
.LBB2_1:
0x10: {  	[tilespmem:s3], [sflag:$0x2] =	stream.linear.gather [hbm4b:s4+s3], $0x100, $0x38;
	[tilespmem:$0xA200] =	vst v63  }
0x11: {  	_ =	swait.ge [sflag:s8], $0x100  }
0x12: {  	[sflag:s8] =	ssyncset.done $0x0  }
0x13: {  	[sflag:s8] =	ssyncadd.s32 $0xFFFFFF00  }
0x14: {  	[tilespmem:s9], [sflag:$0x2] =	stream.linear.gather [hbm4b:s5+s3], $0xA0, $0x38;
	[tilespmem:$0xA200] =	vst v63  }
0x15: {  	_ =	swait.ge [sflag:s8], $0xA0  }
0x16: {  	[sflag:s8] =	ssyncset.done $0x0  }
0x17: {  	[sflag:s8] =	ssyncadd.s32 $0xFFFFFF60  }
0x18: {  	v3 =	vld [tilespmem:$0x0];
	_ =	sdelay $0x4  }
0x19: {  	v4 =	vshll.u32 v3, $0x1  }
0x1a: {  	v3 =	vand.u32 $0x7, v3;
	v4 =	vand.u32 $0xFFFFFFF0, v4  }
0x1b: {  	v3 =	vor.u32 v3, v4  }
0x1c: {  	v4 =	vperm.xlane v3, v0;
	_ =	sdelay $0x1  }
0x1d: {  	v3 =	vperm.xlane v3, v2;
	v4 =	vadd.s32 v1, v4;
	_ =	sdelay $0x1  }
0x1e: {  	v3 =	vadd.s32 v1, v3;
	_ =	sdelay $0x2  }
0x1f: {  	[tilespmem:s10], [sflag:$0x1] =	stream.indirect_vreg.gather [hbm4b:s1+s3], $0x80, v4, vm0, $0xb8;
	[tilespmem:$0xA200] =	vst v63  }
0x20: {  	s0 =	simm.s32 $0xA00  }
0x21: {  	[tilespmem:s0], [sflag:$0x1] =	stream.indirect_vreg.gather [hbm4b:s1+s3], $0x80, v3, vm0, $0xb8;
	[tilespmem:$0xA200] =	vst v63  }
0x22: {  	v3 =	vld [tilespmem:$0x10];
	_ =	sdelay $0x4  }
0x23: {  	v4 =	vshll.u32 v3, $0x1  }
0x24: {  	v3 =	vand.u32 $0x7, v3;
	v4 =	vand.u32 $0xFFFFFFF0, v4  }
0x25: {  	v3 =	vor.u32 v3, v4  }
0x26: {  	v4 =	vperm.xlane v3, v0;
	_ =	sdelay $0x1  }
0x27: {  	v3 =	vperm.xlane v3, v2;
	v4 =	vadd.s32 v1, v4;
	_ =	sdelay $0x1  }
0x28: {  	v3 =	vadd.s32 v1, v3;
	_ =	sdelay $0x1  }
0x29: {  	s11 =	simm.s32 $0x1200  }
0x2a: {  	[tilespmem:s11], [sflag:$0x1] =	stream.indirect_vreg.gather [hbm4b:s1+s3], $0x80, v4, vm0, $0xb8;
	[tilespmem:$0xA200] =	vst v63  }
0x2b: {  	s12 =	simm.s32 $0x1A00  }
0x2c: {  	[tilespmem:s12], [sflag:$0x1] =	stream.indirect_vreg.gather [hbm4b:s1+s3], $0x80, v3, vm0, $0xb8;
	[tilespmem:$0xA200] =	vst v63  }
0x2d: {  	v3 =	vld [tilespmem:$0x20];
	_ =	sdelay $0x4  }
0x2e: {  	v4 =	vshll.u32 v3, $0x1  }
0x2f: {  	v3 =	vand.u32 $0x7, v3;
	v4 =	vand.u32 $0xFFFFFFF0, v4  }
0x30: {  	v3 =	vor.u32 v3, v4  }
0x31: {  	v4 =	vperm.xlane v3, v0;
	_ =	sdelay $0x1  }
0x32: {  	v3 =	vperm.xlane v3, v2;
	v4 =	vadd.s32 v1, v4;
	_ =	sdelay $0x1  }
0x33: {  	v3 =	vadd.s32 v1, v3;
	_ =	sdelay $0x1  }
0x34: {  	s13 =	simm.s32 $0x2200  }
0x35: {  	[tilespmem:s13], [sflag:$0x1] =	stream.indirect_vreg.gather [hbm4b:s1+s3], $0x80, v4, vm0, $0xb8;
	[tilespmem:$0xA200] =	vst v63  }
0x36: {  	s14 =	simm.s32 $0x2A00  }
0x37: {  	[tilespmem:s14], [sflag:$0x1] =	stream.indirect_vreg.gather [hbm4b:s1+s3], $0x80, v3, vm0, $0xb8;
	[tilespmem:$0xA200] =	vst v63  }
0x38: {  	v3 =	vld [tilespmem:$0x30];
	_ =	sdelay $0x4  }
0x39: {  	v4 =	vshll.u32 v3, $0x1  }
0x3a: {  	v3 =	vand.u32 $0x7, v3;
	v4 =	vand.u32 $0xFFFFFFF0, v4  }
0x3b: {  	v3 =	vor.u32 v3, v4  }
0x3c: {  	v4 =	vperm.xlane v3, v0;
	_ =	sdelay $0x1  }
0x3d: {  	v3 =	vperm.xlane v3, v2;
	v4 =	vadd.s32 v1, v4;
	_ =	sdelay $0x1  }
0x3e: {  	v3 =	vadd.s32 v1, v3;
	_ =	sdelay $0x2  }
0x3f: {  	[tilespmem:s16], [sflag:$0x1] =	stream.indirect_vreg.gather [hbm4b:s1+s3], $0x80, v4, vm0, $0xb8;
	[tilespmem:$0xA200] =	vst v63  }
0x40: {  	_ = 	snop  }
0x41: {  	[tilespmem:s17], [sflag:$0x1] =	stream.indirect_vreg.gather [hbm4b:s1+s3], $0x80, v3, vm0, $0xb8;
	[tilespmem:$0xA200] =	vst v63  }
0x42: {  	v3 =	vld [tilespmem:$0x40];
	_ =	sdelay $0x4  }
0x43: {  	v4 =	vshll.u32 v3, $0x1  }
0x44: {  	v3 =	vand.u32 $0x7, v3;
	v4 =	vand.u32 $0xFFFFFFF0, v4  }
0x45: {  	v3 =	vor.u32 v3, v4  }
0x46: {  	v4 =	vperm.xlane v3, v0;
	_ =	sdelay $0x1  }
0x47: {  	v3 =	vperm.xlane v3, v2;
	v4 =	vadd.s32 v1, v4;
	_ =	sdelay $0x1  }
0x48: {  	v3 =	vadd.s32 v1, v3;
	_ =	sdelay $0x2  }
0x49: {  	[tilespmem:s18], [sflag:$0x1] =	stream.indirect_vreg.gather [hbm4b:s1+s3], $0x80, v4, vm0, $0xb8;
	[tilespmem:$0xA200] =	vst v63  }
0x4a: {  	_ = 	snop  }
0x4b: {  	[tilespmem:s19], [sflag:$0x1] =	stream.indirect_vreg.gather [hbm4b:s1+s3], $0x80, v3, vm0, $0xb8;
	[tilespmem:$0xA200] =	vst v63  }
0x4c: {  	v3 =	vld [tilespmem:$0x80];
	_ =	sdelay $0x4  }
0x4d: {  	v4 =	vshll.u32 v3, $0x1  }
0x4e: {  	v3 =	vand.u32 $0x7, v3;
	v4 =	vand.u32 $0xFFFFFFF0, v4  }
0x4f: {  	v3 =	vor.u32 v3, v4  }
0x50: {  	v4 =	vperm.xlane v3, v0;
	_ =	sdelay $0x1  }
0x51: {  	v3 =	vperm.xlane v3, v2;
	v4 =	vadd.s32 v1, v4;
	_ =	sdelay $0x1  }
0x52: {  	v3 =	vadd.s32 v1, v3;
	_ =	sdelay $0x2  }
0x53: {  	[tilespmem:s20], [sflag:$0x1] =	stream.indirect_vreg.gather [hbm4b:s1+s3], $0x80, v4, vm0, $0xb8;
	[tilespmem:$0xA200] =	vst v63  }
0x54: {  	_ = 	snop  }
0x55: {  	[tilespmem:s21], [sflag:$0x1] =	stream.indirect_vreg.gather [hbm4b:s1+s3], $0x80, v3, vm0, $0xb8;
	[tilespmem:$0xA200] =	vst v63  }
0x56: {  	v3 =	vld [tilespmem:$0x90];
	_ =	sdelay $0x4  }
0x57: {  	v4 =	vshll.u32 v3, $0x1  }
0x58: {  	v3 =	vand.u32 $0x7, v3;
	v4 =	vand.u32 $0xFFFFFFF0, v4  }
0x59: {  	v3 =	vor.u32 v3, v4  }
0x5a: {  	v4 =	vperm.xlane v3, v0;
	_ =	sdelay $0x1  }
0x5b: {  	v3 =	vperm.xlane v3, v2;
	v4 =	vadd.s32 v1, v4;
	_ =	sdelay $0x1  }
0x5c: {  	v3 =	vadd.s32 v1, v3;
	_ =	sdelay $0x2  }
0x5d: {  	[tilespmem:s22], [sflag:$0x1] =	stream.indirect_vreg.gather [hbm4b:s1+s3], $0x80, v4, vm0, $0xb8;
	[tilespmem:$0xA200] =	vst v63  }
0x5e: {  	_ = 	snop  }
0x5f: {  	[tilespmem:s23], [sflag:$0x1] =	stream.indirect_vreg.gather [hbm4b:s1+s3], $0x80, v3, vm0, $0xb8;
	[tilespmem:$0xA200] =	vst v63  }
0x60: {  	v3 =	vld [tilespmem:$0xA0];
	_ =	sdelay $0x4  }
0x61: {  	v4 =	vshll.u32 v3, $0x1  }
0x62: {  	v3 =	vand.u32 $0x7, v3;
	v4 =	vand.u32 $0xFFFFFFF0, v4  }
0x63: {  	v3 =	vor.u32 v3, v4  }
0x64: {  	v4 =	vperm.xlane v3, v0;
	_ =	sdelay $0x1  }
0x65: {  	v3 =	vperm.xlane v3, v2;
	v4 =	vadd.s32 v1, v4;
	_ =	sdelay $0x1  }
0x66: {  	v3 =	vadd.s32 v1, v3;
	_ =	sdelay $0x2  }
0x67: {  	[tilespmem:s24], [sflag:$0x1] =	stream.indirect_vreg.gather [hbm4b:s1+s3], $0x80, v4, vm0, $0xb8;
	[tilespmem:$0xA200] =	vst v63  }
0x68: {  	_ = 	snop  }
0x69: {  	[tilespmem:s25], [sflag:$0x1] =	stream.indirect_vreg.gather [hbm4b:s1+s3], $0x80, v3, vm0, $0xb8;
	[tilespmem:$0xA200] =	vst v63  }
0x6a: {  	v3 =	vld [tilespmem:$0xB0];
	_ =	sdelay $0x4  }
0x6b: {  	v4 =	vshll.u32 v3, $0x1  }
0x6c: {  	v3 =	vand.u32 $0x7, v3;
	v4 =	vand.u32 $0xFFFFFFF0, v4  }
0x6d: {  	v3 =	vor.u32 v3, v4  }
0x6e: {  	v4 =	vperm.xlane v3, v0;
	_ =	sdelay $0x1  }
0x6f: {  	v3 =	vperm.xlane v3, v2;
	v4 =	vadd.s32 v1, v4;
	_ =	sdelay $0x1  }
0x70: {  	v3 =	vadd.s32 v1, v3;
	_ =	sdelay $0x2  }
0x71: {  	[tilespmem:s26], [sflag:$0x1] =	stream.indirect_vreg.gather [hbm4b:s1+s3], $0x80, v4, vm0, $0xb8;
	[tilespmem:$0xA200] =	vst v63  }
0x72: {  	_ = 	snop  }
0x73: {  	[tilespmem:s28], [sflag:$0x1] =	stream.indirect_vreg.gather [hbm4b:s1+s3], $0x80, v3, vm0, $0xb8;
	[tilespmem:$0xA200] =	vst v63  }
0x74: {  	v3 =	vld [tilespmem:$0xC0];
	_ =	sdelay $0x4  }
0x75: {  	v4 =	vshll.u32 v3, $0x1  }
0x76: {  	v3 =	vand.u32 $0x7, v3;
	v4 =	vand.u32 $0xFFFFFFF0, v4  }
0x77: {  	v3 =	vor.u32 v3, v4  }
0x78: {  	v4 =	vperm.xlane v3, v0;
	_ =	sdelay $0x1  }
0x79: {  	v3 =	vperm.xlane v3, v2;
	v4 =	vadd.s32 v1, v4;
	_ =	sdelay $0x1  }
0x7a: {  	v3 =	vadd.s32 v1, v3;
	_ =	sdelay $0x2  }
0x7b: {  	[tilespmem:s29], [sflag:$0x1] =	stream.indirect_vreg.gather [hbm4b:s1+s3], $0x80, v4, vm0, $0xb8;
	[tilespmem:$0xA200] =	vst v63  }
0x7c: {  	_ = 	snop  }
0x7d: {  	[tilespmem:s30], [sflag:$0x1] =	stream.indirect_vreg.gather [hbm4b:s1+s3], $0x80, v3, vm0, $0xb8;
	[tilespmem:$0xA200] =	vst v63  }
0x7e: {  	_ =	swait.ge [sflag:s31], $0x5000  }
0x7f: {  	[sflag:s31] =	ssyncset.done $0x0  }
0x80: {  	[sflag:s31] =	ssyncadd.s32 $0xFFFFB000  }
0x81: {  	_ =	swait.ge [sflag:s31], $0x5000  }
0x82: {  	s15 =	sand.u32 $0xF800, s3;
	s11 =	sand.u32 $0x380, s3;
	[sflag:s31] =	ssyncset.done $0x0  }
0x83: {  	s0 =	sor.u32 s11, s15;
	[sflag:s31] =	ssyncadd.s32 $0xFFFFB000  }
0x84: {  	v3 =	vmov s3;
	v5 =	vld [tilespmem:s0+$0x230]  }
0x85: {  	v7 =	vld [tilespmem:s0+$0x250]  }
0x86: {  	v6 =	vld [tilespmem:s0+$0x640]  }
0x87: {  	v4 =	vld [tilespmem:s0+$0x650]  }
0x88: {  	v8 =	vld [tilespmem:s0+$0x670]  }
0x89: {  	v3 =	vld.idx.msk [tilespmem:v3+s9+$0x0], $0xffff  }
0x8a: {  	v10 =	vld [tilespmem:s0+$0x240]  }
0x8b: {  	s11 =	simm.s32 $0x1;
	s12 =	simm.s32 $0x0;
	s13 =	simm.s32 $0x0;
	v9 =	vld [tilespmem:s0+$0x260]  }
.LBB2_2:
0x8c: {  	p0 =	sne.s32 s11, $0x9F;
	v11 =	vld [tilespmem:s0+$0x600];
	s12 =	sadd.s32 $0x80, s12;
	s13 =	sadd.s32 $0x100, s13  }
0x8d: {  	s14 =	smov.u32 s11;
	s11 =	sadd.s32 $0x1, s11;
	v12 =	vld [tilespmem:s0+$0x220]  }
0x8e: {  	v13 =	vld [tilespmem:s0+$0x660]  }
0x8f: {  	v7 =	vmul.f32 v7, v3;
	v10 =	vmul.f32 v10, v3;
	v14 =	vld [tilespmem:s0+$0x620]  }
0x90: {  	v8 =	vmul.f32 v8, v3;
	v9 =	vmul.f32 v9, v3;
	v15 =	vld [tilespmem:s0+$0x610]  }
0x91: {  	v5 =	vmul.f32 v5, v3;
	v6 =	vmul.f32 v6, v3;
	[tilespmem:s0+$0x240] =	vst v10;
	v10 =	vld [tilespmem:s0+$0x630]  }
0x92: {  	v16 =	vld [tilespmem:s0+$0x210];
	[tilespmem:s0+$0x260] =	vst v9  }
0x93: {  	[tilespmem:s0+$0x250] =	vst v7;
	v7 =	vld [tilespmem:s0+$0x270]  }
0x94: {  	v9 =	vld [tilespmem:s0+$0x200];
	[tilespmem:s0+$0x670] =	vst v8  }
0x95: {  	v4 =	vmul.f32 v4, v3;
	[tilespmem:s0+$0x230] =	vst v5;
	v5 =	vmul.f32 v13, v3  }
0x96: {  	v8 =	vmul.f32 v12, v3;
	v10 =	vmul.f32 v10, v3;
	[tilespmem:s0+$0x640] =	vst v6  }
0x97: {  	s15 =	sand.u32 $0x380, s12;
	v12 =	vmov s14;
	s14 =	sand.u32 $0xF800, s13;
	v6 =	vmul.f32 v11, v3;
	v11 =	vmul.f32 v14, v3;
	[tilespmem:s0+$0x650] =	vst v4  }
0x98: {  	s14 =	sor.u32 s15, s14;
	v14 =	vmul.f32 v15, v3;
	v13 =	vmul.f32 v7, v3;
	[tilespmem:s0+$0x660] =	vst v5  }
0x99: {  	v5 =	vld [tilespmem:s14+$0x230];
	v9 =	vmul.f32 v9, v3;
	v3 =	vmul.f32 v16, v3;
	[tilespmem:s0+$0x220] =	vst v8  }
0x9a: {  	v7 =	vld [tilespmem:s14+$0x250];
	[tilespmem:s0+$0x600] =	vst v6  }
0x9b: {  	v6 =	vld [tilespmem:s14+$0x640];
	[tilespmem:s0+$0x620] =	vst v11  }
0x9c: {  	[tilespmem:s0+$0x630] =	vst v10  }
0x9d: {  	v4 =	vld [tilespmem:s14+$0x650];
	[tilespmem:s0+$0x610] =	vst v14  }
0x9e: {  	[tilespmem:s0+$0x270] =	vst v13  }
.Ltmp0:
0x9f: {  	[tilespmem:s0+$0x210] =	vst v3;
	(pc) =	sbr.rel @p0 .LBB2_2-.Ltmp0, $4  }
0xa0: {  	v8 =	vld [tilespmem:s14+$0x670];
	[tilespmem:s0+$0x200] =	vst v9;
	s0 =	smov.u32 s14  }
0xa1: {  	v3 =	vld.idx.msk [tilespmem:v12+s9+$0x0], $0xffff  }
0xa2: {  	v10 =	vld [tilespmem:s0+$0x240]  }
0xa3: {  	v9 =	vld [tilespmem:s0+$0x260]  }
0xa4: {  	_ =	sdelay $0x1  }
0xa5: {  	v7 =	vmul.f32 v7, v3  }
0xa6: {  	v8 =	vmul.f32 v8, v3  }
0xa7: {  	v13 =	vld [tilespmem:s0+$0x660];
	v5 =	vmul.f32 v5, v3;
	[tilespmem:s0+$0x250] =	vst v7  }
0xa8: {  	v12 =	vld [tilespmem:s0+$0x220];
	v6 =	vmul.f32 v6, v3;
	[tilespmem:s0+$0x670] =	vst v8  }
0xa9: {  	v11 =	vld [tilespmem:s0+$0x600];
	v4 =	vmul.f32 v4, v3;
	[tilespmem:s0+$0x230] =	vst v5  }
0xaa: {  	v14 =	vld [tilespmem:s0+$0x620];
	v10 =	vmul.f32 v10, v3;
	[tilespmem:s0+$0x640] =	vst v6  }
0xab: {  	v56 =	vld [tilespmem:s0+$0x630];
	v9 =	vmul.f32 v9, v3;
	[tilespmem:s0+$0x650] =	vst v4  }
0xac: {  	v53 =	vld [tilespmem:s0+$0x610];
	[tilespmem:s0+$0x240] =	vst v10;
	v57 =	vmul.f32 v13, v3  }
0xad: {  	v58 =	vld [tilespmem:s0+$0x270];
	v12 =	vmul.f32 v12, v3;
	[tilespmem:s0+$0x260] =	vst v9  }
0xae: {  	v54 =	vld [tilespmem:s0+$0x210];
	v59 =	vmul.f32 v11, v3;
	[tilespmem:s0+$0x660] =	vst v57  }
0xaf: {  	v55 =	vld [tilespmem:s0+$0x200];
	v60 =	vmul.f32 v14, v3;
	[tilespmem:s0+$0x220] =	vst v12  }
0xb0: {  	v8 =	vmul.f32 v56, v3;
	[tilespmem:s0+$0x600] =	vst v59  }
0xb1: {  	v61 =	vmul.f32 v53, v3;
	[tilespmem:s0+$0x620] =	vst v60  }
0xb2: {  	v62 =	vmul.f32 v58, v3;
	[tilespmem:s0+$0x630] =	vst v8  }
0xb3: {  	v63 =	vmul.f32 v54, v3;
	[tilespmem:s0+$0x610] =	vst v61  }
0xb4: {  	s2 =	sadd.s32 $0x1, s2;
	v3 =	vmul.f32 v55, v3;
	[tilespmem:s0+$0x270] =	vst v62  }
0xb5: {  	p0 =	sne.s32 s2, s7;
	[tilespmem:s0+$0x210] =	vst v63  }
.Ltmp1:
0xb6: {  	[tilespmem:s0+$0x200] =	vst v3;
	(pc) =	sbr.rel @p0 .LBB2_1-.Ltmp1, $4  }
0xb7: {  	[hbm4b:s6+s3] =	stream.linear.scatter [tilespmem:s10], [sflag:$0x2], $0xA000, $0x38;
	[tilespmem:$0xA200] =	vst v63  }
0xb8: {  	_ =	swait.ge [sflag:s8], $0xA000  }
0xb9: {  	[sflag:s8] =	ssyncset.done $0x0  }
0xba: {  	[sflag:s8] =	ssyncadd.s32 $0xFFFF6000  }
0xbb: {  	_ =	sfence.sel $0x180000  }
0xbc: {  	[bflag:$0x0] =	sbarrier.arrive $0xFFFF  }
0xbd: {  	_ =	strace $0x9000004D  }
0xbe: {  	s0 =	stileid.u32;
	[bflag:$0x2] =	sbarrier.arrive $0xFFFF  }
0xbf: {  	p0 =	sne.s32 s0, $0x0;
	s0 =	rddreg [dreg:$0x3]  }
0xc0: {  	s0 =	sadd.s32 @!p0 $0x100000, s0  }
0xc1: {  	[sflag:s0] =	ssyncadd.tile.s32 @!p0 $0x1;
	_ =	shalt  }
.Lfunc_end2:
_tile_overlayer_lowered:
.L_overlay_start_2:
0xc2: {  	(tag) =	ssettag $0x2  }
0xc3: {  	s0 =	rddreg [dreg:$0x0];
	s2 =	stileid.u32  }
0xc4: {  	s1 =	rddreg [dreg:$0x1];
	p0 =	sne.s32 s2, $0x0  }
0xc5: {  	s3 =	rddreg [dreg:$0x2];
	[bflag:$0x3] =	sbarrier.arrive $0xFFFF;
	s2 =	simm.s32 @!p0 $0x1C02  }
0xc6: {  	[timem:s3], [sflag:s2] =	dma.local @!p0 [hbm:s0], s1  }
0xc7: {  	s0 =	simm.s32 @!p0 $0x2  }
0xc8: {  	_ =	swait.ge @!p0 [sflag:s0], s1  }
0xc9: {  	s1 =	ssub.s32 @!p0 $0x0, s1;
	[sflag:s0] =	ssyncset.done @!p0 $0x0  }
0xca: {  	[sflag:s0] =	ssyncadd.s32 @!p0 s1  }
0xcb: {  	[bflag:$0x3] =	sbarrier.arrive $0xFFFF  }
0xcc: {  	_ =	shalt  }

// kernel: kernel.7.cloned.1.call-start
scs
__scs_entry_jumppad:
0x0: {  	(pc) =	sbr.rel $0x88, $3  }
0x1: {  	(tag) =	ssettag $0x0;
	lr =	simm.s32 $0x1  }
0x2: {  	[smem:$0x3F9C] =	sst lr;
	_ =	strace $0xD0000000  }
0x3: {  	_ = 	snop  }
0x4: {  	_ = 	snop  }
0x5: {  	_ = 	snop  }
0x6: {  	_ = 	snop  }
0x7: {  	_ = 	snop  }
__scs_overlays_trampoline_lowered:
0x8: {  	[smem:$0x3FAB] =	sst s0  }
0x9: {  	[smem:$0x3FAC] =	sst s1  }
0xa: {  	[smem:$0x3FAD] =	sst s2  }
0xb: {  	[smem:$0x3FAE] =	sst s3  }
0xc: {  	[smem:$0x3FAF] =	sst s4  }
0xd: {  	[smem:$0x3FB0] =	sst s5  }
0xe: {  	[smem:$0x3FB1] =	sst s6  }
0xf: {  	[smem:$0x3FB2] =	sst s7  }
0x10: {  	[smem:$0x3FB3] =	sst s8  }
0x11: {  	[smem:$0x3FB4] =	sst s9;
	s0 =	simm.s32 @!p0 $0x0  }
0x12: {  	s1 =	sld [smem:$0x3F9A];
	s0 =	simm.s32 @p0 $0x1  }
0x13: {  	[smem:$0x3FB5] =	sst s0;
	s0 =	simm.s32 @!p1 $0x0  }
0x14: {  	s2 =	sld [smem:$0x3F99];
	s0 =	simm.s32 @p1 $0x1  }
0x15: {  	[smem:$0x3FB6] =	sst s0;
	s0 =	simm.s32 @!p2 $0x0  }
0x16: {  	s3 =	sld [smem:$0x3FDB];
	s0 =	simm.s32 @p2 $0x1  }
0x17: {  	s4 =	simm.s32 $0x1BF5;
	[smem:$0x3FB8] =	sst s0  }
0x18: {  	s0 =	sld [smem:$0x3F9B];
	_ =	swait.ge [sflag:s4], $0x0  }
0x19: {  	s7 =	sld [smem:$0x3F9C]  }
0x1a: {  	s8 =	sadd.s32 $0xFFFFE003, lr  }
0x1b: {  	s9 =	sadd.s32 $0xFFFFFEF7, lr;
	s5 =	simm.s32 $0xFFFFFFFF;
	p2 =	slt.u32 s8, $0xFFFFF086  }
0x1c: {  	p1 =	slt.u32 s9, $0xF7A;
	s5 =	simm.s32 @!p2 $0x0  }
0x1d: {  	s5 =	simm.s32 @p1 $0x1;
	p0 =	seq.s32 s7, s2  }
0x1e: {  	s7 =	smul.u32 @!p0 $0xF7A, s2;
	p2 =	seq.s32 @!p0 s5, $0x0  }
0x1f: {  	s9 =	smul.u32 $0xF7A, s1;
	s8 =	simm.s32 @!p0 $0x1BF5;
	p2 =	por !p2, p0  }
0x20: {  	[sflag:s8] =	ssyncset.s32 @!p0 $0xFFFFF086;
	s6 =	sadd.s32 @!p0 s3, s7;
	s7 =	simm.s32 @!p0 $0x108  }
0x21: {  	s3 =	sadd.s32 s3, s9;
	s6 =	sadd.s32 @!p0 $0x88, s6;
	s7 =	simm.s32 @p2 $0x1082  }
0x22: {  	[simem:s7], [sflag:s8] =	dma.local @!p0 [hbm:s6], $0xF7A  }
0x23: {  	s9 =	sor.u32 $0xD0000000, s2;
	s6 =	simm.s32 $0x108;
	_ =	swait.ge @!p0 [sflag:s8], $0x0  }
0x24: {  	s3 =	sadd.s32 $0x88, s3;
	s6 =	simm.s32 @!p1 $0x1082;
	[sflag:s4] =	ssyncset.s32 $0xFFFFF086  }
0x25: {  	[simem:s6], [sflag:s4] =	dma.local [hbm:s3], $0xF7A  }
0x26: {  	[smem:$0x3F9C] =	sst s1;
	(tag) =	ssettag s2;
	_ =	strace s9  }
0x27: {  	s1 =	sld [smem:$0x3FAC]  }
0x28: {  	s2 =	sld [smem:$0x3FAD]  }
0x29: {  	s4 =	sld [smem:$0x3FAF]  }
0x2a: {  	p0 =	seq.s32 s5, $0x0;
	s5 =	sld [smem:$0x3FB0]  }
0x2b: {  	s6 =	sld [smem:$0x3FB1]  }
0x2c: {  	s7 =	sld [smem:$0x3FB2]  }
0x2d: {  	s3 =	simm.s32 $0x108;
	s8 =	sld [smem:$0x3FB3]  }
0x2e: {  	s3 =	simm.s32 @!p0 $0x1082;
	s9 =	sld [smem:$0x3FB4]  }
0x2f: {  	lr =	sadd.s32 s0, s3;
	s0 =	sld [smem:$0x3FAB]  }
0x30: {  	s3 =	sld [smem:$0x3FAE]  }
0x31: {  	[smem:$0x3FB7] =	sst s10  }
0x32: {  	s10 =	sld [smem:$0x3FB5];
	_ =	sdelay $0x3  }
0x33: {  	p0 =	seq.s32 s10, $0x1;
	s10 =	sld [smem:$0x3FB7];
	_ =	sdelay $0x3  }
0x34: {  	[smem:$0x3FB7] =	sst s10  }
0x35: {  	s10 =	sld [smem:$0x3FB6];
	_ =	sdelay $0x3  }
0x36: {  	p1 =	seq.s32 s10, $0x1;
	s10 =	sld [smem:$0x3FB7];
	_ =	sdelay $0x3  }
0x37: {  	[smem:$0x3FB7] =	sst s10  }
0x38: {  	s10 =	sld [smem:$0x3FB8]  }
0x39: {  	_ = 	snop;
	(pc) =	sbr.ind lr, $3  }
0x3a: {  	_ = 	snop  }
0x3b: {  	_ = 	snop  }
0x3c: {  	p2 =	seq.s32 s10, $0x1;
	s10 =	sld [smem:$0x3FB7]  }
0x3d: {  	_ =	shalt  }
0x3e: {  	_ =	shalt  }
0x3f: {  	_ =	shalt  }
0x40: {  	_ =	shalt  }
0x41: {  	_ =	shalt  }
0x42: {  	_ =	shalt  }
0x43: {  	_ =	shalt  }
0x44: {  	_ =	shalt  }
0x45: {  	_ =	shalt  }
0x46: {  	_ =	shalt  }
0x47: {  	_ =	shalt  }
0x48: {  	_ =	shalt  }
0x49: {  	_ =	shalt  }
0x4a: {  	_ =	shalt  }
0x4b: {  	_ =	shalt  }
0x4c: {  	_ =	shalt  }
0x4d: {  	_ =	shalt  }
0x4e: {  	_ =	shalt  }
0x4f: {  	_ =	shalt  }
0x50: {  	_ =	shalt  }
0x51: {  	_ =	shalt  }
0x52: {  	_ =	shalt  }
0x53: {  	_ =	shalt  }
0x54: {  	_ =	shalt  }
0x55: {  	_ =	shalt  }
0x56: {  	_ =	shalt  }
0x57: {  	_ =	shalt  }
0x58: {  	_ =	shalt  }
0x59: {  	_ =	shalt  }
0x5a: {  	_ =	shalt  }
0x5b: {  	_ =	shalt  }
0x5c: {  	_ =	shalt  }
0x5d: {  	_ =	shalt  }
0x5e: {  	_ =	shalt  }
0x5f: {  	_ =	shalt  }
0x60: {  	_ =	shalt  }
0x61: {  	_ =	shalt  }
0x62: {  	_ =	shalt  }
0x63: {  	_ =	shalt  }
0x64: {  	_ =	shalt  }
0x65: {  	_ =	shalt  }
0x66: {  	_ =	shalt  }
0x67: {  	_ =	shalt  }
0x68: {  	_ =	shalt  }
0x69: {  	_ =	shalt  }
0x6a: {  	_ =	shalt  }
0x6b: {  	_ =	shalt  }
0x6c: {  	_ =	shalt  }
0x6d: {  	_ =	shalt  }
0x6e: {  	_ =	shalt  }
0x6f: {  	_ =	shalt  }
0x70: {  	_ =	shalt  }
0x71: {  	_ =	shalt  }
0x72: {  	_ =	shalt  }
0x73: {  	_ =	shalt  }
0x74: {  	_ =	shalt  }
0x75: {  	_ =	shalt  }
0x76: {  	_ =	shalt  }
0x77: {  	_ =	shalt  }
0x78: {  	_ =	shalt  }
0x79: {  	_ =	shalt  }
0x7a: {  	_ =	shalt  }
0x7b: {  	_ =	shalt  }
0x7c: {  	_ =	shalt  }
0x7d: {  	_ =	shalt  }
0x7e: {  	_ =	shalt  }
0x7f: {  	_ =	shalt  }
0x80: {  	_ =	shalt  }
0x81: {  	_ =	shalt  }
0x82: {  	_ =	shalt  }
0x83: {  	_ =	shalt  }
0x84: {  	_ =	shalt  }
0x85: {  	_ =	shalt  }
0x86: {  	_ =	shalt  }
0x87: {  	_ =	shalt  }
.Lfunc_end0:
.L_simem_size_0:
called_computation_lowered:
.L_overlay_start_0:
0x88: {  	s2 =	sld [smem:$0x3FD9]  }
0x89: {  	s3 =	sld [smem:$0x3FFE];
	_ =	sdelay $0x1  }
0x8a: {  	s1 =	srdreg.scid  }
0x8b: {  	s0 =	sand.u32 $0x1, s1  }
0x8c: {  	s14 =	sshll.u32 s0, $0xA;
	s2 =	sadd.s32 s3, s2  }
0x8d: {  	s2 =	sadd.s32 s2, s14  }
0x8e: {  	[smem:$0x3FC3] =	sst s2  }
0x8f: {  	_ = 	snop  }
0x90: {  	s2 =	sld [smem:$0x3FD0];
	_ =	sdelay $0x2  }
0x91: {  	s15 =	simm.s32 $0xA;
	s4 =	simm.s32 $0x10  }
0x92: {  	[smem:s4], [sflag:s15] =	dma.local [hbm:s2], $0x1  }
0x93: {  	_ =	swait.eq [sflag:s15], $0x1  }
0x94: {  	[sflag:s15] =	ssyncset.done $0x0  }
0x95: {  	[sflag:s15] =	ssyncadd.s32 $0xFFFFFFFF  }
0x96: {  	s16 =	sld [smem:$0x10];
	(tm) =	ssettm $0x1  }
0x97: {  	s17 =	sld [smem:$0x3FFB];
	_ =	sdelay $0x3  }
0x98: {  	_ =	strace s17  }
0x99: {  	s3 =	sld [smem:$0x3FFC];
	_ =	sdelay $0x3  }
0x9a: {  	_ =	strace s3  }
0x9b: {  	s3 =	sld [smem:$0x3FFD];
	_ =	sdelay $0x3  }
0x9c: {  	_ =	strace s3  }
0x9d: {  	_ =	strace $0x8FFFFFFF  }
0x9e: {  	s18 =	sld [smem:$0x3FDB];
	_ =	sdelay $0x1  }
0x9f: {  	s19 =	simm.s32 $_scs_section_size  }
0xa0: {  	s5 =	simm.s32 $_size__tile_overlayer_lowered;
	s6 =	simm.s32 $_tile_overlayer_lowered  }
0xa1: {  	s22 =	simm.s32 $0x1BFF;
	s21 =	sshll.u32 s6, $0x1;
	s3 =	sadd.s32 s19, s18  }
0xa2: {  	s7 =	simm.s32 $0x0;
	s20 =	sshll.u32 s5, $0x1;
	s5 =	sadd.s32 s21, s3  }
0xa3: {  	[timem:s7], [sflag:s22] =	dma.local [hbm:s5], s20  }
0xa4: {  	_ =	swait.ge [sflag:s22], s20  }
0xa5: {  	s4 =	ssub.s32 $0x0, s20;
	[sflag:s22] =	ssyncset.done $0x0  }
0xa6: {  	[sflag:s22] =	ssyncadd.s32 s4;
	_ =	sdelay $0x1  }
0xa7: {  	s23 =	simm.s32 $0x1B8B  }
0xa8: {  	_ =	swait.ge [sflag:s23], $0x1  }
0xa9: {  	[sflag:s23] =	ssyncset.done $0x0  }
0xaa: {  	s25 =	simm.s32 $0x1B8E;
	s24 =	sld [smem:$0x3FFE];
	[sflag:s23] =	ssyncadd.s32 $0xFFFFFFFF  }
0xab: {  	s26 =	simm.s32 $execute0_lowered;
	[smem:$0x3FD2] =	sst s25  }
0xac: {  	s5 =	sshll.u32 s26, $0x1;
	_ =	strace $0x80000046;
	[dreg:$0x1] =	wrdreg $0xFFFFFFFF  }
0xad: {  	s28 =	simm.s32 $_size_execute0_lowered;
	s3 =	sadd.s32 s3, s5;
	[dreg:$0x0] =	wrdreg $0x0  }
0xae: {  	s5 =	sshll.u32 s28, $0x1;
	[dreg:$0x2] =	wrdreg s3  }
0xaf: {  	[dreg:$0x3] =	wrdreg s5  }
0xb0: {  	[dreg:$0x4] =	wrdreg $0xC0  }
0xb1: {  	_ =	task [dreg:s7], $0x5FFFF  }
0xb2: {  	[dreg:$0x1] =	wrdreg $0xFFFFFFFF  }
0xb3: {  	[dreg:$0x0] =	wrdreg $0x60  }
0xb4: {  	[dreg:$0x2] =	wrdreg s24  }
0xb5: {  	[dreg:$0x3] =	wrdreg s16  }
0xb6: {  	[dreg:$0x4] =	wrdreg $0x7D000  }
0xb7: {  	[dreg:$0x5] =	wrdreg $0x9  }
0xb8: {  	_ =	task.clear_ibuf [dreg:s7], $0x6FFFF;
	_ =	strace $0x90000046  }
0xb9: {  	s29 =	simm.s32 $0x9;
	_ =	strace $0x80000048  }
0xba: {  	_ =	swait.ge [sflag:s29], $0x1  }
0xbb: {  	[sflag:s29] =	ssyncadd.s32 $0xFFFFFFFF  }
0xbc: {  	_ =	strace $0x90000048  }
0xbd: {  	_ =	sfence  }
0xbe: {  	s30 =	sld [smem:$0x0];
	_ =	sdelay $0x2  }
0xbf: {  	s31 =	sshll.u32 s1, $0xD;
	s1 =	sshrl.u32 s1, $0x2  }
0xc0: {  	s3 =	sand.u32 $0x4000, s31;
	s1 =	sadd.s32 s1, s30  }
0xc1: {  	s0 =	sor.u32 s3, s0;
	s1 =	sshll.u32 s1, $0x11  }
0xc2: {  	s0 =	sor.u32 s1, s0  }
0xc3: {  	s0 =	sadd.s32 $0x8F2B, s0  }
0xc4: {  	[sflag:s0] =	ssyncadd.remote.s32 $0x1  }
0xc5: {  	_ =	sfence.sel $0xFFFF  }
0xc6: {  	[dreg:$0x0] =	wrdreg $0xFFFFFFFF;
	(pc) =	sbr.abs _section_cstart, $3  }
0xc7: {  	[dreg:$0x1] =	wrdreg $0xFFFFFFFF  }
0xc8: {  	_ =	task.clear_ibuf [dreg:s7], $0x2FFFF;
	_ =	strace $0x9FFFFFFF  }
0xc9: {  	(tm) =	ssettm $0x7FFFFFFF  }
tec
execute0_lowered:
.L_overlay_start_1:
0x0: {  	(tag) =	ssettag $0x1  }
0x1: {  	s0 =	rddreg [dreg:$0x0]  }
0x2: {  	s1 =	rddreg [dreg:$0x1];
	s2 =	srdreg.scid  }
0x3: {  	s11 =	stileid.u32;
	s4 =	rddreg [dreg:$0x2]  }
0x4: {  	s28 =	simm.s32 $0x80;
	s29 =	simm.s32 $0x400;
	s30 =	simm.s32 $0x7800  }
0x5: {  	s3 =	sand.u32 $0x1, s2;
	s5 =	sshll.u32 s11, $0x1;
	s6 =	smul.u32 $0xA00, s11  }
0x6: {  	s2 =	simm.s32 $0x0;
	s9 =	sshrl.u32 s11, $0x3;
	s10 =	smul.u32 $0xA000, s11  }
0x7: {  	s25 =	sshll.u32 s11, $0x7;
	s5 =	sor.u32 s3, s5;
	[smem:$0x7FF] =	sst s2  }
0x8: {  	s8 =	sshll.u32 s3, $0x7;
	s3 =	ssub.s32 $0x2, s3;
	s22 =	smul.u32 $0xA0000, s9  }
0x9: {  	s5 =	smul.u32 $0x271, s5;
	_ =	strace $0x80000047;
	s6 =	sor.u32 s8, s6  }
0xa: {  	s24 =	sshrl.u32 s3, $0x1;
	s31 =	sshrl.u32 s10, $0x2;
	s6 =	sshrl.u32 s6, $0x3  }
0xb: {  	s23 =	ssub.s32 s3, s24;
	s26 =	sshrl.u32 s22, $0x2;
	s24 =	simm.s32 $0x1  }
0xc: {  	s7 =	sadd.s32 s5, s0;
	s0 =	sadd.s32 s6, s0;
	s6 =	sand.u32 $0x380, s25  }
0xd: {  	s5 =	sadd.s32 s1, s5;
	s23 =	smax.u32 s23, $0x1;
	s1 =	simm.s32 $0x0  }
0xe: {  	s3 =	sadd.s32 $0xA00, s7;
	s7 =	sadd.s32 s26, s4;
	s4 =	sadd.s32 s31, s4  }
0xf: {  	s22 =	sadd.s32 $0x5A00, s0;
	s26 =	simm.s32 $0x2800;
	s6 =	sadd.s32 s6, s7  }
0x10: {  	s7 =	sadd.s32 $0x80, s4;
	s8 =	sadd.s32 $0x100, s4;
	s9 =	sadd.s32 $0x180, s4  }
0x11: {  	s10 =	sadd.s32 $0x200, s4;
	s11 =	sadd.s32 $0x280, s4;
	s12 =	sadd.s32 $0x300, s4  }
0x12: {  	s13 =	sadd.s32 $0x380, s4;
	s14 =	sadd.s32 $0x28000, s4;
	s15 =	sadd.s32 $0x28080, s4  }
0x13: {  	s16 =	sadd.s32 $0x28100, s4;
	s17 =	sadd.s32 $0x28180, s4;
	s18 =	sadd.s32 $0x28200, s4  }
0x14: {  	v0 =	vimm.f32 $0.0e+00;
	v1 =	vimm.f32 $1.000000000e+00;
	vm0 =	vcmask $0x3F20;
	s19 =	sadd.s32 $0x28280, s4;
	s20 =	sadd.s32 $0x28300, s4;
	s21 =	sadd.s32 $0x28380, s4  }
.LBB2_1:
0x15: {  	[tilespmem:s2], [sflag:$0x1] =	stream.linear.gather [hbm4b:s3+s2], $0x1388, $0x38;
	[tilespmem:$0xCD00] =	vst v63  }
0x16: {  	_ =	swait.ge [sflag:s24], $0x1388  }
0x17: {  	[sflag:s24] =	ssyncset.done $0x0  }
0x18: {  	s0 =	simm.s32 $0x1400;
	[sflag:s24] =	ssyncadd.s32 $0xFFFFEC78  }
0x19: {  	[tilespmem:s0], [sflag:$0x1] =	stream.linear.gather [hbm4b:s5+s2], $0x1388, $0x38;
	[tilespmem:$0xCD00] =	vst v63  }
0x1a: {  	_ =	swait.ge [sflag:s24], $0x1388  }
0x1b: {  	[sflag:s24] =	ssyncset.done $0x0  }
0x1c: {  	s0 =	simm.s32 $0x0;
	[sflag:s24] =	ssyncadd.s32 $0xFFFFEC78  }
.LBB2_2:
0x1d: {  	p0 =	sne.s32 s0, $0x13FC0  }
.Ltmp0:
0x1e: {  	_ = 	snop;
	(pc) =	sbr.rel @p0 .LBB2_2-.Ltmp0, $3  }
0x1f: {  	_ =	sdelay $0x1  }
0x20: {  	s25 =	sshra.s32 s0, $0x2  }
0x21: {  	s0 =	sadd.s32 $0x40, s0;
	[tilespmem:s25+$0x2800] =	vst v0  }
0x22: {  	s25 =	simm.s32 $0x0;
	s0 =	simm.s32 $0x40  }
.LBB2_4:
0x23: {  	p0 =	sne.s32 s0, $0x4DC0;
	v2 =	vld [tilespmem:s25+$0x1400]  }
0x24: {  	v3 =	vld [tilespmem:s25+$0x0];
	_ =	sdelay $0x3  }
0x25: {  	v2 =	vadd.s32 $0x2800, v2  }
.Ltmp1:
0x26: {  	(pc) =	sbr.rel @p0 .LBB2_4-.Ltmp1, $3  }
0x27: {  	_ =	sdelay $0x1  }
0x28: {  	[tilespmem:v3+s26+$0x0] =	vst.idx.add.f32.msk $0xffff, v1  }
0x29: {  	s25 =	sshra.s32 s0, $0x2;
	s0 =	sadd.s32 $0x40, s0;
	[tilespmem:v2+s26+$0x0] =	vst.idx.add.f32.msk $0xffff, v1  }
0x2a: {  	v2 =	vld [tilespmem:s25+$0x1400]  }
0x2b: {  	v3 =	vld [tilespmem:s25+$0x0];
	_ =	sdelay $0x3  }
0x2c: {  	v2 =	vadd.s32 $0x2800, v2;
	_ =	sdelay $0x3  }
0x2d: {  	[tilespmem:v3+s26+$0x0] =	vst.idx.add.f32.msk $0xffff, v1  }
0x2e: {  	[tilespmem:v2+s26+$0x0] =	vst.idx.add.f32.msk $0xffff, v1  }
0x2f: {  	v2 =	vld [tilespmem:$0x2778]  }
0x30: {  	v3 =	vld [tilespmem:$0x1378];
	_ =	sdelay $0x3  }
0x31: {  	v2 =	vadd.s32 $0x2800, v2;
	_ =	sdelay $0x3  }
0x32: {  	[tilespmem:v3+s26+$0x0] =	vst.idx.add.f32.msk vm0, v1  }
0x33: {  	[tilespmem:v2+s26+$0x0] =	vst.idx.add.f32.msk vm0, v1  }
0x34: {  	[spmem:s6] =	stream.strided.scatter [tilespmem:s26], [sflag:$0x1], $0x5000, s29, s28, $0x38;
	[tilespmem:$0xCD00] =	vst v63  }
0x35: {  	_ =	swait.ge [sflag:s24], $0x5000  }
0x36: {  	[sflag:s24] =	ssyncset.done $0x0  }
0x37: {  	[sflag:s24] =	ssyncadd.s32 $0xFFFFB000  }
0x38: {  	[bflag:$0x0] =	sbarrier.arrive $0xFFFF  }
0x39: {  	[tilespmem:s26], [sflag:$0x1] =	stream.strided.gather [spmem:s4], $0x500, s29, s28, $0x38;
	[tilespmem:$0xCD00] =	vst v63  }
0x3a: {  	_ =	swait.ge [sflag:s24], $0x500  }
0x3b: {  	[sflag:s24] =	ssyncset.done $0x0  }
0x3c: {  	[sflag:s24] =	ssyncadd.s32 $0xFFFFFB00  }
0x3d: {  	[tilespmem:s30], [sflag:$0x1] =	stream.strided.gather [spmem:s7], $0x500, s29, s28, $0x38;
	[tilespmem:$0xCD00] =	vst v63  }
0x3e: {  	_ =	swait.ge [sflag:s24], $0x500  }
0x3f: {  	[sflag:s24] =	ssyncset.done $0x0  }
0x40: {  	s0 =	simm.s32 $0x0;
	[sflag:s24] =	ssyncadd.s32 $0xFFFFFB00  }
0x41: {  	s25 =	simm.s32 $0x40;
	v2 =	vld [tilespmem:s0+$0x7800]  }
.LBB2_6:
0x42: {  	p0 =	sne.s32 s25, $0x13C0;
	v3 =	vld [tilespmem:s0+$0x2800];
	_ =	sdelay $0x2  }
.Ltmp2:
0x43: {  	(pc) =	sbr.rel @p0 .LBB2_6-.Ltmp2, $4  }
0x44: {  	_ = 	snop  }
0x45: {  	v3 =	vadd.f32 v2, v3  }
0x46: {  	s31 =	sshra.s32 s25, $0x2  }
0x47: {  	s25 =	sadd.s32 $0x40, s25;
	v2 =	vld [tilespmem:s31+$0x7800];
	[tilespmem:s0+$0x2800] =	vst v3;
	s0 =	smov.u32 s31  }
0x48: {  	v3 =	vld [tilespmem:s0+$0x2800];
	_ =	sdelay $0x4  }
0x49: {  	v2 =	vadd.f32 v2, v3;
	_ =	sdelay $0x1  }
0x4a: {  	[tilespmem:s0+$0x2800] =	vst v2  }
0x4b: {  	[tilespmem:s30], [sflag:$0x1] =	stream.strided.gather [spmem:s8], $0x500, s29, s28, $0x38;
	[tilespmem:$0xCD00] =	vst v63  }
0x4c: {  	_ =	swait.ge [sflag:s24], $0x500  }
0x4d: {  	[sflag:s24] =	ssyncset.done $0x0  }
0x4e: {  	s0 =	simm.s32 $0x0;
	[sflag:s24] =	ssyncadd.s32 $0xFFFFFB00  }
0x4f: {  	s25 =	simm.s32 $0x40;
	v2 =	vld [tilespmem:s0+$0x7800]  }
.LBB2_8:
0x50: {  	p0 =	sne.s32 s25, $0x13C0;
	v3 =	vld [tilespmem:s0+$0x2800];
	_ =	sdelay $0x2  }
.Ltmp3:
0x51: {  	(pc) =	sbr.rel @p0 .LBB2_8-.Ltmp3, $4  }
0x52: {  	_ = 	snop  }
0x53: {  	v3 =	vadd.f32 v2, v3  }
0x54: {  	s31 =	sshra.s32 s25, $0x2  }
0x55: {  	s25 =	sadd.s32 $0x40, s25;
	v2 =	vld [tilespmem:s31+$0x7800];
	[tilespmem:s0+$0x2800] =	vst v3;
	s0 =	smov.u32 s31  }
0x56: {  	v3 =	vld [tilespmem:s0+$0x2800];
	_ =	sdelay $0x4  }
0x57: {  	v2 =	vadd.f32 v2, v3;
	_ =	sdelay $0x1  }
0x58: {  	[tilespmem:s0+$0x2800] =	vst v2  }
0x59: {  	[tilespmem:s30], [sflag:$0x1] =	stream.strided.gather [spmem:s9], $0x500, s29, s28, $0x38;
	[tilespmem:$0xCD00] =	vst v63  }
0x5a: {  	_ =	swait.ge [sflag:s24], $0x500  }
0x5b: {  	[sflag:s24] =	ssyncset.done $0x0  }
0x5c: {  	s0 =	simm.s32 $0x0;
	[sflag:s24] =	ssyncadd.s32 $0xFFFFFB00  }
0x5d: {  	s25 =	simm.s32 $0x40;
	v2 =	vld [tilespmem:s0+$0x7800]  }
.LBB2_10:
0x5e: {  	p0 =	sne.s32 s25, $0x13C0;
	v3 =	vld [tilespmem:s0+$0x2800];
	_ =	sdelay $0x2  }
.Ltmp4:
0x5f: {  	(pc) =	sbr.rel @p0 .LBB2_10-.Ltmp4, $4  }
0x60: {  	_ = 	snop  }
0x61: {  	v3 =	vadd.f32 v2, v3  }
0x62: {  	s31 =	sshra.s32 s25, $0x2  }
0x63: {  	s25 =	sadd.s32 $0x40, s25;
	v2 =	vld [tilespmem:s31+$0x7800];
	[tilespmem:s0+$0x2800] =	vst v3;
	s0 =	smov.u32 s31  }
0x64: {  	v3 =	vld [tilespmem:s0+$0x2800];
	_ =	sdelay $0x4  }
0x65: {  	v2 =	vadd.f32 v2, v3;
	_ =	sdelay $0x1  }
0x66: {  	[tilespmem:s0+$0x2800] =	vst v2  }
0x67: {  	[tilespmem:s30], [sflag:$0x1] =	stream.strided.gather [spmem:s10], $0x500, s29, s28, $0x38;
	[tilespmem:$0xCD00] =	vst v63  }
0x68: {  	_ =	swait.ge [sflag:s24], $0x500  }
0x69: {  	[sflag:s24] =	ssyncset.done $0x0  }
0x6a: {  	s0 =	simm.s32 $0x0;
	[sflag:s24] =	ssyncadd.s32 $0xFFFFFB00  }
0x6b: {  	s25 =	simm.s32 $0x40;
	v2 =	vld [tilespmem:s0+$0x7800]  }
.LBB2_12:
0x6c: {  	p0 =	sne.s32 s25, $0x13C0;
	v3 =	vld [tilespmem:s0+$0x2800];
	_ =	sdelay $0x2  }
.Ltmp5:
0x6d: {  	(pc) =	sbr.rel @p0 .LBB2_12-.Ltmp5, $4  }
0x6e: {  	_ = 	snop  }
0x6f: {  	v3 =	vadd.f32 v2, v3  }
0x70: {  	s31 =	sshra.s32 s25, $0x2  }
0x71: {  	s25 =	sadd.s32 $0x40, s25;
	v2 =	vld [tilespmem:s31+$0x7800];
	[tilespmem:s0+$0x2800] =	vst v3;
	s0 =	smov.u32 s31  }
0x72: {  	v3 =	vld [tilespmem:s0+$0x2800];
	_ =	sdelay $0x4  }
0x73: {  	v2 =	vadd.f32 v2, v3;
	_ =	sdelay $0x1  }
0x74: {  	[tilespmem:s0+$0x2800] =	vst v2  }
0x75: {  	[tilespmem:s30], [sflag:$0x1] =	stream.strided.gather [spmem:s11], $0x500, s29, s28, $0x38;
	[tilespmem:$0xCD00] =	vst v63  }
0x76: {  	_ =	swait.ge [sflag:s24], $0x500  }
0x77: {  	[sflag:s24] =	ssyncset.done $0x0  }
0x78: {  	s0 =	simm.s32 $0x0;
	[sflag:s24] =	ssyncadd.s32 $0xFFFFFB00  }
0x79: {  	s25 =	simm.s32 $0x40;
	v2 =	vld [tilespmem:s0+$0x7800]  }
.LBB2_14:
0x7a: {  	p0 =	sne.s32 s25, $0x13C0;
	v3 =	vld [tilespmem:s0+$0x2800];
	_ =	sdelay $0x2  }
.Ltmp6:
0x7b: {  	(pc) =	sbr.rel @p0 .LBB2_14-.Ltmp6, $4  }
0x7c: {  	_ = 	snop  }
0x7d: {  	v3 =	vadd.f32 v2, v3  }
0x7e: {  	s31 =	sshra.s32 s25, $0x2  }
0x7f: {  	s25 =	sadd.s32 $0x40, s25;
	v2 =	vld [tilespmem:s31+$0x7800];
	[tilespmem:s0+$0x2800] =	vst v3;
	s0 =	smov.u32 s31  }
0x80: {  	v3 =	vld [tilespmem:s0+$0x2800];
	_ =	sdelay $0x4  }
0x81: {  	v2 =	vadd.f32 v2, v3;
	_ =	sdelay $0x1  }
0x82: {  	[tilespmem:s0+$0x2800] =	vst v2  }
0x83: {  	[tilespmem:s30], [sflag:$0x1] =	stream.strided.gather [spmem:s12], $0x500, s29, s28, $0x38;
	[tilespmem:$0xCD00] =	vst v63  }
0x84: {  	_ =	swait.ge [sflag:s24], $0x500  }
0x85: {  	[sflag:s24] =	ssyncset.done $0x0  }
0x86: {  	s0 =	simm.s32 $0x0;
	[sflag:s24] =	ssyncadd.s32 $0xFFFFFB00  }
0x87: {  	s25 =	simm.s32 $0x40;
	v2 =	vld [tilespmem:s0+$0x7800]  }
.LBB2_16:
0x88: {  	p0 =	sne.s32 s25, $0x13C0;
	v3 =	vld [tilespmem:s0+$0x2800];
	_ =	sdelay $0x2  }
.Ltmp7:
0x89: {  	(pc) =	sbr.rel @p0 .LBB2_16-.Ltmp7, $4  }
0x8a: {  	_ = 	snop  }
0x8b: {  	v3 =	vadd.f32 v2, v3  }
0x8c: {  	s31 =	sshra.s32 s25, $0x2  }
0x8d: {  	s25 =	sadd.s32 $0x40, s25;
	v2 =	vld [tilespmem:s31+$0x7800];
	[tilespmem:s0+$0x2800] =	vst v3;
	s0 =	smov.u32 s31  }
0x8e: {  	v3 =	vld [tilespmem:s0+$0x2800];
	_ =	sdelay $0x4  }
0x8f: {  	v2 =	vadd.f32 v2, v3;
	_ =	sdelay $0x1  }
0x90: {  	[tilespmem:s0+$0x2800] =	vst v2  }
0x91: {  	[tilespmem:s30], [sflag:$0x1] =	stream.strided.gather [spmem:s13], $0x500, s29, s28, $0x38;
	[tilespmem:$0xCD00] =	vst v63  }
0x92: {  	_ =	swait.ge [sflag:s24], $0x500  }
0x93: {  	[sflag:s24] =	ssyncset.done $0x0  }
0x94: {  	s0 =	simm.s32 $0x0;
	[sflag:s24] =	ssyncadd.s32 $0xFFFFFB00  }
0x95: {  	s25 =	simm.s32 $0x40;
	v2 =	vld [tilespmem:s0+$0x7800]  }
.LBB2_18:
0x96: {  	p0 =	sne.s32 s25, $0x13C0;
	v3 =	vld [tilespmem:s0+$0x2800];
	_ =	sdelay $0x2  }
.Ltmp8:
0x97: {  	(pc) =	sbr.rel @p0 .LBB2_18-.Ltmp8, $4  }
0x98: {  	_ = 	snop  }
0x99: {  	v3 =	vadd.f32 v2, v3  }
0x9a: {  	s31 =	sshra.s32 s25, $0x2  }
0x9b: {  	s25 =	sadd.s32 $0x40, s25;
	v2 =	vld [tilespmem:s31+$0x7800];
	[tilespmem:s0+$0x2800] =	vst v3;
	s0 =	smov.u32 s31  }
0x9c: {  	v3 =	vld [tilespmem:s0+$0x2800];
	_ =	sdelay $0x4  }
0x9d: {  	v2 =	vadd.f32 v2, v3;
	_ =	sdelay $0x1  }
0x9e: {  	[tilespmem:s0+$0x2800] =	vst v2  }
0x9f: {  	[tilespmem:s30], [sflag:$0x1] =	stream.strided.gather [spmem:s14], $0x500, s29, s28, $0x38;
	[tilespmem:$0xCD00] =	vst v63  }
0xa0: {  	_ =	swait.ge [sflag:s24], $0x500  }
0xa1: {  	[sflag:s24] =	ssyncset.done $0x0  }
0xa2: {  	s0 =	simm.s32 $0x0;
	[sflag:s24] =	ssyncadd.s32 $0xFFFFFB00  }
0xa3: {  	s25 =	simm.s32 $0x40;
	v2 =	vld [tilespmem:s0+$0x7800]  }
.LBB2_20:
0xa4: {  	p0 =	sne.s32 s25, $0x13C0;
	v3 =	vld [tilespmem:s0+$0x2800];
	_ =	sdelay $0x2  }
.Ltmp9:
0xa5: {  	(pc) =	sbr.rel @p0 .LBB2_20-.Ltmp9, $4  }
0xa6: {  	_ = 	snop  }
0xa7: {  	v3 =	vadd.f32 v2, v3  }
0xa8: {  	s31 =	sshra.s32 s25, $0x2  }
0xa9: {  	s25 =	sadd.s32 $0x40, s25;
	v2 =	vld [tilespmem:s31+$0x7800];
	[tilespmem:s0+$0x2800] =	vst v3;
	s0 =	smov.u32 s31  }
0xaa: {  	v3 =	vld [tilespmem:s0+$0x2800];
	_ =	sdelay $0x4  }
0xab: {  	v2 =	vadd.f32 v2, v3;
	_ =	sdelay $0x1  }
0xac: {  	[tilespmem:s0+$0x2800] =	vst v2  }
0xad: {  	[tilespmem:s30], [sflag:$0x1] =	stream.strided.gather [spmem:s15], $0x500, s29, s28, $0x38;
	[tilespmem:$0xCD00] =	vst v63  }
0xae: {  	_ =	swait.ge [sflag:s24], $0x500  }
0xaf: {  	[sflag:s24] =	ssyncset.done $0x0  }
0xb0: {  	s0 =	simm.s32 $0x0;
	[sflag:s24] =	ssyncadd.s32 $0xFFFFFB00  }
0xb1: {  	s25 =	simm.s32 $0x40;
	v2 =	vld [tilespmem:s0+$0x7800]  }
.LBB2_22:
0xb2: {  	p0 =	sne.s32 s25, $0x13C0;
	v3 =	vld [tilespmem:s0+$0x2800];
	_ =	sdelay $0x2  }
.Ltmp10:
0xb3: {  	(pc) =	sbr.rel @p0 .LBB2_22-.Ltmp10, $4  }
0xb4: {  	_ = 	snop  }
0xb5: {  	v3 =	vadd.f32 v2, v3  }
0xb6: {  	s31 =	sshra.s32 s25, $0x2  }
0xb7: {  	s25 =	sadd.s32 $0x40, s25;
	v2 =	vld [tilespmem:s31+$0x7800];
	[tilespmem:s0+$0x2800] =	vst v3;
	s0 =	smov.u32 s31  }
0xb8: {  	v3 =	vld [tilespmem:s0+$0x2800];
	_ =	sdelay $0x4  }
0xb9: {  	v2 =	vadd.f32 v2, v3;
	_ =	sdelay $0x1  }
0xba: {  	[tilespmem:s0+$0x2800] =	vst v2  }
0xbb: {  	[tilespmem:s30], [sflag:$0x1] =	stream.strided.gather [spmem:s16], $0x500, s29, s28, $0x38;
	[tilespmem:$0xCD00] =	vst v63  }
0xbc: {  	_ =	swait.ge [sflag:s24], $0x500  }
0xbd: {  	[sflag:s24] =	ssyncset.done $0x0  }
0xbe: {  	s0 =	simm.s32 $0x0;
	[sflag:s24] =	ssyncadd.s32 $0xFFFFFB00  }
0xbf: {  	s25 =	simm.s32 $0x40;
	v2 =	vld [tilespmem:s0+$0x7800]  }
.LBB2_24:
0xc0: {  	p0 =	sne.s32 s25, $0x13C0;
	v3 =	vld [tilespmem:s0+$0x2800];
	_ =	sdelay $0x2  }
.Ltmp11:
0xc1: {  	(pc) =	sbr.rel @p0 .LBB2_24-.Ltmp11, $4  }
0xc2: {  	_ = 	snop  }
0xc3: {  	v3 =	vadd.f32 v2, v3  }
0xc4: {  	s31 =	sshra.s32 s25, $0x2  }
0xc5: {  	s25 =	sadd.s32 $0x40, s25;
	v2 =	vld [tilespmem:s31+$0x7800];
	[tilespmem:s0+$0x2800] =	vst v3;
	s0 =	smov.u32 s31  }
0xc6: {  	v3 =	vld [tilespmem:s0+$0x2800];
	_ =	sdelay $0x4  }
0xc7: {  	v2 =	vadd.f32 v2, v3;
	_ =	sdelay $0x1  }
0xc8: {  	[tilespmem:s0+$0x2800] =	vst v2  }
0xc9: {  	[tilespmem:s30], [sflag:$0x1] =	stream.strided.gather [spmem:s17], $0x500, s29, s28, $0x38;
	[tilespmem:$0xCD00] =	vst v63  }
0xca: {  	_ =	swait.ge [sflag:s24], $0x500  }
0xcb: {  	[sflag:s24] =	ssyncset.done $0x0  }
0xcc: {  	s0 =	simm.s32 $0x0;
	[sflag:s24] =	ssyncadd.s32 $0xFFFFFB00  }
0xcd: {  	s25 =	simm.s32 $0x40;
	v2 =	vld [tilespmem:s0+$0x7800]  }
.LBB2_26:
0xce: {  	p0 =	sne.s32 s25, $0x13C0;
	v3 =	vld [tilespmem:s0+$0x2800];
	_ =	sdelay $0x2  }
.Ltmp12:
0xcf: {  	(pc) =	sbr.rel @p0 .LBB2_26-.Ltmp12, $4  }
0xd0: {  	_ = 	snop  }
0xd1: {  	v3 =	vadd.f32 v2, v3  }
0xd2: {  	s31 =	sshra.s32 s25, $0x2  }
0xd3: {  	s25 =	sadd.s32 $0x40, s25;
	v2 =	vld [tilespmem:s31+$0x7800];
	[tilespmem:s0+$0x2800] =	vst v3;
	s0 =	smov.u32 s31  }
0xd4: {  	v3 =	vld [tilespmem:s0+$0x2800];
	_ =	sdelay $0x4  }
0xd5: {  	v2 =	vadd.f32 v2, v3;
	_ =	sdelay $0x1  }
0xd6: {  	[tilespmem:s0+$0x2800] =	vst v2  }
0xd7: {  	[tilespmem:s30], [sflag:$0x1] =	stream.strided.gather [spmem:s18], $0x500, s29, s28, $0x38;
	[tilespmem:$0xCD00] =	vst v63  }
0xd8: {  	_ =	swait.ge [sflag:s24], $0x500  }
0xd9: {  	[sflag:s24] =	ssyncset.done $0x0  }
0xda: {  	s0 =	simm.s32 $0x0;
	[sflag:s24] =	ssyncadd.s32 $0xFFFFFB00  }
0xdb: {  	s25 =	simm.s32 $0x40;
	v2 =	vld [tilespmem:s0+$0x7800]  }
.LBB2_28:
0xdc: {  	p0 =	sne.s32 s25, $0x13C0;
	v3 =	vld [tilespmem:s0+$0x2800];
	_ =	sdelay $0x2  }
.Ltmp13:
0xdd: {  	(pc) =	sbr.rel @p0 .LBB2_28-.Ltmp13, $4  }
0xde: {  	_ = 	snop  }
0xdf: {  	v3 =	vadd.f32 v2, v3  }
0xe0: {  	s31 =	sshra.s32 s25, $0x2  }
0xe1: {  	s25 =	sadd.s32 $0x40, s25;
	v2 =	vld [tilespmem:s31+$0x7800];
	[tilespmem:s0+$0x2800] =	vst v3;
	s0 =	smov.u32 s31  }
0xe2: {  	v3 =	vld [tilespmem:s0+$0x2800];
	_ =	sdelay $0x4  }
0xe3: {  	v2 =	vadd.f32 v2, v3;
	_ =	sdelay $0x1  }
0xe4: {  	[tilespmem:s0+$0x2800] =	vst v2  }
0xe5: {  	[tilespmem:s30], [sflag:$0x1] =	stream.strided.gather [spmem:s19], $0x500, s29, s28, $0x38;
	[tilespmem:$0xCD00] =	vst v63  }
0xe6: {  	_ =	swait.ge [sflag:s24], $0x500  }
0xe7: {  	[sflag:s24] =	ssyncset.done $0x0  }
0xe8: {  	s0 =	simm.s32 $0x0;
	[sflag:s24] =	ssyncadd.s32 $0xFFFFFB00  }
0xe9: {  	s25 =	simm.s32 $0x40;
	v2 =	vld [tilespmem:s0+$0x7800]  }
.LBB2_30:
0xea: {  	p0 =	sne.s32 s25, $0x13C0;
	v3 =	vld [tilespmem:s0+$0x2800];
	_ =	sdelay $0x2  }
.Ltmp14:
0xeb: {  	(pc) =	sbr.rel @p0 .LBB2_30-.Ltmp14, $4  }
0xec: {  	_ = 	snop  }
0xed: {  	v3 =	vadd.f32 v2, v3  }
0xee: {  	s31 =	sshra.s32 s25, $0x2  }
0xef: {  	s25 =	sadd.s32 $0x40, s25;
	v2 =	vld [tilespmem:s31+$0x7800];
	[tilespmem:s0+$0x2800] =	vst v3;
	s0 =	smov.u32 s31  }
0xf0: {  	v3 =	vld [tilespmem:s0+$0x2800];
	_ =	sdelay $0x4  }
0xf1: {  	v2 =	vadd.f32 v2, v3;
	_ =	sdelay $0x1  }
0xf2: {  	[tilespmem:s0+$0x2800] =	vst v2  }
0xf3: {  	[tilespmem:s30], [sflag:$0x1] =	stream.strided.gather [spmem:s20], $0x500, s29, s28, $0x38;
	[tilespmem:$0xCD00] =	vst v63  }
0xf4: {  	_ =	swait.ge [sflag:s24], $0x500  }
0xf5: {  	[sflag:s24] =	ssyncset.done $0x0  }
0xf6: {  	s0 =	simm.s32 $0x0;
	[sflag:s24] =	ssyncadd.s32 $0xFFFFFB00  }
0xf7: {  	s25 =	simm.s32 $0x40;
	v2 =	vld [tilespmem:s0+$0x7800]  }
.LBB2_32:
0xf8: {  	p0 =	sne.s32 s25, $0x13C0;
	v3 =	vld [tilespmem:s0+$0x2800];
	_ =	sdelay $0x2  }
.Ltmp15:
0xf9: {  	(pc) =	sbr.rel @p0 .LBB2_32-.Ltmp15, $4  }
0xfa: {  	_ = 	snop  }
0xfb: {  	v3 =	vadd.f32 v2, v3  }
0xfc: {  	s31 =	sshra.s32 s25, $0x2  }
0xfd: {  	s25 =	sadd.s32 $0x40, s25;
	v2 =	vld [tilespmem:s31+$0x7800];
	[tilespmem:s0+$0x2800] =	vst v3;
	s0 =	smov.u32 s31  }
0xfe: {  	v3 =	vld [tilespmem:s0+$0x2800];
	_ =	sdelay $0x4  }
0xff: {  	v2 =	vadd.f32 v2, v3;
	_ =	sdelay $0x1  }
0x100: {  	[tilespmem:s0+$0x2800] =	vst v2  }
0x101: {  	[tilespmem:s30], [sflag:$0x1] =	stream.strided.gather [spmem:s21], $0x500, s29, s28, $0x38;
	[tilespmem:$0xCD00] =	vst v63  }
0x102: {  	_ =	swait.ge [sflag:s24], $0x500  }
0x103: {  	[sflag:s24] =	ssyncset.done $0x0  }
0x104: {  	s0 =	simm.s32 $0x0;
	[sflag:s24] =	ssyncadd.s32 $0xFFFFFB00  }
0x105: {  	s25 =	simm.s32 $0x40;
	v2 =	vld [tilespmem:s0+$0x7800]  }
.LBB2_34:
0x106: {  	p0 =	sne.s32 s25, $0x13C0;
	v3 =	vld [tilespmem:s0+$0x2800];
	_ =	sdelay $0x2  }
.Ltmp16:
0x107: {  	(pc) =	sbr.rel @p0 .LBB2_34-.Ltmp16, $4  }
0x108: {  	_ = 	snop  }
0x109: {  	v3 =	vadd.f32 v2, v3  }
0x10a: {  	s31 =	sshra.s32 s25, $0x2  }
0x10b: {  	s25 =	sadd.s32 $0x40, s25;
	v2 =	vld [tilespmem:s31+$0x7800];
	[tilespmem:s0+$0x2800] =	vst v3;
	s0 =	smov.u32 s31  }
0x10c: {  	v3 =	vld [tilespmem:s0+$0x2800];
	_ =	sdelay $0x4  }
0x10d: {  	s1 =	sadd.s32 $0x1, s1;
	v2 =	vadd.f32 v2, v3  }
0x10e: {  	p0 =	sne.s32 s1, s23  }
.Ltmp17:
0x10f: {  	s31 =	simm.s32 $0x100;
	[tilespmem:s0+$0x2800] =	vst v2;
	(pc) =	sbr.rel @p0 .LBB2_1-.Ltmp17, $4  }
0x110: {  	[hbm4b:s22+s28] =	stream.strided.scatter [tilespmem:s26], [sflag:$0x1], $0x500, s31, s28, $0x38;
	[tilespmem:$0xCD00] =	vst v63  }
0x111: {  	_ =	swait.ge [sflag:s24], $0x500  }
0x112: {  	[sflag:s24] =	ssyncset.done $0x0  }
0x113: {  	[sflag:s24] =	ssyncadd.s32 $0xFFFFFB00  }
0x114: {  	_ =	sfence.sel $0x180000  }
0x115: {  	[bflag:$0x0] =	sbarrier.arrive $0xFFFF  }
0x116: {  	_ =	strace $0x90000047  }
0x117: {  	s0 =	stileid.u32;
	[bflag:$0x2] =	sbarrier.arrive $0xFFFF  }
0x118: {  	p0 =	sne.s32 s0, $0x0;
	s0 =	rddreg [dreg:$0x3]  }
0x119: {  	s0 =	sadd.s32 @!p0 $0x100000, s0  }
0x11a: {  	[sflag:s0] =	ssyncadd.tile.s32 @!p0 $0x1;
	_ =	shalt  }
.Lfunc_end2:
_tile_overlayer_lowered:
.L_overlay_start_2:
0x11b: {  	(tag) =	ssettag $0x2  }
0x11c: {  	s0 =	rddreg [dreg:$0x0];
	s2 =	stileid.u32  }
0x11d: {  	s1 =	rddreg [dreg:$0x1];
	p0 =	sne.s32 s2, $0x0  }
0x11e: {  	s3 =	rddreg [dreg:$0x2];
	[bflag:$0x3] =	sbarrier.arrive $0xFFFF;
	s2 =	simm.s32 @!p0 $0x1C01  }
0x11f: {  	[timem:s3], [sflag:s2] =	dma.local @!p0 [hbm:s0], s1  }
0x120: {  	s0 =	simm.s32 @!p0 $0x1  }
0x121: {  	_ =	swait.ge @!p0 [sflag:s0], s1  }
0x122: {  	s1 =	ssub.s32 @!p0 $0x0, s1;
	[sflag:s0] =	ssyncset.done @!p0 $0x0  }
0x123: {  	[sflag:s0] =	ssyncadd.s32 @!p0 s1  }
0x124: {  	[bflag:$0x3] =	sbarrier.arrive $0xFFFF  }
0x125: {  	_ =	shalt  }

</sc_bundles>
